<compile_context>
chip_gen: v7x
topology: tpu7x:2x2x1
jax: 0.10.2.dev20260603
libtpu: 0.0.44.dev20260713+nightly
codegen_flags: <defaults>
</compile_context>

<pallas_src>
import functools

import jax
import jax.numpy as jnp
from jax import lax
from jax.experimental import pallas as pl
from jax.experimental.pallas import tpu as pltpu
from jax.experimental.pallas import tpu_sc as plsc

_NC = 2
_NS = 16
_G = 32
_CW = 16


def _largest_divisor(n, cap):
    for c in range(cap, 0, -1):
        if n % c == 0 and c % 8 == 0:
            return c
    return None


def _sc_aggregate(y, src, dst):
    n, w = y.shape
    e = src.shape[0]
    nw = _NC * _NS
    assert e % nw == 0 and n % _NS == 0
    ept = e // nw
    ch = _largest_divisor(ept, 128)
    nchunk = ept // ch
    rows_pt = n // _NS
    nbuf = 3

    mesh = plsc.VectorSubcoreMesh(core_axis_name="c", subcore_axis_name="s")
    out_type = jax.ShapeDtypeStruct((_NC, _NS, rows_pt, w), jnp.float32)
    assert nchunk >= nbuf + 1
    scratch = (
        [pltpu.VMEM((ept,), jnp.int32),
         pltpu.VMEM((ept,), jnp.int32)]
        + [pltpu.VMEM((ch, w), jnp.float32) for _ in range(nbuf)]
        + [pltpu.VMEM_SHARED((n, w), jnp.float32)]
        + [pltpu.SemaphoreType.DMA for _ in range(nbuf)]
        + [pltpu.SemaphoreType.DMA,
           pltpu.SemaphoreType.DMA]
    )

    def body(y_hbm, src_hbm, dst_hbm, zer_hbm, acc_out, *rest):
        srcs_v, dsts_v = rest[:2]
        bufs = rest[2:2 + nbuf]
        acc_s = rest[2 + nbuf]
        semgs = rest[3 + nbuf:3 + 2 * nbuf]
        semi, semz = rest[3 + 2 * nbuf:5 + 2 * nbuf]
        cid = lax.axis_index("c")
        sid = lax.axis_index("s")
        wid = sid * _NC + cid

        ebase = wid * ept
        pltpu.async_copy(src_hbm.at[pl.ds(ebase, ept)], srcs_v, semi)
        pltpu.async_copy(dst_hbm.at[pl.ds(ebase, ept)], dsts_v, semi)

        r0 = sid * rows_pt
        zsrc = zer_hbm.at[sid]
        zdst = acc_s.at[pl.ds(r0, rows_pt)]
        pltpu.async_copy(zsrc, zdst, semz)
        pltpu.make_async_copy(zsrc, zdst, semz).wait()
        plsc.subcore_barrier()

        pltpu.make_async_copy(src_hbm.at[pl.ds(ebase, ept)], srcs_v,
                              semi).wait()
        pltpu.make_async_copy(dst_hbm.at[pl.ds(ebase, ept)], dsts_v,
                              semi).wait()

        def gath(j, buf, sem):
            pltpu.async_copy(y_hbm.at[srcs_v.at[pl.ds(j * ch, ch)]],
                             buf, sem)

        def gwait(j, buf, sem):
            pltpu.make_async_copy(y_hbm.at[srcs_v.at[pl.ds(j * ch, ch)]],
                                  buf, sem).wait()

        def scat(j, buf):
            pltpu.sync_copy(buf, acc_s.at[dsts_v.at[pl.ds(j * ch, ch)]],
                            add=True)

        for j in range(nbuf - 1):
            gath(j, bufs[j], semgs[j])

        def group(k, _):
            for i in range(nbuf):
                j = nbuf * k + i
                s2 = (i + nbuf - 1) % nbuf
                gwait(j, bufs[i], semgs[i])
                gath(j + nbuf - 1, bufs[s2], semgs[s2])
                scat(j, bufs[i])
            return 0

        ngrp = (nchunk - nbuf + 1) // nbuf
        lax.fori_loop(0, ngrp, group, 0)
        issued = nbuf * ngrp + nbuf - 2
        for j in range(nbuf * ngrp, nchunk):
            jg = j + nbuf - 1
            if jg < nchunk and jg > issued:
                gath(jg, bufs[jg % nbuf], semgs[jg % nbuf])
                issued = jg
            s = j % nbuf
            gwait(j, bufs[s], semgs[s])
            scat(j, bufs[s])
        plsc.subcore_barrier()

        pltpu.sync_copy(acc_s.at[pl.ds(r0, rows_pt)], acc_out.at[cid, sid])

    fn = pl.kernel(body, out_type=out_type, mesh=mesh, scratch_types=scratch)
    res = fn(y, src, dst, jnp.zeros((_NS, rows_pt, w), jnp.float32))
    return res.reshape(_NC, n, w)


def _sc_count(dst, n):
    e = dst.shape[0]
    nw = _NC * _NS
    assert e % nw == 0
    ept = e // nw
    ch = _largest_divisor(ept, 128)
    nchunk = ept // ch
    cpt = -(-n // (8 * _NS)) * 8
    ncpad = cpt * _NS
    zcn = -(-cpt // 16) * 16

    mesh = plsc.VectorSubcoreMesh(core_axis_name="c", subcore_axis_name="s")
    out_type = jax.ShapeDtypeStruct((_NC * ncpad,), jnp.float32)
    scratch = [
        pltpu.VMEM((ept,), jnp.int32),
        pltpu.VMEM((ch,), jnp.float32),
        pltpu.VMEM((zcn,), jnp.float32),
        pltpu.VMEM_SHARED((ncpad,), jnp.float32),
        pltpu.SemaphoreType.DMA,
    ]

    def body(dst_hbm, cnt_out, dsts_v, ones_v, zc_v, cnt_s, semi):
        cid = lax.axis_index("c")
        sid = lax.axis_index("s")
        wid = sid * _NC + cid
        ebase = wid * ept
        pltpu.async_copy(dst_hbm.at[pl.ds(ebase, ept)], dsts_v, semi)

        def fill16(ref, val):
            def go(j, _):
                ref[pl.ds(j * 16, 16)] = jnp.full((16,), val, jnp.float32)
                return 0
            lax.fori_loop(0, ref.shape[0] // 16, go, 0)

        fill16(ones_v, 1.0)
        fill16(zc_v, 0.0)
        pltpu.sync_copy(zc_v.at[pl.ds(0, cpt)],
                        cnt_s.at[pl.ds(sid * cpt, cpt)])
        pltpu.make_async_copy(dst_hbm.at[pl.ds(ebase, ept)], dsts_v,
                              semi).wait()
        plsc.subcore_barrier()

        def step(j, _):
            pltpu.sync_copy(ones_v,
                            cnt_s.at[dsts_v.at[pl.ds(j * ch, ch)]],
                            add=True)
            return 0

        lax.fori_loop(0, nchunk, step, 0)
        plsc.subcore_barrier()
        pltpu.sync_copy(cnt_s.at[pl.ds(sid * cpt, cpt)],
                        zc_v.at[pl.ds(0, cpt)])
        pltpu.sync_copy(zc_v.at[pl.ds(0, cpt)],
                        cnt_out.at[pl.ds(cid * ncpad + sid * cpt, cpt)])

    fn = pl.kernel(body, out_type=out_type, mesh=mesh, scratch_types=scratch)
    return fn(dst).reshape(_NC, ncpad)[:, :, None]


def _dot(a, b):
    return jnp.dot(a, b, preferred_element_type=jnp.float32)


def _mean_from_partials(p_ref, c_ref):
    psum = p_ref[0] + p_ref[1]
    cnt = jnp.maximum(c_ref[0] + c_ref[1], 1.0)
    return psum / cnt


def _tc_layer1(agg, cntp, x, W_l1, b_l1, W_r1, W_l2, b_l2, W_r2, interpret=False):
    n, d = x.shape
    k1 = W_l1.shape[1]
    k2 = W_l2.shape[1]
    R = 1000
    grid = (n // R,)

    def body(p_ref, c_ref, x_ref, wl1, bl1, wr1, wl2, bl2, wr2, y2_ref, s2_ref):
        mean = _mean_from_partials(p_ref, c_ref)
        h1 = jnp.maximum(
            _dot(mean, wl1[...]) + bl1[...] + _dot(x_ref[...], wr1[...]), 0.0)
        y2_ref[...] = _dot(h1, wl2[...])
        s2_ref[...] = _dot(h1, wr2[...]) + bl2[...]

    return pl.pallas_call(
        body,
        grid=grid,
        in_specs=[
            pl.BlockSpec((_NC, R, d), lambda i: (0, i, 0)),
            pl.BlockSpec((_NC, R, 1), lambda i: (0, i, 0)),
            pl.BlockSpec((R, d), lambda i: (i, 0)),
            pl.BlockSpec((d, k1), lambda i: (0, 0)),
            pl.BlockSpec((1, k1), lambda i: (0, 0)),
            pl.BlockSpec((d, k1), lambda i: (0, 0)),
            pl.BlockSpec((k1, k2), lambda i: (0, 0)),
            pl.BlockSpec((1, k2), lambda i: (0, 0)),
            pl.BlockSpec((k1, k2), lambda i: (0, 0)),
        ],
        out_specs=[
            pl.BlockSpec((R, k2), lambda i: (i, 0)),
            pl.BlockSpec((R, k2), lambda i: (i, 0)),
        ],
        out_shape=[
            jax.ShapeDtypeStruct((n, k2), jnp.float32),
            jax.ShapeDtypeStruct((n, k2), jnp.float32),
        ],
        interpret=interpret,
    )(agg, cntp, x, W_l1, b_l1.reshape(1, -1), W_r1, W_l2,
      b_l2.reshape(1, -1), W_r2)


def _tc_layer2(agg, cntp, s2, Wcat, bcat, interpret=False):
    n, d = s2.shape
    k2 = Wcat.shape[1]
    R = 1000
    grid = (n // R,)

    def body(p_ref, c_ref, s2_ref, wcat, bc, ycat_ref):
        mean = _mean_from_partials(p_ref, c_ref)
        h2 = jnp.maximum(mean + s2_ref[...], 0.0)
        ycat_ref[...] = _dot(h2, wcat[...]) + bc[...]

    return pl.pallas_call(
        body,
        grid=grid,
        in_specs=[
            pl.BlockSpec((_NC, R, d), lambda i: (0, i, 0)),
            pl.BlockSpec((_NC, R, 1), lambda i: (0, i, 0)),
            pl.BlockSpec((R, d), lambda i: (i, 0)),
            pl.BlockSpec((d, k2), lambda i: (0, 0)),
            pl.BlockSpec((1, k2), lambda i: (0, 0)),
        ],
        out_specs=pl.BlockSpec((R, k2), lambda i: (i, 0)),
        out_shape=jax.ShapeDtypeStruct((n, k2), jnp.float32),
        interpret=interpret,
    )(agg, cntp, s2, Wcat, bcat)


def _tc_layer3(agg, cntp, ycat, batch2d, W_lin, b_lin, interpret=False):
    n, dc = ycat.shape
    d = dc // 2
    out = W_lin.shape[1]
    R = 1000
    grid = (n // R,)
    last = grid[0] - 1

    def body(p_ref, c_ref, y_ref, b_ref, wlin, blin, out_ref, acc, accg):
        i = pl.program_id(0)

        @pl.when(i == 0)
        def _():
            acc[...] = jnp.zeros_like(acc)
            accg[...] = jnp.zeros_like(accg)

        psum = p_ref[0] + p_ref[1]
        cnt = jnp.maximum(c_ref[0] + c_ref[1], 1.0)
        mean = psum[:, :d] / cnt
        h3 = jnp.maximum(mean + y_ref[...][:, d:], 0.0)
        onehot = (b_ref[...] == lax.broadcasted_iota(jnp.int32, (R, _G), 1)
                  ).astype(jnp.float32)
        acc[...] += lax.dot_general(onehot, h3, (((0,), (0,)), ((), ())),
                                    preferred_element_type=jnp.float32)
        accg[...] += lax.dot_general(
            onehot, jnp.ones((R, 128), jnp.float32), (((0,), (0,)), ((), ())),
            preferred_element_type=jnp.float32)

        @pl.when(i == last)
        def _():
            pooled = acc[...] / jnp.maximum(accg[...][:, 0:1], 1.0)
            logits = _dot(pooled, wlin[...]) + blin[...]
            m = jnp.max(logits, axis=1, keepdims=True)
            lse = jnp.log(jnp.sum(jnp.exp(logits - m), axis=1, keepdims=True))
            out_ref[...] = logits - m - lse

    return pl.pallas_call(
        body,
        grid=grid,
        in_specs=[
            pl.BlockSpec((_NC, R, dc), lambda i: (0, i, 0)),
            pl.BlockSpec((_NC, R, 1), lambda i: (0, i, 0)),
            pl.BlockSpec((R, dc), lambda i: (i, 0)),
            pl.BlockSpec((R, 1), lambda i: (i, 0)),
            pl.BlockSpec((d, out), lambda i: (0, 0)),
            pl.BlockSpec((1, out), lambda i: (0, 0)),
        ],
        out_specs=pl.BlockSpec((_G, out), lambda i: (0, 0)),
        out_shape=jax.ShapeDtypeStruct((_G, out), jnp.float32),
        scratch_shapes=[
            pltpu.VMEM((_G, d), jnp.float32),
            pltpu.VMEM((_G, 128), jnp.float32),
        ],
        interpret=interpret,
    )(agg, cntp, ycat, batch2d, W_lin, b_lin.reshape(1, -1))


def kernel(x, edge_index, batch, W_l1, b_l1, W_r1, W_l2, b_l2, W_r2,
           W_l3, b_l3, W_r3, W_lin, b_lin):
    src = edge_index[0]
    dst = edge_index[1]
    cntp = _sc_count(dst, x.shape[0])
    agg1 = _sc_aggregate(x, src, dst)
    y2, s2 = _tc_layer1(agg1, cntp, x, W_l1, b_l1, W_r1, W_l2, b_l2, W_r2)
    agg2 = _sc_aggregate(y2, src, dst)
    Wcat = jnp.concatenate([W_l3, W_r3], axis=1)
    bcat = jnp.concatenate(
        [jnp.zeros_like(b_l3), b_l3]).reshape(1, -1)
    ycat = _tc_layer2(agg2, cntp, s2, Wcat, bcat)
    agg3 = _sc_aggregate(ycat, src, dst)
    return _tc_layer3(agg3, cntp, ycat, batch.reshape(-1, 1), W_lin, b_lin)

# --- scband reference (transcript-rebuilt; emitter-appended) ---
"""Pipeline reference for scband-gnn-40613210751535 (READ-ONLY COPY).

The authoritative reference and input builder live on the scoring server;
editing this copy changes nothing except your own understanding.
"""

import jax, jax.numpy as jnp
import numpy as np

N = 10000
E = 320000
D = 128
G = 32
OUT = 10


def _init_linear(key, fan_in, fan_out):
    k1, k2 = jax.random.split(key)
    scale = 1.0 / np.sqrt(fan_in)
    W = jax.random.uniform(k1, (fan_in, fan_out), dtype=jnp.float32, minval=-scale, maxval=scale)
    b = jax.random.uniform(k2, (fan_out,), dtype=jnp.float32, minval=-scale, maxval=scale)
    return W, b


def setup_inputs(seed: int = 0) -> dict:
    key = jax.random.key(seed)
    ks = jax.random.split(key, 10)
    x = jax.random.normal(ks[0], (N, D), dtype=jnp.float32)
    edge_index = jax.random.randint(ks[1], (2, E), 0, N, dtype=jnp.int32)
    batch = jnp.sort(jax.random.randint(ks[2], (N,), 0, G, dtype=jnp.int32))
    W_l1, b_l1 = _init_linear(ks[3], D, 256)
    W_r1, _ = _init_linear(ks[4], D, 256)
    W_l2, b_l2 = _init_linear(ks[5], 256, 128)
    W_r2, _ = _init_linear(ks[6], 256, 128)
    W_l3, b_l3 = _init_linear(ks[7], 128, 64)
    W_r3, _ = _init_linear(ks[8], 128, 64)
    W_lin, b_lin = _init_linear(ks[9], 64, OUT)
    return {"x": x, "edge_index": edge_index, "batch": batch,
            "W_l1": W_l1, "b_l1": b_l1, "W_r1": W_r1,
            "W_l2": W_l2, "b_l2": b_l2, "W_r2": W_r2,
            "W_l3": W_l3, "b_l3": b_l3, "W_r3": W_r3,
            "W_lin": W_lin, "b_lin": b_lin}


def _sage_conv(x, edge_index, W_l, b_l, W_r):
    # PyG SAGEConv (aggr='mean'): out = lin_l(mean_j x_j) + lin_r(x)
    src = edge_index[0]
    dst = edge_index[1]
    msg = jnp.take(x, src, axis=0)
    summed = jax.ops.segment_sum(msg, dst, num_segments=N)
    cnt = jax.ops.segment_sum(jnp.ones((edge_index.shape[1],), jnp.float32), dst, num_segments=N)
    mean = summed / jnp.clip(cnt, 1.0)[:, None]
    return mean @ W_l + b_l + x @ W_r


def reference(x, edge_index, batch, W_l1, b_l1, W_r1, W_l2, b_l2, W_r2, W_l3, b_l3, W_r3, W_lin, b_lin):
    # eval mode: dropout is identity
    h = jax.nn.relu(_sage_conv(x, edge_index, W_l1, b_l1, W_r1))
    h = jax.nn.relu(_sage_conv(h, edge_index, W_l2, b_l2, W_r2))
    h = jax.nn.relu(_sage_conv(h, edge_index, W_l3, b_l3, W_r3))
    # global_mean_pool over batch ids
    s = jax.ops.segment_sum(h, batch, num_segments=G)
    c = jax.ops.segment_sum(jnp.ones((N,), jnp.float32), batch, num_segments=G)
    pooled = s / jnp.clip(c, 1.0)[:, None]
    logits = pooled @ W_lin + b_lin
    return jax.nn.log_softmax(logits, axis=1)

if __name__ == "__main__":
    import jax
    _d = setup_inputs()
    print(jax.jit(kernel)(*tuple(_d.values())))

</pallas_src>

<mosaic_0001>
#map = affine_map<(d0, d1) -> (0)>
module attributes {stable_mosaic.version = 14 : i64} {
  func.func @body(%arg0: i32, %arg1: i32, %arg2: memref<320000xi32, #tpu.memory_space<hbm>>, %arg3: memref<20224xf32, #tpu.memory_space<hbm>>, %arg4: memref<10000xi32, #tpu.memory_space<vmem>>, %arg5: memref<80xf32, #tpu.memory_space<vmem>>, %arg6: memref<640xf32, #tpu.memory_space<vmem>>, %arg7: memref<10112xf32, #tpu.memory_space<vmem_shared>>, %arg8: memref<!tpu.dma_semaphore, #tpu.memory_space<semaphore_mem>>) attributes {dimension_semantics = [#tpu.dimension_semantics<core_parallel>, #tpu.dimension_semantics<subcore_parallel>], iteration_bounds = array<i64: 2, 16>, scalar_prefetch = 0 : i64, scratch_operands = 5 : i64, tpu.core_type = #tpu.core_type<sc_vector_subcore>, window_params = [{transform_indices = #map}, {transform_indices = #map}]} {
    %mul3A = arith.constant 2 : i32
    %mul3A_0 = arith.muli %arg1, %mul3A : i32
    %add3A = arith.addi %mul3A_0, %arg0 : i32
    %mul3A_1 = arith.constant 10000 : i32
    %mul3A_2 = arith.muli %add3A, %mul3A_1 : i32
    %dma_start3A = tpu.memref_slice %arg2[%mul3A_2] : memref<320000xi32, #tpu.memory_space<hbm>> -> memref<10000xi32, #tpu.memory_space<hbm>>
    %dma_start3A_3 = tpu.memref_slice %arg2[%mul3A_2] : memref<320000xi32, #tpu.memory_space<hbm>> -> memref<10000xi32, #tpu.memory_space<hbm>>
    tpu.enqueue_dma source(%dma_start3A_3 : memref<10000xi32, #tpu.memory_space<hbm>>) target(%arg4 : memref<10000xi32, #tpu.memory_space<vmem>>) target_semaphore(%arg8 : memref<!tpu.dma_semaphore, #tpu.memory_space<semaphore_mem>>)
    %scan3A = arith.constant 0 : i32
    %scan3A_4 = arith.constant 0 : i32
    %scan3A_5 = arith.constant 5 : i32
    %scan3A_6 = arith.addi %scan3A_4, %scan3A_5 : i32
    %scan3A_7 = arith.constant 1 : i32
    %scan3A_8 = scf.for %scan3A_35 = %scan3A_4 to %scan3A_6 step %scan3A_7 iter_args(%scan3A_36 = %scan3A) -> (i32)  : i32 {
      %broadcast_in_dim3A = arith.constant 1.000000e+00 : f32
      %broadcast_in_dim3A_37 = vector.broadcast %broadcast_in_dim3A : f32 to vector<16xf32>
      %mul3A_38 = arith.constant 16 : i32
      %mul3A_39 = arith.muli %scan3A_35, %mul3A_38 : i32
      %swap3A = arith.index_cast %mul3A_39 : i32 to index
      %swap3A_40 = tpu.vector_load %arg5[%swap3A] {strides = array<i32>} : memref<80xf32, #tpu.memory_space<vmem>>, vector<16xf32>,
      %swap3A_41 = vector.shape_cast %swap3A_40 : vector<16xf32> to vector<16xf32>
      %swap3A_42 = vector.shape_cast %broadcast_in_dim3A_37 : vector<16xf32> to vector<16xf32>
      tpu.vector_store %arg5[%swap3A], %swap3A_42 {strides = array<i32>} : memref<80xf32, #tpu.memory_space<vmem>>, vector<16xf32>,
      %scan3A_43 = arith.constant 0 : i32
      scf.yield %scan3A_43 : i32
    }
    %scan3A_9 = arith.constant 5 : i32
    %scan3A_10 = arith.constant 0 : i32
    %scan3A_11 = arith.constant 0 : i32
    %scan3A_12 = arith.constant 40 : i32
    %scan3A_13 = arith.addi %scan3A_11, %scan3A_12 : i32
    %scan3A_14 = arith.constant 1 : i32
    %scan3A_15 = scf.for %scan3A_35 = %scan3A_11 to %scan3A_13 step %scan3A_14 iter_args(%scan3A_36 = %scan3A_10) -> (i32)  : i32 {
      %broadcast_in_dim3A = arith.constant 0.000000e+00 : f32
      %broadcast_in_dim3A_37 = vector.broadcast %broadcast_in_dim3A : f32 to vector<16xf32>
      %mul3A_38 = arith.constant 16 : i32
      %mul3A_39 = arith.muli %scan3A_35, %mul3A_38 : i32
      %swap3A = arith.index_cast %mul3A_39 : i32 to index
      %swap3A_40 = tpu.vector_load %arg6[%swap3A] {strides = array<i32>} : memref<640xf32, #tpu.memory_space<vmem>>, vector<16xf32>,
      %swap3A_41 = vector.shape_cast %swap3A_40 : vector<16xf32> to vector<16xf32>
      %swap3A_42 = vector.shape_cast %broadcast_in_dim3A_37 : vector<16xf32> to vector<16xf32>
      tpu.vector_store %arg6[%swap3A], %swap3A_42 {strides = array<i32>} : memref<640xf32, #tpu.memory_space<vmem>>, vector<16xf32>,
      %scan3A_43 = arith.constant 0 : i32
      scf.yield %scan3A_43 : i32
    }
    %scan3A_16 = arith.constant 40 : i32
    %mul3A_17 = arith.constant 632 : i32
    %mul3A_18 = arith.muli %arg1, %mul3A_17 : i32
    "tpu.region"() ({
      %run_scoped3A = tpu.sem_alloc : memref<!tpu.dma_semaphore, #tpu.memory_space<semaphore_mem>>
      %dma_start3A_35 = arith.constant 0 : i32
      %dma_start3A_36 = tpu.memref_slice %arg6[%dma_start3A_35] : memref<640xf32, #tpu.memory_space<vmem>> -> memref<632xf32, #tpu.memory_space<vmem>>
      %dma_start3A_37 = tpu.memref_slice %arg7[%mul3A_18] : memref<10112xf32, #tpu.memory_space<vmem_shared>> -> memref<632xf32, #tpu.memory_space<vmem_shared>>
      %dma_start3A_38 = tpu.memref_slice %arg7[%mul3A_18] : memref<10112xf32, #tpu.memory_space<vmem_shared>> -> memref<632xf32, #tpu.memory_space<vmem_shared>>
      %dma_start3A_39 = arith.constant 0 : i32
      %dma_start3A_40 = tpu.memref_slice %arg6[%dma_start3A_39] : memref<640xf32, #tpu.memory_space<vmem>> -> memref<632xf32, #tpu.memory_space<vmem>>
      tpu.enqueue_dma source(%dma_start3A_40 : memref<632xf32, #tpu.memory_space<vmem>>) target(%dma_start3A_38 : memref<632xf32, #tpu.memory_space<vmem_shared>>) target_semaphore(%run_scoped3A : memref<!tpu.dma_semaphore, #tpu.memory_space<semaphore_mem>>)
      %dma_wait3A_41 = arith.constant 0 : i32
      %dma_wait3A_42 = tpu.memref_slice %arg6[%dma_wait3A_41] : memref<640xf32, #tpu.memory_space<vmem>> -> memref<632xf32, #tpu.memory_space<vmem>>
      %dma_wait3A_43 = tpu.memref_slice %arg7[%mul3A_18] : memref<10112xf32, #tpu.memory_space<vmem_shared>> -> memref<632xf32, #tpu.memory_space<vmem_shared>>
      %dma_wait3A_44 = tpu.memref_slice %arg7[%mul3A_18] : memref<10112xf32, #tpu.memory_space<vmem_shared>> -> memref<632xf32, #tpu.memory_space<vmem_shared>>
      %dma_wait3A_45 = arith.constant 0 : i32
      %dma_wait3A_46 = tpu.memref_slice %arg6[%dma_wait3A_45] : memref<640xf32, #tpu.memory_space<vmem>> -> memref<632xf32, #tpu.memory_space<vmem>>
      tpu.wait_dma2 semaphore(%run_scoped3A : memref<!tpu.dma_semaphore, #tpu.memory_space<semaphore_mem>>) src(%dma_wait3A_46 : memref<632xf32, #tpu.memory_space<vmem>>) dst(%dma_wait3A_44 : memref<632xf32, #tpu.memory_space<vmem_shared>>)
      tpu.yield
    }) : () -> ()
    %dma_wait3A = tpu.memref_slice %arg2[%mul3A_2] : memref<320000xi32, #tpu.memory_space<hbm>> -> memref<10000xi32, #tpu.memory_space<hbm>>
    %dma_wait3A_19 = tpu.memref_slice %arg2[%mul3A_2] : memref<320000xi32, #tpu.memory_space<hbm>> -> memref<10000xi32, #tpu.memory_space<hbm>>
    tpu.wait_dma2 semaphore(%arg8 : memref<!tpu.dma_semaphore, #tpu.memory_space<semaphore_mem>>) src(%dma_wait3A_19 : memref<10000xi32, #tpu.memory_space<hbm>>) dst(%arg4 : memref<10000xi32, #tpu.memory_space<vmem>>)
    %barrier3A = arith.constant 0 : index
    tpu.barrier barrier_id(%barrier3A)
    %scan3A_20 = arith.constant 0 : i32
    %scan3A_21 = arith.constant 0 : i32
    %scan3A_22 = arith.constant 125 : i32
    %scan3A_23 = arith.addi %scan3A_21, %scan3A_22 : i32
    %scan3A_24 = arith.constant 1 : i32
    %scan3A_25 = scf.for %scan3A_35 = %scan3A_21 to %scan3A_23 step %scan3A_24 iter_args(%scan3A_36 = %scan3A_20) -> (i32)  : i32 {
      %mul3A_37 = arith.constant 80 : i32
      %mul3A_38 = arith.muli %scan3A_35, %mul3A_37 : i32
      "tpu.region"() ({
        %run_scoped3A = tpu.sem_alloc : memref<!tpu.dma_semaphore, #tpu.memory_space<semaphore_mem>>
        %dma_start3A_40 = tpu.memref_slice %arg4[%mul3A_38] : memref<10000xi32, #tpu.memory_space<vmem>> -> memref<80xi32, #tpu.memory_space<vmem>>
        %dma_start3A_41 = arith.constant 0 : i32
        %dma_start3A_42 = tpu.memref_slice %arg7[%dma_start3A_41] : memref<10112xf32, #tpu.memory_space<vmem_shared>> -> memref<10112xf32, #tpu.memory_space<vmem_shared>>
        tpu.enqueue_indirect_dma source(%arg5 : memref<80xf32, #tpu.memory_space<vmem>>) target(%dma_start3A_42 : memref<10112xf32, #tpu.memory_space<vmem_shared>>) offsets(%dma_start3A_40 : memref<80xi32, #tpu.memory_space<vmem>>) semaphore(%run_scoped3A : memref<!tpu.dma_semaphore, #tpu.memory_space<semaphore_mem>>) {add = true}
        %dma_wait3A_43 = tpu.memref_slice %arg4[%mul3A_38] : memref<10000xi32, #tpu.memory_space<vmem>> -> memref<80xi32, #tpu.memory_space<vmem>>
        %dma_wait3A_44 = arith.constant 0 : i32
        %dma_wait3A_45 = tpu.memref_slice %arg7[%dma_wait3A_44] : memref<10112xf32, #tpu.memory_space<vmem_shared>> -> memref<10112xf32, #tpu.memory_space<vmem_shared>>
        tpu.wait_indirect_dma semaphore(%run_scoped3A : memref<!tpu.dma_semaphore, #tpu.memory_space<semaphore_mem>>) src(%arg5 : memref<80xf32, #tpu.memory_space<vmem>>) dst(%dma_wait3A_45 : memref<10112xf32, #tpu.memory_space<vmem_shared>>)
        tpu.yield
      }) : () -> ()
      %scan3A_39 = arith.constant 0 : i32
      scf.yield %scan3A_39 : i32
    }
    %scan3A_26 = arith.constant 125 : i32
    %barrier3A_27 = arith.constant 0 : index
    tpu.barrier barrier_id(%barrier3A_27)
    %mul3A_28 = arith.constant 632 : i32
    %mul3A_29 = arith.muli %arg1, %mul3A_28 : i32
    "tpu.region"() ({
      %run_scoped3A = tpu.sem_alloc : memref<!tpu.dma_semaphore, #tpu.memory_space<semaphore_mem>>
      %dma_start3A_35 = arith.constant 0 : i32
      %dma_start3A_36 = tpu.memref_slice %arg6[%dma_start3A_35] : memref<640xf32, #tpu.memory_space<vmem>> -> memref<632xf32, #tpu.memory_space<vmem>>
      %dma_start3A_37 = tpu.memref_slice %arg7[%mul3A_29] : memref<10112xf32, #tpu.memory_space<vmem_shared>> -> memref<632xf32, #tpu.memory_space<vmem_shared>>
      %dma_start3A_38 = arith.constant 0 : i32
      %dma_start3A_39 = tpu.memref_slice %arg6[%dma_start3A_38] : memref<640xf32, #tpu.memory_space<vmem>> -> memref<632xf32, #tpu.memory_space<vmem>>
      %dma_start3A_40 = tpu.memref_slice %arg7[%mul3A_29] : memref<10112xf32, #tpu.memory_space<vmem_shared>> -> memref<632xf32, #tpu.memory_space<vmem_shared>>
      tpu.enqueue_dma source(%dma_start3A_40 : memref<632xf32, #tpu.memory_space<vmem_shared>>) target(%dma_start3A_39 : memref<632xf32, #tpu.memory_space<vmem>>) target_semaphore(%run_scoped3A : memref<!tpu.dma_semaphore, #tpu.memory_space<semaphore_mem>>)
      %dma_wait3A_41 = arith.constant 0 : i32
      %dma_wait3A_42 = tpu.memref_slice %arg6[%dma_wait3A_41] : memref<640xf32, #tpu.memory_space<vmem>> -> memref<632xf32, #tpu.memory_space<vmem>>
      %dma_wait3A_43 = tpu.memref_slice %arg7[%mul3A_29] : memref<10112xf32, #tpu.memory_space<vmem_shared>> -> memref<632xf32, #tpu.memory_space<vmem_shared>>
      %dma_wait3A_44 = arith.constant 0 : i32
      %dma_wait3A_45 = tpu.memref_slice %arg6[%dma_wait3A_44] : memref<640xf32, #tpu.memory_space<vmem>> -> memref<632xf32, #tpu.memory_space<vmem>>
      %dma_wait3A_46 = tpu.memref_slice %arg7[%mul3A_29] : memref<10112xf32, #tpu.memory_space<vmem_shared>> -> memref<632xf32, #tpu.memory_space<vmem_shared>>
      tpu.wait_dma2 semaphore(%run_scoped3A : memref<!tpu.dma_semaphore, #tpu.memory_space<semaphore_mem>>) src(%dma_wait3A_46 : memref<632xf32, #tpu.memory_space<vmem_shared>>) dst(%dma_wait3A_45 : memref<632xf32, #tpu.memory_space<vmem>>)
      tpu.yield
    }) : () -> ()
    %mul3A_30 = arith.constant 10112 : i32
    %mul3A_31 = arith.muli %arg0, %mul3A_30 : i32
    %mul3A_32 = arith.constant 632 : i32
    %mul3A_33 = arith.muli %arg1, %mul3A_32 : i32
    %add3A_34 = arith.addi %mul3A_31, %mul3A_33 : i32
    "tpu.region"() ({
      %run_scoped3A = tpu.sem_alloc : memref<!tpu.dma_semaphore, #tpu.memory_space<semaphore_mem>>
      %dma_start3A_35 = arith.constant 0 : i32
      %dma_start3A_36 = tpu.memref_slice %arg6[%dma_start3A_35] : memref<640xf32, #tpu.memory_space<vmem>> -> memref<632xf32, #tpu.memory_space<vmem>>
      %dma_start3A_37 = tpu.memref_slice %arg3[%add3A_34] : memref<20224xf32, #tpu.memory_space<hbm>> -> memref<632xf32, #tpu.memory_space<hbm>>
      %dma_start3A_38 = tpu.memref_slice %arg3[%add3A_34] : memref<20224xf32, #tpu.memory_space<hbm>> -> memref<632xf32, #tpu.memory_space<hbm>>
      %dma_start3A_39 = arith.constant 0 : i32
      %dma_start3A_40 = tpu.memref_slice %arg6[%dma_start3A_39] : memref<640xf32, #tpu.memory_space<vmem>> -> memref<632xf32, #tpu.memory_space<vmem>>
      tpu.enqueue_dma source(%dma_start3A_40 : memref<632xf32, #tpu.memory_space<vmem>>) target(%dma_start3A_38 : memref<632xf32, #tpu.memory_space<hbm>>) target_semaphore(%run_scoped3A : memref<!tpu.dma_semaphore, #tpu.memory_space<semaphore_mem>>)
      %dma_wait3A_41 = arith.constant 0 : i32
      %dma_wait3A_42 = tpu.memref_slice %arg6[%dma_wait3A_41] : memref<640xf32, #tpu.memory_space<vmem>> -> memref<632xf32, #tpu.memory_space<vmem>>
      %dma_wait3A_43 = tpu.memref_slice %arg3[%add3A_34] : memref<20224xf32, #tpu.memory_space<hbm>> -> memref<632xf32, #tpu.memory_space<hbm>>
      %dma_wait3A_44 = tpu.memref_slice %arg3[%add3A_34] : memref<20224xf32, #tpu.memory_space<hbm>> -> memref<632xf32, #tpu.memory_space<hbm>>
      %dma_wait3A_45 = arith.constant 0 : i32
      %dma_wait3A_46 = tpu.memref_slice %arg6[%dma_wait3A_45] : memref<640xf32, #tpu.memory_space<vmem>> -> memref<632xf32, #tpu.memory_space<vmem>>
      tpu.wait_dma2 semaphore(%run_scoped3A : memref<!tpu.dma_semaphore, #tpu.memory_space<semaphore_mem>>) src(%dma_wait3A_46 : memref<632xf32, #tpu.memory_space<vmem>>) dst(%dma_wait3A_44 : memref<632xf32, #tpu.memory_space<hbm>>)
      tpu.yield
    }) : () -> ()
    return
  }
}

#map = affine_map<(d0, d1) -> (0, 0)>
#map1 = affine_map<(d0, d1) -> (0)>
#map2 = affine_map<(d0, d1) -> (0, 0, 0)>
#map3 = affine_map<(d0, d1) -> (0, 0, 0, 0)>
module attributes {stable_mosaic.version = 14 : i64} {
  func.func @body(%arg0: i32, %arg1: i32, %arg2: memref<10000x128xf32, #tpu.memory_space<hbm>>, %arg3: memref<320000xi32, #tpu.memory_space<hbm>>, %arg4: memref<320000xi32, #tpu.memory_space<hbm>>, %arg5: memref<16x625x128xf32, #tpu.memory_space<hbm>>, %arg6: memref<2x16x625x128xf32, #tpu.memory_space<hbm>>, %arg7: memref<10000xi32, #tpu.memory_space<vmem>>, %arg8: memref<10000xi32, #tpu.memory_space<vmem>>, %arg9: memref<80x128xf32, #tpu.memory_space<vmem>>, %arg10: memref<80x128xf32, #tpu.memory_space<vmem>>, %arg11: memref<80x128xf32, #tpu.memory_space<vmem>>, %arg12: memref<10000x128xf32, #tpu.memory_space<vmem_shared>>, %arg13: memref<!tpu.dma_semaphore, #tpu.memory_space<semaphore_mem>>, %arg14: memref<!tpu.dma_semaphore, #tpu.memory_space<semaphore_mem>>, %arg15: memref<!tpu.dma_semaphore, #tpu.memory_space<semaphore_mem>>, %arg16: memref<!tpu.dma_semaphore, #tpu.memory_space<semaphore_mem>>, %arg17: memref<!tpu.dma_semaphore, #tpu.memory_space<semaphore_mem>>) attributes {dimension_semantics = [#tpu.dimension_semantics<core_parallel>, #tpu.dimension_semantics<subcore_parallel>], iteration_bounds = array<i64: 2, 16>, scalar_prefetch = 0 : i64, scratch_operands = 11 : i64, tpu.core_type = #tpu.core_type<sc_vector_subcore>, window_params = [{transform_indices = #map}, {transform_indices = #map1}, {transform_indices = #map1}, {transform_indices = #map2}, {transform_indices = #map3}]} {
    %mul3A = arith.constant 2 : i32
    %mul3A_0 = arith.muli %arg1, %mul3A : i32
    %add3A = arith.addi %mul3A_0, %arg0 : i32
    %mul3A_1 = arith.constant 10000 : i32
    %mul3A_2 = arith.muli %add3A, %mul3A_1 : i32
    %dma_start3A = tpu.memref_slice %arg3[%mul3A_2] : memref<320000xi32, #tpu.memory_space<hbm>> -> memref<10000xi32, #tpu.memory_space<hbm>>
    %dma_start3A_3 = tpu.memref_slice %arg3[%mul3A_2] : memref<320000xi32, #tpu.memory_space<hbm>> -> memref<10000xi32, #tpu.memory_space<hbm>>
    tpu.enqueue_dma source(%dma_start3A_3 : memref<10000xi32, #tpu.memory_space<hbm>>) target(%arg7 : memref<10000xi32, #tpu.memory_space<vmem>>) target_semaphore(%arg16 : memref<!tpu.dma_semaphore, #tpu.memory_space<semaphore_mem>>)
    %dma_start3A_4 = tpu.memref_slice %arg4[%mul3A_2] : memref<320000xi32, #tpu.memory_space<hbm>> -> memref<10000xi32, #tpu.memory_space<hbm>>
    %dma_start3A_5 = tpu.memref_slice %arg4[%mul3A_2] : memref<320000xi32, #tpu.memory_space<hbm>> -> memref<10000xi32, #tpu.memory_space<hbm>>
    tpu.enqueue_dma source(%dma_start3A_5 : memref<10000xi32, #tpu.memory_space<hbm>>) target(%arg8 : memref<10000xi32, #tpu.memory_space<vmem>>) target_semaphore(%arg16 : memref<!tpu.dma_semaphore, #tpu.memory_space<semaphore_mem>>)
    %mul3A_6 = arith.constant 625 : i32
    %mul3A_7 = arith.muli %arg1, %mul3A_6 : i32
    %dma_start3A_8 = arith.constant 0 : i32
    %dma_start3A_9 = tpu.memref_slice %arg12[%mul3A_7, %dma_start3A_8] : memref<10000x128xf32, #tpu.memory_space<vmem_shared>> -> memref<625x128xf32, #tpu.memory_space<vmem_shared>>
    %dma_start3A_10 = arith.constant 0 : i32
    %dma_start3A_11 = arith.constant 0 : i32
    %dma_start3A_12 = tpu.memref_slice %arg5[%arg1, %dma_start3A_10, %dma_start3A_11] : memref<16x625x128xf32, #tpu.memory_space<hbm>> -> memref<1x625x128xf32, #tpu.memory_space<hbm>>
    %dma_start3A_13 = tpu.memref_squeeze %dma_start3A_12 : memref<1x625x128xf32, #tpu.memory_space<hbm>> -> memref<625x128xf32, #tpu.memory_space<hbm>>
    tpu.enqueue_dma source(%dma_start3A_13 : memref<625x128xf32, #tpu.memory_space<hbm>>) target(%dma_start3A_9 : memref<625x128xf32, #tpu.memory_space<vmem_shared>>) target_semaphore(%arg17 : memref<!tpu.dma_semaphore, #tpu.memory_space<semaphore_mem>>)
    %dma_wait3A = arith.constant 0 : i32
    %dma_wait3A_14 = tpu.memref_slice %arg12[%mul3A_7, %dma_wait3A] : memref<10000x128xf32, #tpu.memory_space<vmem_shared>> -> memref<625x128xf32, #tpu.memory_space<vmem_shared>>
    %dma_wait3A_15 = arith.constant 0 : i32
    %dma_wait3A_16 = arith.constant 0 : i32
    %dma_wait3A_17 = tpu.memref_slice %arg5[%arg1, %dma_wait3A_15, %dma_wait3A_16] : memref<16x625x128xf32, #tpu.memory_space<hbm>> -> memref<1x625x128xf32, #tpu.memory_space<hbm>>
    %dma_wait3A_18 = tpu.memref_squeeze %dma_wait3A_17 : memref<1x625x128xf32, #tpu.memory_space<hbm>> -> memref<625x128xf32, #tpu.memory_space<hbm>>
    tpu.wait_dma2 semaphore(%arg17 : memref<!tpu.dma_semaphore, #tpu.memory_space<semaphore_mem>>) src(%dma_wait3A_18 : memref<625x128xf32, #tpu.memory_space<hbm>>) dst(%dma_wait3A_14 : memref<625x128xf32, #tpu.memory_space<vmem_shared>>)
    %barrier3A = arith.constant 0 : index
    tpu.barrier barrier_id(%barrier3A)
    %dma_wait3A_19 = tpu.memref_slice %arg3[%mul3A_2] : memref<320000xi32, #tpu.memory_space<hbm>> -> memref<10000xi32, #tpu.memory_space<hbm>>
    %dma_wait3A_20 = tpu.memref_slice %arg3[%mul3A_2] : memref<320000xi32, #tpu.memory_space<hbm>> -> memref<10000xi32, #tpu.memory_space<hbm>>
    tpu.wait_dma2 semaphore(%arg16 : memref<!tpu.dma_semaphore, #tpu.memory_space<semaphore_mem>>) src(%dma_wait3A_20 : memref<10000xi32, #tpu.memory_space<hbm>>) dst(%arg7 : memref<10000xi32, #tpu.memory_space<vmem>>)
    %dma_wait3A_21 = tpu.memref_slice %arg4[%mul3A_2] : memref<320000xi32, #tpu.memory_space<hbm>> -> memref<10000xi32, #tpu.memory_space<hbm>>
    %dma_wait3A_22 = tpu.memref_slice %arg4[%mul3A_2] : memref<320000xi32, #tpu.memory_space<hbm>> -> memref<10000xi32, #tpu.memory_space<hbm>>
    tpu.wait_dma2 semaphore(%arg16 : memref<!tpu.dma_semaphore, #tpu.memory_space<semaphore_mem>>) src(%dma_wait3A_22 : memref<10000xi32, #tpu.memory_space<hbm>>) dst(%arg8 : memref<10000xi32, #tpu.memory_space<vmem>>)
    %dma_start3A_23 = arith.constant 0 : i32
    %dma_start3A_24 = tpu.memref_slice %arg7[%dma_start3A_23] : memref<10000xi32, #tpu.memory_space<vmem>> -> memref<80xi32, #tpu.memory_space<vmem>>
    %dma_start3A_25 = arith.constant 0 : i32
    %dma_start3A_26 = arith.constant 0 : i32
    %dma_start3A_27 = tpu.memref_slice %arg2[%dma_start3A_25, %dma_start3A_26] : memref<10000x128xf32, #tpu.memory_space<hbm>> -> memref<10000x128xf32, #tpu.memory_space<hbm>>
    tpu.enqueue_indirect_dma source(%dma_start3A_27 : memref<10000x128xf32, #tpu.memory_space<hbm>>) target(%arg9 : memref<80x128xf32, #tpu.memory_space<vmem>>) offsets(%dma_start3A_24 : memref<80xi32, #tpu.memory_space<vmem>>) semaphore(%arg13 : memref<!tpu.dma_semaphore, #tpu.memory_space<semaphore_mem>>)
    %dma_start3A_28 = arith.constant 80 : i32
    %dma_start3A_29 = tpu.memref_slice %arg7[%dma_start3A_28] : memref<10000xi32, #tpu.memory_space<vmem>> -> memref<80xi32, #tpu.memory_space<vmem>>
    %dma_start3A_30 = arith.constant 0 : i32
    %dma_start3A_31 = arith.constant 0 : i32
    %dma_start3A_32 = tpu.memref_slice %arg2[%dma_start3A_30, %dma_start3A_31] : memref<10000x128xf32, #tpu.memory_space<hbm>> -> memref<10000x128xf32, #tpu.memory_space<hbm>>
    tpu.enqueue_indirect_dma source(%dma_start3A_32 : memref<10000x128xf32, #tpu.memory_space<hbm>>) target(%arg10 : memref<80x128xf32, #tpu.memory_space<vmem>>) offsets(%dma_start3A_29 : memref<80xi32, #tpu.memory_space<vmem>>) semaphore(%arg14 : memref<!tpu.dma_semaphore, #tpu.memory_space<semaphore_mem>>)
    %scan3A = arith.constant 0 : i32
    %scan3A_33 = arith.constant 0 : i32
    %scan3A_34 = arith.constant 41 : i32
    %scan3A_35 = arith.addi %scan3A_33, %scan3A_34 : i32
    %scan3A_36 = arith.constant 1 : i32
    %scan3A_37 = scf.for %scan3A_50 = %scan3A_33 to %scan3A_35 step %scan3A_36 iter_args(%scan3A_51 = %scan3A) -> (i32)  : i32 {
      %mul3A_52 = arith.constant 3 : i32
      %mul3A_53 = arith.muli %mul3A_52, %scan3A_50 : i32
      %add3A_54 = arith.constant 0 : i32
      %add3A_55 = arith.addi %mul3A_53, %add3A_54 : i32
      %mul3A_56 = arith.constant 80 : i32
      %mul3A_57 = arith.muli %add3A_55, %mul3A_56 : i32
      %dma_wait3A_58 = tpu.memref_slice %arg7[%mul3A_57] : memref<10000xi32, #tpu.memory_space<vmem>> -> memref<80xi32, #tpu.memory_space<vmem>>
      %dma_wait3A_59 = arith.constant 0 : i32
      %dma_wait3A_60 = arith.constant 0 : i32
      %dma_wait3A_61 = tpu.memref_slice %arg2[%dma_wait3A_59, %dma_wait3A_60] : memref<10000x128xf32, #tpu.memory_space<hbm>> -> memref<10000x128xf32, #tpu.memory_space<hbm>>
      tpu.wait_indirect_dma semaphore(%arg13 : memref<!tpu.dma_semaphore, #tpu.memory_space<semaphore_mem>>) src(%dma_wait3A_61 : memref<10000x128xf32, #tpu.memory_space<hbm>>) dst(%arg9 : memref<80x128xf32, #tpu.memory_space<vmem>>)
      %add3A_62 = arith.constant 3 : i32
      %add3A_63 = arith.addi %add3A_55, %add3A_62 : i32
      %sub3A = arith.constant 1 : i32
      %sub3A_64 = arith.subi %add3A_63, %sub3A : i32
      %mul3A_65 = arith.constant 80 : i32
      %mul3A_66 = arith.muli %sub3A_64, %mul3A_65 : i32
      %dma_start3A_67 = tpu.memref_slice %arg7[%mul3A_66] : memref<10000xi32, #tpu.memory_space<vmem>> -> memref<80xi32, #tpu.memory_space<vmem>>
      %dma_start3A_68 = arith.constant 0 : i32
      %dma_start3A_69 = arith.constant 0 : i32
      %dma_start3A_70 = tpu.memref_slice %arg2[%dma_start3A_68, %dma_start3A_69] : memref<10000x128xf32, #tpu.memory_space<hbm>> -> memref<10000x128xf32, #tpu.memory_space<hbm>>
      tpu.enqueue_indirect_dma source(%dma_start3A_70 : memref<10000x128xf32, #tpu.memory_space<hbm>>) target(%arg11 : memref<80x128xf32, #tpu.memory_space<vmem>>) offsets(%dma_start3A_67 : memref<80xi32, #tpu.memory_space<vmem>>) semaphore(%arg15 : memref<!tpu.dma_semaphore, #tpu.memory_space<semaphore_mem>>)
      %mul3A_71 = arith.constant 80 : i32
      %mul3A_72 = arith.muli %add3A_55, %mul3A_71 : i32
      "tpu.region"() ({
        %run_scoped3A = tpu.sem_alloc : memref<!tpu.dma_semaphore, #tpu.memory_space<semaphore_mem>>
        %dma_start3A_118 = tpu.memref_slice %arg8[%mul3A_72] : memref<10000xi32, #tpu.memory_space<vmem>> -> memref<80xi32, #tpu.memory_space<vmem>>
        %dma_start3A_119 = arith.constant 0 : i32
        %dma_start3A_120 = arith.constant 0 : i32
        %dma_start3A_121 = tpu.memref_slice %arg12[%dma_start3A_119, %dma_start3A_120] : memref<10000x128xf32, #tpu.memory_space<vmem_shared>> -> memref<10000x128xf32, #tpu.memory_space<vmem_shared>>
        tpu.enqueue_indirect_dma source(%arg9 : memref<80x128xf32, #tpu.memory_space<vmem>>) target(%dma_start3A_121 : memref<10000x128xf32, #tpu.memory_space<vmem_shared>>) offsets(%dma_start3A_118 : memref<80xi32, #tpu.memory_space<vmem>>) semaphore(%run_scoped3A : memref<!tpu.dma_semaphore, #tpu.memory_space<semaphore_mem>>) {add = true}
        %dma_wait3A_122 = tpu.memref_slice %arg8[%mul3A_72] : memref<10000xi32, #tpu.memory_space<vmem>> -> memref<80xi32, #tpu.memory_space<vmem>>
        %dma_wait3A_123 = arith.constant 0 : i32
        %dma_wait3A_124 = arith.constant 0 : i32
        %dma_wait3A_125 = tpu.memref_slice %arg12[%dma_wait3A_123, %dma_wait3A_124] : memref<10000x128xf32, #tpu.memory_space<vmem_shared>> -> memref<10000x128xf32, #tpu.memory_space<vmem_shared>>
        tpu.wait_indirect_dma semaphore(%run_scoped3A : memref<!tpu.dma_semaphore, #tpu.memory_space<semaphore_mem>>) src(%arg9 : memref<80x128xf32, #tpu.memory_space<vmem>>) dst(%dma_wait3A_125 : memref<10000x128xf32, #tpu.memory_space<vmem_shared>>)
        tpu.yield
      }) : () -> ()
      %mul3A_73 = arith.constant 3 : i32
      %mul3A_74 = arith.muli %mul3A_73, %scan3A_50 : i32
      %add3A_75 = arith.constant 1 : i32
      %add3A_76 = arith.addi %mul3A_74, %add3A_75 : i32
      %mul3A_77 = arith.constant 80 : i32
      %mul3A_78 = arith.muli %add3A_76, %mul3A_77 : i32
      %dma_wait3A_79 = tpu.memref_slice %arg7[%mul3A_78] : memref<10000xi32, #tpu.memory_space<vmem>> -> memref<80xi32, #tpu.memory_space<vmem>>
      %dma_wait3A_80 = arith.constant 0 : i32
      %dma_wait3A_81 = arith.constant 0 : i32
      %dma_wait3A_82 = tpu.memref_slice %arg2[%dma_wait3A_80, %dma_wait3A_81] : memref<10000x128xf32, #tpu.memory_space<hbm>> -> memref<10000x128xf32, #tpu.memory_space<hbm>>
      tpu.wait_indirect_dma semaphore(%arg14 : memref<!tpu.dma_semaphore, #tpu.memory_space<semaphore_mem>>) src(%dma_wait3A_82 : memref<10000x128xf32, #tpu.memory_space<hbm>>) dst(%arg10 : memref<80x128xf32, #tpu.memory_space<vmem>>)
      %add3A_83 = arith.constant 3 : i32
      %add3A_84 = arith.addi %add3A_76, %add3A_83 : i32
      %sub3A_85 = arith.constant 1 : i32
      %sub3A_86 = arith.subi %add3A_84, %sub3A_85 : i32
      %mul3A_87 = arith.constant 80 : i32
      %mul3A_88 = arith.muli %sub3A_86, %mul3A_87 : i32
      %dma_start3A_89 = tpu.memref_slice %arg7[%mul3A_88] : memref<10000xi32, #tpu.memory_space<vmem>> -> memref<80xi32, #tpu.memory_space<vmem>>
      %dma_start3A_90 = arith.constant 0 : i32
      %dma_start3A_91 = arith.constant 0 : i32
      %dma_start3A_92 = tpu.memref_slice %arg2[%dma_start3A_90, %dma_start3A_91] : memref<10000x128xf32, #tpu.memory_space<hbm>> -> memref<10000x128xf32, #tpu.memory_space<hbm>>
      tpu.enqueue_indirect_dma source(%dma_start3A_92 : memref<10000x128xf32, #tpu.memory_space<hbm>>) target(%arg9 : memref<80x128xf32, #tpu.memory_space<vmem>>) offsets(%dma_start3A_89 : memref<80xi32, #tpu.memory_space<vmem>>) semaphore(%arg13 : memref<!tpu.dma_semaphore, #tpu.memory_space<semaphore_mem>>)
      %mul3A_93 = arith.constant 80 : i32
      %mul3A_94 = arith.muli %add3A_76, %mul3A_93 : i32
      "tpu.region"() ({
        %run_scoped3A = tpu.sem_alloc : memref<!tpu.dma_semaphore, #tpu.memory_space<semaphore_mem>>
        %dma_start3A_118 = tpu.memref_slice %arg8[%mul3A_94] : memref<10000xi32, #tpu.memory_space<vmem>> -> memref<80xi32, #tpu.memory_space<vmem>>
        %dma_start3A_119 = arith.constant 0 : i32
        %dma_start3A_120 = arith.constant 0 : i32
        %dma_start3A_121 = tpu.memref_slice %arg12[%dma_start3A_119, %dma_start3A_120] : memref<10000x128xf32, #tpu.memory_space<vmem_shared>> -> memref<10000x128xf32, #tpu.memory_space<vmem_shared>>
        tpu.enqueue_indirect_dma source(%arg10 : memref<80x128xf32, #tpu.memory_space<vmem>>) target(%dma_start3A_121 : memref<10000x128xf32, #tpu.memory_space<vmem_shared>>) offsets(%dma_start3A_118 : memref<80xi32, #tpu.memory_space<vmem>>) semaphore(%run_scoped3A : memref<!tpu.dma_semaphore, #tpu.memory_space<semaphore_mem>>) {add = true}
        %dma_wait3A_122 = tpu.memref_slice %arg8[%mul3A_94] : memref<10000xi32, #tpu.memory_space<vmem>> -> memref<80xi32, #tpu.memory_space<vmem>>
        %dma_wait3A_123 = arith.constant 0 : i32
        %dma_wait3A_124 = arith.constant 0 : i32
        %dma_wait3A_125 = tpu.memref_slice %arg12[%dma_wait3A_123, %dma_wait3A_124] : memref<10000x128xf32, #tpu.memory_space<vmem_shared>> -> memref<10000x128xf32, #tpu.memory_space<vmem_shared>>
        tpu.wait_indirect_dma semaphore(%run_scoped3A : memref<!tpu.dma_semaphore, #tpu.memory_space<semaphore_mem>>) src(%arg10 : memref<80x128xf32, #tpu.memory_space<vmem>>) dst(%dma_wait3A_125 : memref<10000x128xf32, #tpu.memory_space<vmem_shared>>)
        tpu.yield
      }) : () -> ()
      %mul3A_95 = arith.constant 3 : i32
      %mul3A_96 = arith.muli %mul3A_95, %scan3A_50 : i32
      %add3A_97 = arith.constant 2 : i32
      %add3A_98 = arith.addi %mul3A_96, %add3A_97 : i32
      %mul3A_99 = arith.constant 80 : i32
      %mul3A_100 = arith.muli %add3A_98, %mul3A_99 : i32
      %dma_wait3A_101 = tpu.memref_slice %arg7[%mul3A_100] : memref<10000xi32, #tpu.memory_space<vmem>> -> memref<80xi32, #tpu.memory_space<vmem>>
      %dma_wait3A_102 = arith.constant 0 : i32
      %dma_wait3A_103 = arith.constant 0 : i32
      %dma_wait3A_104 = tpu.memref_slice %arg2[%dma_wait3A_102, %dma_wait3A_103] : memref<10000x128xf32, #tpu.memory_space<hbm>> -> memref<10000x128xf32, #tpu.memory_space<hbm>>
      tpu.wait_indirect_dma semaphore(%arg15 : memref<!tpu.dma_semaphore, #tpu.memory_space<semaphore_mem>>) src(%dma_wait3A_104 : memref<10000x128xf32, #tpu.memory_space<hbm>>) dst(%arg11 : memref<80x128xf32, #tpu.memory_space<vmem>>)
      %add3A_105 = arith.constant 3 : i32
      %add3A_106 = arith.addi %add3A_98, %add3A_105 : i32
      %sub3A_107 = arith.constant 1 : i32
      %sub3A_108 = arith.subi %add3A_106, %sub3A_107 : i32
      %mul3A_109 = arith.constant 80 : i32
      %mul3A_110 = arith.muli %sub3A_108, %mul3A_109 : i32
      %dma_start3A_111 = tpu.memref_slice %arg7[%mul3A_110] : memref<10000xi32, #tpu.memory_space<vmem>> -> memref<80xi32, #tpu.memory_space<vmem>>
      %dma_start3A_112 = arith.constant 0 : i32
      %dma_start3A_113 = arith.constant 0 : i32
      %dma_start3A_114 = tpu.memref_slice %arg2[%dma_start3A_112, %dma_start3A_113] : memref<10000x128xf32, #tpu.memory_space<hbm>> -> memref<10000x128xf32, #tpu.memory_space<hbm>>
      tpu.enqueue_indirect_dma source(%dma_start3A_114 : memref<10000x128xf32, #tpu.memory_space<hbm>>) target(%arg10 : memref<80x128xf32, #tpu.memory_space<vmem>>) offsets(%dma_start3A_111 : memref<80xi32, #tpu.memory_space<vmem>>) semaphore(%arg14 : memref<!tpu.dma_semaphore, #tpu.memory_space<semaphore_mem>>)
      %mul3A_115 = arith.constant 80 : i32
      %mul3A_116 = arith.muli %add3A_98, %mul3A_115 : i32
      "tpu.region"() ({
        %run_scoped3A = tpu.sem_alloc : memref<!tpu.dma_semaphore, #tpu.memory_space<semaphore_mem>>
        %dma_start3A_118 = tpu.memref_slice %arg8[%mul3A_116] : memref<10000xi32, #tpu.memory_space<vmem>> -> memref<80xi32, #tpu.memory_space<vmem>>
        %dma_start3A_119 = arith.constant 0 : i32
        %dma_start3A_120 = arith.constant 0 : i32
        %dma_start3A_121 = tpu.memref_slice %arg12[%dma_start3A_119, %dma_start3A_120] : memref<10000x128xf32, #tpu.memory_space<vmem_shared>> -> memref<10000x128xf32, #tpu.memory_space<vmem_shared>>
        tpu.enqueue_indirect_dma source(%arg11 : memref<80x128xf32, #tpu.memory_space<vmem>>) target(%dma_start3A_121 : memref<10000x128xf32, #tpu.memory_space<vmem_shared>>) offsets(%dma_start3A_118 : memref<80xi32, #tpu.memory_space<vmem>>) semaphore(%run_scoped3A : memref<!tpu.dma_semaphore, #tpu.memory_space<semaphore_mem>>) {add = true}
        %dma_wait3A_122 = tpu.memref_slice %arg8[%mul3A_116] : memref<10000xi32, #tpu.memory_space<vmem>> -> memref<80xi32, #tpu.memory_space<vmem>>
        %dma_wait3A_123 = arith.constant 0 : i32
        %dma_wait3A_124 = arith.constant 0 : i32
        %dma_wait3A_125 = tpu.memref_slice %arg12[%dma_wait3A_123, %dma_wait3A_124] : memref<10000x128xf32, #tpu.memory_space<vmem_shared>> -> memref<10000x128xf32, #tpu.memory_space<vmem_shared>>
        tpu.wait_indirect_dma semaphore(%run_scoped3A : memref<!tpu.dma_semaphore, #tpu.memory_space<semaphore_mem>>) src(%arg11 : memref<80x128xf32, #tpu.memory_space<vmem>>) dst(%dma_wait3A_125 : memref<10000x128xf32, #tpu.memory_space<vmem_shared>>)
        tpu.yield
      }) : () -> ()
      %scan3A_117 = arith.constant 0 : i32
      scf.yield %scan3A_117 : i32
    }
    %scan3A_38 = arith.constant 41 : i32
    %dma_wait3A_39 = arith.constant 9840 : i32
    %dma_wait3A_40 = tpu.memref_slice %arg7[%dma_wait3A_39] : memref<10000xi32, #tpu.memory_space<vmem>> -> memref<80xi32, #tpu.memory_space<vmem>>
    %dma_wait3A_41 = arith.constant 0 : i32
    %dma_wait3A_42 = arith.constant 0 : i32
    %dma_wait3A_43 = tpu.memref_slice %arg2[%dma_wait3A_41, %dma_wait3A_42] : memref<10000x128xf32, #tpu.memory_space<hbm>> -> memref<10000x128xf32, #tpu.memory_space<hbm>>
    tpu.wait_indirect_dma semaphore(%arg13 : memref<!tpu.dma_semaphore, #tpu.memory_space<semaphore_mem>>) src(%dma_wait3A_43 : memref<10000x128xf32, #tpu.memory_space<hbm>>) dst(%arg9 : memref<80x128xf32, #tpu.memory_space<vmem>>)
    "tpu.region"() ({
      %run_scoped3A = tpu.sem_alloc : memref<!tpu.dma_semaphore, #tpu.memory_space<semaphore_mem>>
      %dma_start3A_50 = arith.constant 9840 : i32
      %dma_start3A_51 = tpu.memref_slice %arg8[%dma_start3A_50] : memref<10000xi32, #tpu.memory_space<vmem>> -> memref<80xi32, #tpu.memory_space<vmem>>
      %dma_start3A_52 = arith.constant 0 : i32
      %dma_start3A_53 = arith.constant 0 : i32
      %dma_start3A_54 = tpu.memref_slice %arg12[%dma_start3A_52, %dma_start3A_53] : memref<10000x128xf32, #tpu.memory_space<vmem_shared>> -> memref<10000x128xf32, #tpu.memory_space<vmem_shared>>
      tpu.enqueue_indirect_dma source(%arg9 : memref<80x128xf32, #tpu.memory_space<vmem>>) target(%dma_start3A_54 : memref<10000x128xf32, #tpu.memory_space<vmem_shared>>) offsets(%dma_start3A_51 : memref<80xi32, #tpu.memory_space<vmem>>) semaphore(%run_scoped3A : memref<!tpu.dma_semaphore, #tpu.memory_space<semaphore_mem>>) {add = true}
      %dma_wait3A_55 = arith.constant 9840 : i32
      %dma_wait3A_56 = tpu.memref_slice %arg8[%dma_wait3A_55] : memref<10000xi32, #tpu.memory_space<vmem>> -> memref<80xi32, #tpu.memory_space<vmem>>
      %dma_wait3A_57 = arith.constant 0 : i32
      %dma_wait3A_58 = arith.constant 0 : i32
      %dma_wait3A_59 = tpu.memref_slice %arg12[%dma_wait3A_57, %dma_wait3A_58] : memref<10000x128xf32, #tpu.memory_space<vmem_shared>> -> memref<10000x128xf32, #tpu.memory_space<vmem_shared>>
      tpu.wait_indirect_dma semaphore(%run_scoped3A : memref<!tpu.dma_semaphore, #tpu.memory_space<semaphore_mem>>) src(%arg9 : memref<80x128xf32, #tpu.memory_space<vmem>>) dst(%dma_wait3A_59 : memref<10000x128xf32, #tpu.memory_space<vmem_shared>>)
      tpu.yield
    }) : () -> ()
    %dma_wait3A_44 = arith.constant 9920 : i32
    %dma_wait3A_45 = tpu.memref_slice %arg7[%dma_wait3A_44] : memref<10000xi32, #tpu.memory_space<vmem>> -> memref<80xi32, #tpu.memory_space<vmem>>
    %dma_wait3A_46 = arith.constant 0 : i32
    %dma_wait3A_47 = arith.constant 0 : i32
    %dma_wait3A_48 = tpu.memref_slice %arg2[%dma_wait3A_46, %dma_wait3A_47] : memref<10000x128xf32, #tpu.memory_space<hbm>> -> memref<10000x128xf32, #tpu.memory_space<hbm>>
    tpu.wait_indirect_dma semaphore(%arg14 : memref<!tpu.dma_semaphore, #tpu.memory_space<semaphore_mem>>) src(%dma_wait3A_48 : memref<10000x128xf32, #tpu.memory_space<hbm>>) dst(%arg10 : memref<80x128xf32, #tpu.memory_space<vmem>>)
    "tpu.region"() ({
      %run_scoped3A = tpu.sem_alloc : memref<!tpu.dma_semaphore, #tpu.memory_space<semaphore_mem>>
      %dma_start3A_50 = arith.constant 9920 : i32
      %dma_start3A_51 = tpu.memref_slice %arg8[%dma_start3A_50] : memref<10000xi32, #tpu.memory_space<vmem>> -> memref<80xi32, #tpu.memory_space<vmem>>
      %dma_start3A_52 = arith.constant 0 : i32
      %dma_start3A_53 = arith.constant 0 : i32
      %dma_start3A_54 = tpu.memref_slice %arg12[%dma_start3A_52, %dma_start3A_53] : memref<10000x128xf32, #tpu.memory_space<vmem_shared>> -> memref<10000x128xf32, #tpu.memory_space<vmem_shared>>
      tpu.enqueue_indirect_dma source(%arg10 : memref<80x128xf32, #tpu.memory_space<vmem>>) target(%dma_start3A_54 : memref<10000x128xf32, #tpu.memory_space<vmem_shared>>) offsets(%dma_start3A_51 : memref<80xi32, #tpu.memory_space<vmem>>) semaphore(%run_scoped3A : memref<!tpu.dma_semaphore, #tpu.memory_space<semaphore_mem>>) {add = true}
      %dma_wait3A_55 = arith.constant 9920 : i32
      %dma_wait3A_56 = tpu.memref_slice %arg8[%dma_wait3A_55] : memref<10000xi32, #tpu.memory_space<vmem>> -> memref<80xi32, #tpu.memory_space<vmem>>
      %dma_wait3A_57 = arith.constant 0 : i32
      %dma_wait3A_58 = arith.constant 0 : i32
      %dma_wait3A_59 = tpu.memref_slice %arg12[%dma_wait3A_57, %dma_wait3A_58] : memref<10000x128xf32, #tpu.memory_space<vmem_shared>> -> memref<10000x128xf32, #tpu.memory_space<vmem_shared>>
      tpu.wait_indirect_dma semaphore(%run_scoped3A : memref<!tpu.dma_semaphore, #tpu.memory_space<semaphore_mem>>) src(%arg10 : memref<80x128xf32, #tpu.memory_space<vmem>>) dst(%dma_wait3A_59 : memref<10000x128xf32, #tpu.memory_space<vmem_shared>>)
      tpu.yield
    }) : () -> ()
    %barrier3A_49 = arith.constant 0 : index
    tpu.barrier barrier_id(%barrier3A_49)
    "tpu.region"() ({
      %run_scoped3A = tpu.sem_alloc : memref<!tpu.dma_semaphore, #tpu.memory_space<semaphore_mem>>
      %dma_start3A_50 = arith.constant 0 : i32
      %dma_start3A_51 = arith.constant 0 : i32
      %dma_start3A_52 = tpu.memref_slice %arg6[%arg0, %arg1, %dma_start3A_50, %dma_start3A_51] : memref<2x16x625x128xf32, #tpu.memory_space<hbm>> -> memref<1x1x625x128xf32, #tpu.memory_space<hbm>>
      %dma_start3A_53 = tpu.memref_squeeze %dma_start3A_52 : memref<1x1x625x128xf32, #tpu.memory_space<hbm>> -> memref<625x128xf32, #tpu.memory_space<hbm>>
      %dma_start3A_54 = arith.constant 0 : i32
      %dma_start3A_55 = tpu.memref_slice %arg12[%mul3A_7, %dma_start3A_54] : memref<10000x128xf32, #tpu.memory_space<vmem_shared>> -> memref<625x128xf32, #tpu.memory_space<vmem_shared>>
      tpu.enqueue_dma source(%dma_start3A_55 : memref<625x128xf32, #tpu.memory_space<vmem_shared>>) target(%dma_start3A_53 : memref<625x128xf32, #tpu.memory_space<hbm>>) target_semaphore(%run_scoped3A : memref<!tpu.dma_semaphore, #tpu.memory_space<semaphore_mem>>)
      %dma_wait3A_56 = arith.constant 0 : i32
      %dma_wait3A_57 = arith.constant 0 : i32
      %dma_wait3A_58 = tpu.memref_slice %arg6[%arg0, %arg1, %dma_wait3A_56, %dma_wait3A_57] : memref<2x16x625x128xf32, #tpu.memory_space<hbm>> -> memref<1x1x625x128xf32, #tpu.memory_space<hbm>>
      %dma_wait3A_59 = tpu.memref_squeeze %dma_wait3A_58 : memref<1x1x625x128xf32, #tpu.memory_space<hbm>> -> memref<625x128xf32, #tpu.memory_space<hbm>>
      %dma_wait3A_60 = arith.constant 0 : i32
      %dma_wait3A_61 = tpu.memref_slice %arg12[%mul3A_7, %dma_wait3A_60] : memref<10000x128xf32, #tpu.memory_space<vmem_shared>> -> memref<625x128xf32, #tpu.memory_space<vmem_shared>>
      tpu.wait_dma2 semaphore(%run_scoped3A : memref<!tpu.dma_semaphore, #tpu.memory_space<semaphore_mem>>) src(%dma_wait3A_61 : memref<625x128xf32, #tpu.memory_space<vmem_shared>>) dst(%dma_wait3A_59 : memref<625x128xf32, #tpu.memory_space<hbm>>)
      tpu.yield
    }) : () -> ()
    return
  }
}

#map = affine_map<(d0, d1) -> (0, 0)>
#map1 = affine_map<(d0, d1) -> (0)>
#map2 = affine_map<(d0, d1) -> (0, 0, 0)>
#map3 = affine_map<(d0, d1) -> (0, 0, 0, 0)>
module attributes {stable_mosaic.version = 14 : i64} {
  func.func @body(%arg0: i32, %arg1: i32, %arg2: memref<10000x128xf32, #tpu.memory_space<hbm>>, %arg3: memref<320000xi32, #tpu.memory_space<hbm>>, %arg4: memref<320000xi32, #tpu.memory_space<hbm>>, %arg5: memref<16x625x128xf32, #tpu.memory_space<hbm>>, %arg6: memref<2x16x625x128xf32, #tpu.memory_space<hbm>>, %arg7: memref<10000xi32, #tpu.memory_space<vmem>>, %arg8: memref<10000xi32, #tpu.memory_space<vmem>>, %arg9: memref<80x128xf32, #tpu.memory_space<vmem>>, %arg10: memref<80x128xf32, #tpu.memory_space<vmem>>, %arg11: memref<80x128xf32, #tpu.memory_space<vmem>>, %arg12: memref<10000x128xf32, #tpu.memory_space<vmem_shared>>, %arg13: memref<!tpu.dma_semaphore, #tpu.memory_space<semaphore_mem>>, %arg14: memref<!tpu.dma_semaphore, #tpu.memory_space<semaphore_mem>>, %arg15: memref<!tpu.dma_semaphore, #tpu.memory_space<semaphore_mem>>, %arg16: memref<!tpu.dma_semaphore, #tpu.memory_space<semaphore_mem>>, %arg17: memref<!tpu.dma_semaphore, #tpu.memory_space<semaphore_mem>>) attributes {dimension_semantics = [#tpu.dimension_semantics<core_parallel>, #tpu.dimension_semantics<subcore_parallel>], iteration_bounds = array<i64: 2, 16>, scalar_prefetch = 0 : i64, scratch_operands = 11 : i64, tpu.core_type = #tpu.core_type<sc_vector_subcore>, window_params = [{transform_indices = #map}, {transform_indices = #map1}, {transform_indices = #map1}, {transform_indices = #map2}, {transform_indices = #map3}]} {
    %mul3A = arith.constant 2 : i32
    %mul3A_0 = arith.muli %arg1, %mul3A : i32
    %add3A = arith.addi %mul3A_0, %arg0 : i32
    %mul3A_1 = arith.constant 10000 : i32
    %mul3A_2 = arith.muli %add3A, %mul3A_1 : i32
    %dma_start3A = tpu.memref_slice %arg3[%mul3A_2] : memref<320000xi32, #tpu.memory_space<hbm>> -> memref<10000xi32, #tpu.memory_space<hbm>>
    %dma_start3A_3 = tpu.memref_slice %arg3[%mul3A_2] : memref<320000xi32, #tpu.memory_space<hbm>> -> memref<10000xi32, #tpu.memory_space<hbm>>
    tpu.enqueue_dma source(%dma_start3A_3 : memref<10000xi32, #tpu.memory_space<hbm>>) target(%arg7 : memref<10000xi32, #tpu.memory_space<vmem>>) target_semaphore(%arg16 : memref<!tpu.dma_semaphore, #tpu.memory_space<semaphore_mem>>)
    %dma_start3A_4 = tpu.memref_slice %arg4[%mul3A_2] : memref<320000xi32, #tpu.memory_space<hbm>> -> memref<10000xi32, #tpu.memory_space<hbm>>
    %dma_start3A_5 = tpu.memref_slice %arg4[%mul3A_2] : memref<320000xi32, #tpu.memory_space<hbm>> -> memref<10000xi32, #tpu.memory_space<hbm>>
    tpu.enqueue_dma source(%dma_start3A_5 : memref<10000xi32, #tpu.memory_space<hbm>>) target(%arg8 : memref<10000xi32, #tpu.memory_space<vmem>>) target_semaphore(%arg16 : memref<!tpu.dma_semaphore, #tpu.memory_space<semaphore_mem>>)
    %mul3A_6 = arith.constant 625 : i32
    %mul3A_7 = arith.muli %arg1, %mul3A_6 : i32
    %dma_start3A_8 = arith.constant 0 : i32
    %dma_start3A_9 = tpu.memref_slice %arg12[%mul3A_7, %dma_start3A_8] : memref<10000x128xf32, #tpu.memory_space<vmem_shared>> -> memref<625x128xf32, #tpu.memory_space<vmem_shared>>
    %dma_start3A_10 = arith.constant 0 : i32
    %dma_start3A_11 = arith.constant 0 : i32
    %dma_start3A_12 = tpu.memref_slice %arg5[%arg1, %dma_start3A_10, %dma_start3A_11] : memref<16x625x128xf32, #tpu.memory_space<hbm>> -> memref<1x625x128xf32, #tpu.memory_space<hbm>>
    %dma_start3A_13 = tpu.memref_squeeze %dma_start3A_12 : memref<1x625x128xf32, #tpu.memory_space<hbm>> -> memref<625x128xf32, #tpu.memory_space<hbm>>
    tpu.enqueue_dma source(%dma_start3A_13 : memref<625x128xf32, #tpu.memory_space<hbm>>) target(%dma_start3A_9 : memref<625x128xf32, #tpu.memory_space<vmem_shared>>) target_semaphore(%arg17 : memref<!tpu.dma_semaphore, #tpu.memory_space<semaphore_mem>>)
    %dma_wait3A = arith.constant 0 : i32
    %dma_wait3A_14 = tpu.memref_slice %arg12[%mul3A_7, %dma_wait3A] : memref<10000x128xf32, #tpu.memory_space<vmem_shared>> -> memref<625x128xf32, #tpu.memory_space<vmem_shared>>
    %dma_wait3A_15 = arith.constant 0 : i32
    %dma_wait3A_16 = arith.constant 0 : i32
    %dma_wait3A_17 = tpu.memref_slice %arg5[%arg1, %dma_wait3A_15, %dma_wait3A_16] : memref<16x625x128xf32, #tpu.memory_space<hbm>> -> memref<1x625x128xf32, #tpu.memory_space<hbm>>
    %dma_wait3A_18 = tpu.memref_squeeze %dma_wait3A_17 : memref<1x625x128xf32, #tpu.memory_space<hbm>> -> memref<625x128xf32, #tpu.memory_space<hbm>>
    tpu.wait_dma2 semaphore(%arg17 : memref<!tpu.dma_semaphore, #tpu.memory_space<semaphore_mem>>) src(%dma_wait3A_18 : memref<625x128xf32, #tpu.memory_space<hbm>>) dst(%dma_wait3A_14 : memref<625x128xf32, #tpu.memory_space<vmem_shared>>)
    %barrier3A = arith.constant 0 : index
    tpu.barrier barrier_id(%barrier3A)
    %dma_wait3A_19 = tpu.memref_slice %arg3[%mul3A_2] : memref<320000xi32, #tpu.memory_space<hbm>> -> memref<10000xi32, #tpu.memory_space<hbm>>
    %dma_wait3A_20 = tpu.memref_slice %arg3[%mul3A_2] : memref<320000xi32, #tpu.memory_space<hbm>> -> memref<10000xi32, #tpu.memory_space<hbm>>
    tpu.wait_dma2 semaphore(%arg16 : memref<!tpu.dma_semaphore, #tpu.memory_space<semaphore_mem>>) src(%dma_wait3A_20 : memref<10000xi32, #tpu.memory_space<hbm>>) dst(%arg7 : memref<10000xi32, #tpu.memory_space<vmem>>)
    %dma_wait3A_21 = tpu.memref_slice %arg4[%mul3A_2] : memref<320000xi32, #tpu.memory_space<hbm>> -> memref<10000xi32, #tpu.memory_space<hbm>>
    %dma_wait3A_22 = tpu.memref_slice %arg4[%mul3A_2] : memref<320000xi32, #tpu.memory_space<hbm>> -> memref<10000xi32, #tpu.memory_space<hbm>>
    tpu.wait_dma2 semaphore(%arg16 : memref<!tpu.dma_semaphore, #tpu.memory_space<semaphore_mem>>) src(%dma_wait3A_22 : memref<10000xi32, #tpu.memory_space<hbm>>) dst(%arg8 : memref<10000xi32, #tpu.memory_space<vmem>>)
    %dma_start3A_23 = arith.constant 0 : i32
    %dma_start3A_24 = tpu.memref_slice %arg7[%dma_start3A_23] : memref<10000xi32, #tpu.memory_space<vmem>> -> memref<80xi32, #tpu.memory_space<vmem>>
    %dma_start3A_25 = arith.constant 0 : i32
    %dma_start3A_26 = arith.constant 0 : i32
    %dma_start3A_27 = tpu.memref_slice %arg2[%dma_start3A_25, %dma_start3A_26] : memref<10000x128xf32, #tpu.memory_space<hbm>> -> memref<10000x128xf32, #tpu.memory_space<hbm>>
    tpu.enqueue_indirect_dma source(%dma_start3A_27 : memref<10000x128xf32, #tpu.memory_space<hbm>>) target(%arg9 : memref<80x128xf32, #tpu.memory_space<vmem>>) offsets(%dma_start3A_24 : memref<80xi32, #tpu.memory_space<vmem>>) semaphore(%arg13 : memref<!tpu.dma_semaphore, #tpu.memory_space<semaphore_mem>>)
    %dma_start3A_28 = arith.constant 80 : i32
    %dma_start3A_29 = tpu.memref_slice %arg7[%dma_start3A_28] : memref<10000xi32, #tpu.memory_space<vmem>> -> memref<80xi32, #tpu.memory_space<vmem>>
    %dma_start3A_30 = arith.constant 0 : i32
    %dma_start3A_31 = arith.constant 0 : i32
    %dma_start3A_32 = tpu.memref_slice %arg2[%dma_start3A_30, %dma_start3A_31] : memref<10000x128xf32, #tpu.memory_space<hbm>> -> memref<10000x128xf32, #tpu.memory_space<hbm>>
    tpu.enqueue_indirect_dma source(%dma_start3A_32 : memref<10000x128xf32, #tpu.memory_space<hbm>>) target(%arg10 : memref<80x128xf32, #tpu.memory_space<vmem>>) offsets(%dma_start3A_29 : memref<80xi32, #tpu.memory_space<vmem>>) semaphore(%arg14 : memref<!tpu.dma_semaphore, #tpu.memory_space<semaphore_mem>>)
    %scan3A = arith.constant 0 : i32
    %scan3A_33 = arith.constant 0 : i32
    %scan3A_34 = arith.constant 41 : i32
    %scan3A_35 = arith.addi %scan3A_33, %scan3A_34 : i32
    %scan3A_36 = arith.constant 1 : i32
    %scan3A_37 = scf.for %scan3A_50 = %scan3A_33 to %scan3A_35 step %scan3A_36 iter_args(%scan3A_51 = %scan3A) -> (i32)  : i32 {
      %mul3A_52 = arith.constant 3 : i32
      %mul3A_53 = arith.muli %mul3A_52, %scan3A_50 : i32
      %add3A_54 = arith.constant 0 : i32
      %add3A_55 = arith.addi %mul3A_53, %add3A_54 : i32
      %mul3A_56 = arith.constant 80 : i32
      %mul3A_57 = arith.muli %add3A_55, %mul3A_56 : i32
      %dma_wait3A_58 = tpu.memref_slice %arg7[%mul3A_57] : memref<10000xi32, #tpu.memory_space<vmem>> -> memref<80xi32, #tpu.memory_space<vmem>>
      %dma_wait3A_59 = arith.constant 0 : i32
      %dma_wait3A_60 = arith.constant 0 : i32
      %dma_wait3A_61 = tpu.memref_slice %arg2[%dma_wait3A_59, %dma_wait3A_60] : memref<10000x128xf32, #tpu.memory_space<hbm>> -> memref<10000x128xf32, #tpu.memory_space<hbm>>
      tpu.wait_indirect_dma semaphore(%arg13 : memref<!tpu.dma_semaphore, #tpu.memory_space<semaphore_mem>>) src(%dma_wait3A_61 : memref<10000x128xf32, #tpu.memory_space<hbm>>) dst(%arg9 : memref<80x128xf32, #tpu.memory_space<vmem>>)
      %add3A_62 = arith.constant 3 : i32
      %add3A_63 = arith.addi %add3A_55, %add3A_62 : i32
      %sub3A = arith.constant 1 : i32
      %sub3A_64 = arith.subi %add3A_63, %sub3A : i32
      %mul3A_65 = arith.constant 80 : i32
      %mul3A_66 = arith.muli %sub3A_64, %mul3A_65 : i32
      %dma_start3A_67 = tpu.memref_slice %arg7[%mul3A_66] : memref<10000xi32, #tpu.memory_space<vmem>> -> memref<80xi32, #tpu.memory_space<vmem>>
      %dma_start3A_68 = arith.constant 0 : i32
      %dma_start3A_69 = arith.constant 0 : i32
      %dma_start3A_70 = tpu.memref_slice %arg2[%dma_start3A_68, %dma_start3A_69] : memref<10000x128xf32, #tpu.memory_space<hbm>> -> memref<10000x128xf32, #tpu.memory_space<hbm>>
      tpu.enqueue_indirect_dma source(%dma_start3A_70 : memref<10000x128xf32, #tpu.memory_space<hbm>>) target(%arg11 : memref<80x128xf32, #tpu.memory_space<vmem>>) offsets(%dma_start3A_67 : memref<80xi32, #tpu.memory_space<vmem>>) semaphore(%arg15 : memref<!tpu.dma_semaphore, #tpu.memory_space<semaphore_mem>>)
      %mul3A_71 = arith.constant 80 : i32
      %mul3A_72 = arith.muli %add3A_55, %mul3A_71 : i32
      "tpu.region"() ({
        %run_scoped3A = tpu.sem_alloc : memref<!tpu.dma_semaphore, #tpu.memory_space<semaphore_mem>>
        %dma_start3A_118 = tpu.memref_slice %arg8[%mul3A_72] : memref<10000xi32, #tpu.memory_space<vmem>> -> memref<80xi32, #tpu.memory_space<vmem>>
        %dma_start3A_119 = arith.constant 0 : i32
        %dma_start3A_120 = arith.constant 0 : i32
        %dma_start3A_121 = tpu.memref_slice %arg12[%dma_start3A_119, %dma_start3A_120] : memref<10000x128xf32, #tpu.memory_space<vmem_shared>> -> memref<10000x128xf32, #tpu.memory_space<vmem_shared>>
        tpu.enqueue_indirect_dma source(%arg9 : memref<80x128xf32, #tpu.memory_space<vmem>>) target(%dma_start3A_121 : memref<10000x128xf32, #tpu.memory_space<vmem_shared>>) offsets(%dma_start3A_118 : memref<80xi32, #tpu.memory_space<vmem>>) semaphore(%run_scoped3A : memref<!tpu.dma_semaphore, #tpu.memory_space<semaphore_mem>>) {add = true}
        %dma_wait3A_122 = tpu.memref_slice %arg8[%mul3A_72] : memref<10000xi32, #tpu.memory_space<vmem>> -> memref<80xi32, #tpu.memory_space<vmem>>
        %dma_wait3A_123 = arith.constant 0 : i32
        %dma_wait3A_124 = arith.constant 0 : i32
        %dma_wait3A_125 = tpu.memref_slice %arg12[%dma_wait3A_123, %dma_wait3A_124] : memref<10000x128xf32, #tpu.memory_space<vmem_shared>> -> memref<10000x128xf32, #tpu.memory_space<vmem_shared>>
        tpu.wait_indirect_dma semaphore(%run_scoped3A : memref<!tpu.dma_semaphore, #tpu.memory_space<semaphore_mem>>) src(%arg9 : memref<80x128xf32, #tpu.memory_space<vmem>>) dst(%dma_wait3A_125 : memref<10000x128xf32, #tpu.memory_space<vmem_shared>>)
        tpu.yield
      }) : () -> ()
      %mul3A_73 = arith.constant 3 : i32
      %mul3A_74 = arith.muli %mul3A_73, %scan3A_50 : i32
      %add3A_75 = arith.constant 1 : i32
      %add3A_76 = arith.addi %mul3A_74, %add3A_75 : i32
      %mul3A_77 = arith.constant 80 : i32
      %mul3A_78 = arith.muli %add3A_76, %mul3A_77 : i32
      %dma_wait3A_79 = tpu.memref_slice %arg7[%mul3A_78] : memref<10000xi32, #tpu.memory_space<vmem>> -> memref<80xi32, #tpu.memory_space<vmem>>
      %dma_wait3A_80 = arith.constant 0 : i32
      %dma_wait3A_81 = arith.constant 0 : i32
      %dma_wait3A_82 = tpu.memref_slice %arg2[%dma_wait3A_80, %dma_wait3A_81] : memref<10000x128xf32, #tpu.memory_space<hbm>> -> memref<10000x128xf32, #tpu.memory_space<hbm>>
      tpu.wait_indirect_dma semaphore(%arg14 : memref<!tpu.dma_semaphore, #tpu.memory_space<semaphore_mem>>) src(%dma_wait3A_82 : memref<10000x128xf32, #tpu.memory_space<hbm>>) dst(%arg10 : memref<80x128xf32, #tpu.memory_space<vmem>>)
      %add3A_83 = arith.constant 3 : i32
      %add3A_84 = arith.addi %add3A_76, %add3A_83 : i32
      %sub3A_85 = arith.constant 1 : i32
      %sub3A_86 = arith.subi %add3A_84, %sub3A_85 : i32
      %mul3A_87 = arith.constant 80 : i32
      %mul3A_88 = arith.muli %sub3A_86, %mul3A_87 : i32
      %dma_start3A_89 = tpu.memref_slice %arg7[%mul3A_88] : memref<10000xi32, #tpu.memory_space<vmem>> -> memref<80xi32, #tpu.memory_space<vmem>>
      %dma_start3A_90 = arith.constant 0 : i32
      %dma_start3A_91 = arith.constant 0 : i32
      %dma_start3A_92 = tpu.memref_slice %arg2[%dma_start3A_90, %dma_start3A_91] : memref<10000x128xf32, #tpu.memory_space<hbm>> -> memref<10000x128xf32, #tpu.memory_space<hbm>>
      tpu.enqueue_indirect_dma source(%dma_start3A_92 : memref<10000x128xf32, #tpu.memory_space<hbm>>) target(%arg9 : memref<80x128xf32, #tpu.memory_space<vmem>>) offsets(%dma_start3A_89 : memref<80xi32, #tpu.memory_space<vmem>>) semaphore(%arg13 : memref<!tpu.dma_semaphore, #tpu.memory_space<semaphore_mem>>)
      %mul3A_93 = arith.constant 80 : i32
      %mul3A_94 = arith.muli %add3A_76, %mul3A_93 : i32
      "tpu.region"() ({
        %run_scoped3A = tpu.sem_alloc : memref<!tpu.dma_semaphore, #tpu.memory_space<semaphore_mem>>
        %dma_start3A_118 = tpu.memref_slice %arg8[%mul3A_94] : memref<10000xi32, #tpu.memory_space<vmem>> -> memref<80xi32, #tpu.memory_space<vmem>>
        %dma_start3A_119 = arith.constant 0 : i32
        %dma_start3A_120 = arith.constant 0 : i32
        %dma_start3A_121 = tpu.memref_slice %arg12[%dma_start3A_119, %dma_start3A_120] : memref<10000x128xf32, #tpu.memory_space<vmem_shared>> -> memref<10000x128xf32, #tpu.memory_space<vmem_shared>>
        tpu.enqueue_indirect_dma source(%arg10 : memref<80x128xf32, #tpu.memory_space<vmem>>) target(%dma_start3A_121 : memref<10000x128xf32, #tpu.memory_space<vmem_shared>>) offsets(%dma_start3A_118 : memref<80xi32, #tpu.memory_space<vmem>>) semaphore(%run_scoped3A : memref<!tpu.dma_semaphore, #tpu.memory_space<semaphore_mem>>) {add = true}
        %dma_wait3A_122 = tpu.memref_slice %arg8[%mul3A_94] : memref<10000xi32, #tpu.memory_space<vmem>> -> memref<80xi32, #tpu.memory_space<vmem>>
        %dma_wait3A_123 = arith.constant 0 : i32
        %dma_wait3A_124 = arith.constant 0 : i32
        %dma_wait3A_125 = tpu.memref_slice %arg12[%dma_wait3A_123, %dma_wait3A_124] : memref<10000x128xf32, #tpu.memory_space<vmem_shared>> -> memref<10000x128xf32, #tpu.memory_space<vmem_shared>>
        tpu.wait_indirect_dma semaphore(%run_scoped3A : memref<!tpu.dma_semaphore, #tpu.memory_space<semaphore_mem>>) src(%arg10 : memref<80x128xf32, #tpu.memory_space<vmem>>) dst(%dma_wait3A_125 : memref<10000x128xf32, #tpu.memory_space<vmem_shared>>)
        tpu.yield
      }) : () -> ()
      %mul3A_95 = arith.constant 3 : i32
      %mul3A_96 = arith.muli %mul3A_95, %scan3A_50 : i32
      %add3A_97 = arith.constant 2 : i32
      %add3A_98 = arith.addi %mul3A_96, %add3A_97 : i32
      %mul3A_99 = arith.constant 80 : i32
      %mul3A_100 = arith.muli %add3A_98, %mul3A_99 : i32
      %dma_wait3A_101 = tpu.memref_slice %arg7[%mul3A_100] : memref<10000xi32, #tpu.memory_space<vmem>> -> memref<80xi32, #tpu.memory_space<vmem>>
      %dma_wait3A_102 = arith.constant 0 : i32
      %dma_wait3A_103 = arith.constant 0 : i32
      %dma_wait3A_104 = tpu.memref_slice %arg2[%dma_wait3A_102, %dma_wait3A_103] : memref<10000x128xf32, #tpu.memory_space<hbm>> -> memref<10000x128xf32, #tpu.memory_space<hbm>>
      tpu.wait_indirect_dma semaphore(%arg15 : memref<!tpu.dma_semaphore, #tpu.memory_space<semaphore_mem>>) src(%dma_wait3A_104 : memref<10000x128xf32, #tpu.memory_space<hbm>>) dst(%arg11 : memref<80x128xf32, #tpu.memory_space<vmem>>)
      %add3A_105 = arith.constant 3 : i32
      %add3A_106 = arith.addi %add3A_98, %add3A_105 : i32
      %sub3A_107 = arith.constant 1 : i32
      %sub3A_108 = arith.subi %add3A_106, %sub3A_107 : i32
      %mul3A_109 = arith.constant 80 : i32
      %mul3A_110 = arith.muli %sub3A_108, %mul3A_109 : i32
      %dma_start3A_111 = tpu.memref_slice %arg7[%mul3A_110] : memref<10000xi32, #tpu.memory_space<vmem>> -> memref<80xi32, #tpu.memory_space<vmem>>
      %dma_start3A_112 = arith.constant 0 : i32
      %dma_start3A_113 = arith.constant 0 : i32
      %dma_start3A_114 = tpu.memref_slice %arg2[%dma_start3A_112, %dma_start3A_113] : memref<10000x128xf32, #tpu.memory_space<hbm>> -> memref<10000x128xf32, #tpu.memory_space<hbm>>
      tpu.enqueue_indirect_dma source(%dma_start3A_114 : memref<10000x128xf32, #tpu.memory_space<hbm>>) target(%arg10 : memref<80x128xf32, #tpu.memory_space<vmem>>) offsets(%dma_start3A_111 : memref<80xi32, #tpu.memory_space<vmem>>) semaphore(%arg14 : memref<!tpu.dma_semaphore, #tpu.memory_space<semaphore_mem>>)
      %mul3A_115 = arith.constant 80 : i32
      %mul3A_116 = arith.muli %add3A_98, %mul3A_115 : i32
      "tpu.region"() ({
        %run_scoped3A = tpu.sem_alloc : memref<!tpu.dma_semaphore, #tpu.memory_space<semaphore_mem>>
        %dma_start3A_118 = tpu.memref_slice %arg8[%mul3A_116] : memref<10000xi32, #tpu.memory_space<vmem>> -> memref<80xi32, #tpu.memory_space<vmem>>
        %dma_start3A_119 = arith.constant 0 : i32
        %dma_start3A_120 = arith.constant 0 : i32
        %dma_start3A_121 = tpu.memref_slice %arg12[%dma_start3A_119, %dma_start3A_120] : memref<10000x128xf32, #tpu.memory_space<vmem_shared>> -> memref<10000x128xf32, #tpu.memory_space<vmem_shared>>
        tpu.enqueue_indirect_dma source(%arg11 : memref<80x128xf32, #tpu.memory_space<vmem>>) target(%dma_start3A_121 : memref<10000x128xf32, #tpu.memory_space<vmem_shared>>) offsets(%dma_start3A_118 : memref<80xi32, #tpu.memory_space<vmem>>) semaphore(%run_scoped3A : memref<!tpu.dma_semaphore, #tpu.memory_space<semaphore_mem>>) {add = true}
        %dma_wait3A_122 = tpu.memref_slice %arg8[%mul3A_116] : memref<10000xi32, #tpu.memory_space<vmem>> -> memref<80xi32, #tpu.memory_space<vmem>>
        %dma_wait3A_123 = arith.constant 0 : i32
        %dma_wait3A_124 = arith.constant 0 : i32
        %dma_wait3A_125 = tpu.memref_slice %arg12[%dma_wait3A_123, %dma_wait3A_124] : memref<10000x128xf32, #tpu.memory_space<vmem_shared>> -> memref<10000x128xf32, #tpu.memory_space<vmem_shared>>
        tpu.wait_indirect_dma semaphore(%run_scoped3A : memref<!tpu.dma_semaphore, #tpu.memory_space<semaphore_mem>>) src(%arg11 : memref<80x128xf32, #tpu.memory_space<vmem>>) dst(%dma_wait3A_125 : memref<10000x128xf32, #tpu.memory_space<vmem_shared>>)
        tpu.yield
      }) : () -> ()
      %scan3A_117 = arith.constant 0 : i32
      scf.yield %scan3A_117 : i32
    }
    %scan3A_38 = arith.constant 41 : i32
    %dma_wait3A_39 = arith.constant 9840 : i32
    %dma_wait3A_40 = tpu.memref_slice %arg7[%dma_wait3A_39] : memref<10000xi32, #tpu.memory_space<vmem>> -> memref<80xi32, #tpu.memory_space<vmem>>
    %dma_wait3A_41 = arith.constant 0 : i32
    %dma_wait3A_42 = arith.constant 0 : i32
    %dma_wait3A_43 = tpu.memref_slice %arg2[%dma_wait3A_41, %dma_wait3A_42] : memref<10000x128xf32, #tpu.memory_space<hbm>> -> memref<10000x128xf32, #tpu.memory_space<hbm>>
    tpu.wait_indirect_dma semaphore(%arg13 : memref<!tpu.dma_semaphore, #tpu.memory_space<semaphore_mem>>) src(%dma_wait3A_43 : memref<10000x128xf32, #tpu.memory_space<hbm>>) dst(%arg9 : memref<80x128xf32, #tpu.memory_space<vmem>>)
    "tpu.region"() ({
      %run_scoped3A = tpu.sem_alloc : memref<!tpu.dma_semaphore, #tpu.memory_space<semaphore_mem>>
      %dma_start3A_50 = arith.constant 9840 : i32
      %dma_start3A_51 = tpu.memref_slice %arg8[%dma_start3A_50] : memref<10000xi32, #tpu.memory_space<vmem>> -> memref<80xi32, #tpu.memory_space<vmem>>
      %dma_start3A_52 = arith.constant 0 : i32
      %dma_start3A_53 = arith.constant 0 : i32
      %dma_start3A_54 = tpu.memref_slice %arg12[%dma_start3A_52, %dma_start3A_53] : memref<10000x128xf32, #tpu.memory_space<vmem_shared>> -> memref<10000x128xf32, #tpu.memory_space<vmem_shared>>
      tpu.enqueue_indirect_dma source(%arg9 : memref<80x128xf32, #tpu.memory_space<vmem>>) target(%dma_start3A_54 : memref<10000x128xf32, #tpu.memory_space<vmem_shared>>) offsets(%dma_start3A_51 : memref<80xi32, #tpu.memory_space<vmem>>) semaphore(%run_scoped3A : memref<!tpu.dma_semaphore, #tpu.memory_space<semaphore_mem>>) {add = true}
      %dma_wait3A_55 = arith.constant 9840 : i32
      %dma_wait3A_56 = tpu.memref_slice %arg8[%dma_wait3A_55] : memref<10000xi32, #tpu.memory_space<vmem>> -> memref<80xi32, #tpu.memory_space<vmem>>
      %dma_wait3A_57 = arith.constant 0 : i32
      %dma_wait3A_58 = arith.constant 0 : i32
      %dma_wait3A_59 = tpu.memref_slice %arg12[%dma_wait3A_57, %dma_wait3A_58] : memref<10000x128xf32, #tpu.memory_space<vmem_shared>> -> memref<10000x128xf32, #tpu.memory_space<vmem_shared>>
      tpu.wait_indirect_dma semaphore(%run_scoped3A : memref<!tpu.dma_semaphore, #tpu.memory_space<semaphore_mem>>) src(%arg9 : memref<80x128xf32, #tpu.memory_space<vmem>>) dst(%dma_wait3A_59 : memref<10000x128xf32, #tpu.memory_space<vmem_shared>>)
      tpu.yield
    }) : () -> ()
    %dma_wait3A_44 = arith.constant 9920 : i32
    %dma_wait3A_45 = tpu.memref_slice %arg7[%dma_wait3A_44] : memref<10000xi32, #tpu.memory_space<vmem>> -> memref<80xi32, #tpu.memory_space<vmem>>
    %dma_wait3A_46 = arith.constant 0 : i32
    %dma_wait3A_47 = arith.constant 0 : i32
    %dma_wait3A_48 = tpu.memref_slice %arg2[%dma_wait3A_46, %dma_wait3A_47] : memref<10000x128xf32, #tpu.memory_space<hbm>> -> memref<10000x128xf32, #tpu.memory_space<hbm>>
    tpu.wait_indirect_dma semaphore(%arg14 : memref<!tpu.dma_semaphore, #tpu.memory_space<semaphore_mem>>) src(%dma_wait3A_48 : memref<10000x128xf32, #tpu.memory_space<hbm>>) dst(%arg10 : memref<80x128xf32, #tpu.memory_space<vmem>>)
    "tpu.region"() ({
      %run_scoped3A = tpu.sem_alloc : memref<!tpu.dma_semaphore, #tpu.memory_space<semaphore_mem>>
      %dma_start3A_50 = arith.constant 9920 : i32
      %dma_start3A_51 = tpu.memref_slice %arg8[%dma_start3A_50] : memref<10000xi32, #tpu.memory_space<vmem>> -> memref<80xi32, #tpu.memory_space<vmem>>
      %dma_start3A_52 = arith.constant 0 : i32
      %dma_start3A_53 = arith.constant 0 : i32
      %dma_start3A_54 = tpu.memref_slice %arg12[%dma_start3A_52, %dma_start3A_53] : memref<10000x128xf32, #tpu.memory_space<vmem_shared>> -> memref<10000x128xf32, #tpu.memory_space<vmem_shared>>
      tpu.enqueue_indirect_dma source(%arg10 : memref<80x128xf32, #tpu.memory_space<vmem>>) target(%dma_start3A_54 : memref<10000x128xf32, #tpu.memory_space<vmem_shared>>) offsets(%dma_start3A_51 : memref<80xi32, #tpu.memory_space<vmem>>) semaphore(%run_scoped3A : memref<!tpu.dma_semaphore, #tpu.memory_space<semaphore_mem>>) {add = true}
      %dma_wait3A_55 = arith.constant 9920 : i32
      %dma_wait3A_56 = tpu.memref_slice %arg8[%dma_wait3A_55] : memref<10000xi32, #tpu.memory_space<vmem>> -> memref<80xi32, #tpu.memory_space<vmem>>
      %dma_wait3A_57 = arith.constant 0 : i32
      %dma_wait3A_58 = arith.constant 0 : i32
      %dma_wait3A_59 = tpu.memref_slice %arg12[%dma_wait3A_57, %dma_wait3A_58] : memref<10000x128xf32, #tpu.memory_space<vmem_shared>> -> memref<10000x128xf32, #tpu.memory_space<vmem_shared>>
      tpu.wait_indirect_dma semaphore(%run_scoped3A : memref<!tpu.dma_semaphore, #tpu.memory_space<semaphore_mem>>) src(%arg10 : memref<80x128xf32, #tpu.memory_space<vmem>>) dst(%dma_wait3A_59 : memref<10000x128xf32, #tpu.memory_space<vmem_shared>>)
      tpu.yield
    }) : () -> ()
    %barrier3A_49 = arith.constant 0 : index
    tpu.barrier barrier_id(%barrier3A_49)
    "tpu.region"() ({
      %run_scoped3A = tpu.sem_alloc : memref<!tpu.dma_semaphore, #tpu.memory_space<semaphore_mem>>
      %dma_start3A_50 = arith.constant 0 : i32
      %dma_start3A_51 = arith.constant 0 : i32
      %dma_start3A_52 = tpu.memref_slice %arg6[%arg0, %arg1, %dma_start3A_50, %dma_start3A_51] : memref<2x16x625x128xf32, #tpu.memory_space<hbm>> -> memref<1x1x625x128xf32, #tpu.memory_space<hbm>>
      %dma_start3A_53 = tpu.memref_squeeze %dma_start3A_52 : memref<1x1x625x128xf32, #tpu.memory_space<hbm>> -> memref<625x128xf32, #tpu.memory_space<hbm>>
      %dma_start3A_54 = arith.constant 0 : i32
      %dma_start3A_55 = tpu.memref_slice %arg12[%mul3A_7, %dma_start3A_54] : memref<10000x128xf32, #tpu.memory_space<vmem_shared>> -> memref<625x128xf32, #tpu.memory_space<vmem_shared>>
      tpu.enqueue_dma source(%dma_start3A_55 : memref<625x128xf32, #tpu.memory_space<vmem_shared>>) target(%dma_start3A_53 : memref<625x128xf32, #tpu.memory_space<hbm>>) target_semaphore(%run_scoped3A : memref<!tpu.dma_semaphore, #tpu.memory_space<semaphore_mem>>)
      %dma_wait3A_56 = arith.constant 0 : i32
      %dma_wait3A_57 = arith.constant 0 : i32
      %dma_wait3A_58 = tpu.memref_slice %arg6[%arg0, %arg1, %dma_wait3A_56, %dma_wait3A_57] : memref<2x16x625x128xf32, #tpu.memory_space<hbm>> -> memref<1x1x625x128xf32, #tpu.memory_space<hbm>>
      %dma_wait3A_59 = tpu.memref_squeeze %dma_wait3A_58 : memref<1x1x625x128xf32, #tpu.memory_space<hbm>> -> memref<625x128xf32, #tpu.memory_space<hbm>>
      %dma_wait3A_60 = arith.constant 0 : i32
      %dma_wait3A_61 = tpu.memref_slice %arg12[%mul3A_7, %dma_wait3A_60] : memref<10000x128xf32, #tpu.memory_space<vmem_shared>> -> memref<625x128xf32, #tpu.memory_space<vmem_shared>>
      tpu.wait_dma2 semaphore(%run_scoped3A : memref<!tpu.dma_semaphore, #tpu.memory_space<semaphore_mem>>) src(%dma_wait3A_61 : memref<625x128xf32, #tpu.memory_space<vmem_shared>>) dst(%dma_wait3A_59 : memref<625x128xf32, #tpu.memory_space<hbm>>)
      tpu.yield
    }) : () -> ()
    return
  }
}

#map = affine_map<(d0, d1) -> (0, 0)>
#map1 = affine_map<(d0, d1) -> (0)>
#map2 = affine_map<(d0, d1) -> (0, 0, 0)>
#map3 = affine_map<(d0, d1) -> (0, 0, 0, 0)>
module attributes {stable_mosaic.version = 14 : i64} {
  func.func @body(%arg0: i32, %arg1: i32, %arg2: memref<10000x128xf32, #tpu.memory_space<hbm>>, %arg3: memref<320000xi32, #tpu.memory_space<hbm>>, %arg4: memref<320000xi32, #tpu.memory_space<hbm>>, %arg5: memref<16x625x128xf32, #tpu.memory_space<hbm>>, %arg6: memref<2x16x625x128xf32, #tpu.memory_space<hbm>>, %arg7: memref<10000xi32, #tpu.memory_space<vmem>>, %arg8: memref<10000xi32, #tpu.memory_space<vmem>>, %arg9: memref<80x128xf32, #tpu.memory_space<vmem>>, %arg10: memref<80x128xf32, #tpu.memory_space<vmem>>, %arg11: memref<80x128xf32, #tpu.memory_space<vmem>>, %arg12: memref<10000x128xf32, #tpu.memory_space<vmem_shared>>, %arg13: memref<!tpu.dma_semaphore, #tpu.memory_space<semaphore_mem>>, %arg14: memref<!tpu.dma_semaphore, #tpu.memory_space<semaphore_mem>>, %arg15: memref<!tpu.dma_semaphore, #tpu.memory_space<semaphore_mem>>, %arg16: memref<!tpu.dma_semaphore, #tpu.memory_space<semaphore_mem>>, %arg17: memref<!tpu.dma_semaphore, #tpu.memory_space<semaphore_mem>>) attributes {dimension_semantics = [#tpu.dimension_semantics<core_parallel>, #tpu.dimension_semantics<subcore_parallel>], iteration_bounds = array<i64: 2, 16>, scalar_prefetch = 0 : i64, scratch_operands = 11 : i64, tpu.core_type = #tpu.core_type<sc_vector_subcore>, window_params = [{transform_indices = #map}, {transform_indices = #map1}, {transform_indices = #map1}, {transform_indices = #map2}, {transform_indices = #map3}]} {
    %mul3A = arith.constant 2 : i32
    %mul3A_0 = arith.muli %arg1, %mul3A : i32
    %add3A = arith.addi %mul3A_0, %arg0 : i32
    %mul3A_1 = arith.constant 10000 : i32
    %mul3A_2 = arith.muli %add3A, %mul3A_1 : i32
    %dma_start3A = tpu.memref_slice %arg3[%mul3A_2] : memref<320000xi32, #tpu.memory_space<hbm>> -> memref<10000xi32, #tpu.memory_space<hbm>>
    %dma_start3A_3 = tpu.memref_slice %arg3[%mul3A_2] : memref<320000xi32, #tpu.memory_space<hbm>> -> memref<10000xi32, #tpu.memory_space<hbm>>
    tpu.enqueue_dma source(%dma_start3A_3 : memref<10000xi32, #tpu.memory_space<hbm>>) target(%arg7 : memref<10000xi32, #tpu.memory_space<vmem>>) target_semaphore(%arg16 : memref<!tpu.dma_semaphore, #tpu.memory_space<semaphore_mem>>)
    %dma_start3A_4 = tpu.memref_slice %arg4[%mul3A_2] : memref<320000xi32, #tpu.memory_space<hbm>> -> memref<10000xi32, #tpu.memory_space<hbm>>
    %dma_start3A_5 = tpu.memref_slice %arg4[%mul3A_2] : memref<320000xi32, #tpu.memory_space<hbm>> -> memref<10000xi32, #tpu.memory_space<hbm>>
    tpu.enqueue_dma source(%dma_start3A_5 : memref<10000xi32, #tpu.memory_space<hbm>>) target(%arg8 : memref<10000xi32, #tpu.memory_space<vmem>>) target_semaphore(%arg16 : memref<!tpu.dma_semaphore, #tpu.memory_space<semaphore_mem>>)
    %mul3A_6 = arith.constant 625 : i32
    %mul3A_7 = arith.muli %arg1, %mul3A_6 : i32
    %dma_start3A_8 = arith.constant 0 : i32
    %dma_start3A_9 = tpu.memref_slice %arg12[%mul3A_7, %dma_start3A_8] : memref<10000x128xf32, #tpu.memory_space<vmem_shared>> -> memref<625x128xf32, #tpu.memory_space<vmem_shared>>
    %dma_start3A_10 = arith.constant 0 : i32
    %dma_start3A_11 = arith.constant 0 : i32
    %dma_start3A_12 = tpu.memref_slice %arg5[%arg1, %dma_start3A_10, %dma_start3A_11] : memref<16x625x128xf32, #tpu.memory_space<hbm>> -> memref<1x625x128xf32, #tpu.memory_space<hbm>>
    %dma_start3A_13 = tpu.memref_squeeze %dma_start3A_12 : memref<1x625x128xf32, #tpu.memory_space<hbm>> -> memref<625x128xf32, #tpu.memory_space<hbm>>
    tpu.enqueue_dma source(%dma_start3A_13 : memref<625x128xf32, #tpu.memory_space<hbm>>) target(%dma_start3A_9 : memref<625x128xf32, #tpu.memory_space<vmem_shared>>) target_semaphore(%arg17 : memref<!tpu.dma_semaphore, #tpu.memory_space<semaphore_mem>>)
    %dma_wait3A = arith.constant 0 : i32
    %dma_wait3A_14 = tpu.memref_slice %arg12[%mul3A_7, %dma_wait3A] : memref<10000x128xf32, #tpu.memory_space<vmem_shared>> -> memref<625x128xf32, #tpu.memory_space<vmem_shared>>
    %dma_wait3A_15 = arith.constant 0 : i32
    %dma_wait3A_16 = arith.constant 0 : i32
    %dma_wait3A_17 = tpu.memref_slice %arg5[%arg1, %dma_wait3A_15, %dma_wait3A_16] : memref<16x625x128xf32, #tpu.memory_space<hbm>> -> memref<1x625x128xf32, #tpu.memory_space<hbm>>
    %dma_wait3A_18 = tpu.memref_squeeze %dma_wait3A_17 : memref<1x625x128xf32, #tpu.memory_space<hbm>> -> memref<625x128xf32, #tpu.memory_space<hbm>>
    tpu.wait_dma2 semaphore(%arg17 : memref<!tpu.dma_semaphore, #tpu.memory_space<semaphore_mem>>) src(%dma_wait3A_18 : memref<625x128xf32, #tpu.memory_space<hbm>>) dst(%dma_wait3A_14 : memref<625x128xf32, #tpu.memory_space<vmem_shared>>)
    %barrier3A = arith.constant 0 : index
    tpu.barrier barrier_id(%barrier3A)
    %dma_wait3A_19 = tpu.memref_slice %arg3[%mul3A_2] : memref<320000xi32, #tpu.memory_space<hbm>> -> memref<10000xi32, #tpu.memory_space<hbm>>
    %dma_wait3A_20 = tpu.memref_slice %arg3[%mul3A_2] : memref<320000xi32, #tpu.memory_space<hbm>> -> memref<10000xi32, #tpu.memory_space<hbm>>
    tpu.wait_dma2 semaphore(%arg16 : memref<!tpu.dma_semaphore, #tpu.memory_space<semaphore_mem>>) src(%dma_wait3A_20 : memref<10000xi32, #tpu.memory_space<hbm>>) dst(%arg7 : memref<10000xi32, #tpu.memory_space<vmem>>)
    %dma_wait3A_21 = tpu.memref_slice %arg4[%mul3A_2] : memref<320000xi32, #tpu.memory_space<hbm>> -> memref<10000xi32, #tpu.memory_space<hbm>>
    %dma_wait3A_22 = tpu.memref_slice %arg4[%mul3A_2] : memref<320000xi32, #tpu.memory_space<hbm>> -> memref<10000xi32, #tpu.memory_space<hbm>>
    tpu.wait_dma2 semaphore(%arg16 : memref<!tpu.dma_semaphore, #tpu.memory_space<semaphore_mem>>) src(%dma_wait3A_22 : memref<10000xi32, #tpu.memory_space<hbm>>) dst(%arg8 : memref<10000xi32, #tpu.memory_space<vmem>>)
    %dma_start3A_23 = arith.constant 0 : i32
    %dma_start3A_24 = tpu.memref_slice %arg7[%dma_start3A_23] : memref<10000xi32, #tpu.memory_space<vmem>> -> memref<80xi32, #tpu.memory_space<vmem>>
    %dma_start3A_25 = arith.constant 0 : i32
    %dma_start3A_26 = arith.constant 0 : i32
    %dma_start3A_27 = tpu.memref_slice %arg2[%dma_start3A_25, %dma_start3A_26] : memref<10000x128xf32, #tpu.memory_space<hbm>> -> memref<10000x128xf32, #tpu.memory_space<hbm>>
    tpu.enqueue_indirect_dma source(%dma_start3A_27 : memref<10000x128xf32, #tpu.memory_space<hbm>>) target(%arg9 : memref<80x128xf32, #tpu.memory_space<vmem>>) offsets(%dma_start3A_24 : memref<80xi32, #tpu.memory_space<vmem>>) semaphore(%arg13 : memref<!tpu.dma_semaphore, #tpu.memory_space<semaphore_mem>>)
    %dma_start3A_28 = arith.constant 80 : i32
    %dma_start3A_29 = tpu.memref_slice %arg7[%dma_start3A_28] : memref<10000xi32, #tpu.memory_space<vmem>> -> memref<80xi32, #tpu.memory_space<vmem>>
    %dma_start3A_30 = arith.constant 0 : i32
    %dma_start3A_31 = arith.constant 0 : i32
    %dma_start3A_32 = tpu.memref_slice %arg2[%dma_start3A_30, %dma_start3A_31] : memref<10000x128xf32, #tpu.memory_space<hbm>> -> memref<10000x128xf32, #tpu.memory_space<hbm>>
    tpu.enqueue_indirect_dma source(%dma_start3A_32 : memref<10000x128xf32, #tpu.memory_space<hbm>>) target(%arg10 : memref<80x128xf32, #tpu.memory_space<vmem>>) offsets(%dma_start3A_29 : memref<80xi32, #tpu.memory_space<vmem>>) semaphore(%arg14 : memref<!tpu.dma_semaphore, #tpu.memory_space<semaphore_mem>>)
    %scan3A = arith.constant 0 : i32
    %scan3A_33 = arith.constant 0 : i32
    %scan3A_34 = arith.constant 41 : i32
    %scan3A_35 = arith.addi %scan3A_33, %scan3A_34 : i32
    %scan3A_36 = arith.constant 1 : i32
    %scan3A_37 = scf.for %scan3A_50 = %scan3A_33 to %scan3A_35 step %scan3A_36 iter_args(%scan3A_51 = %scan3A) -> (i32)  : i32 {
      %mul3A_52 = arith.constant 3 : i32
      %mul3A_53 = arith.muli %mul3A_52, %scan3A_50 : i32
      %add3A_54 = arith.constant 0 : i32
      %add3A_55 = arith.addi %mul3A_53, %add3A_54 : i32
      %mul3A_56 = arith.constant 80 : i32
      %mul3A_57 = arith.muli %add3A_55, %mul3A_56 : i32
      %dma_wait3A_58 = tpu.memref_slice %arg7[%mul3A_57] : memref<10000xi32, #tpu.memory_space<vmem>> -> memref<80xi32, #tpu.memory_space<vmem>>
      %dma_wait3A_59 = arith.constant 0 : i32
      %dma_wait3A_60 = arith.constant 0 : i32
      %dma_wait3A_61 = tpu.memref_slice %arg2[%dma_wait3A_59, %dma_wait3A_60] : memref<10000x128xf32, #tpu.memory_space<hbm>> -> memref<10000x128xf32, #tpu.memory_space<hbm>>
      tpu.wait_indirect_dma semaphore(%arg13 : memref<!tpu.dma_semaphore, #tpu.memory_space<semaphore_mem>>) src(%dma_wait3A_61 : memref<10000x128xf32, #tpu.memory_space<hbm>>) dst(%arg9 : memref<80x128xf32, #tpu.memory_space<vmem>>)
      %add3A_62 = arith.constant 3 : i32
      %add3A_63 = arith.addi %add3A_55, %add3A_62 : i32
      %sub3A = arith.constant 1 : i32
      %sub3A_64 = arith.subi %add3A_63, %sub3A : i32
      %mul3A_65 = arith.constant 80 : i32
      %mul3A_66 = arith.muli %sub3A_64, %mul3A_65 : i32
      %dma_start3A_67 = tpu.memref_slice %arg7[%mul3A_66] : memref<10000xi32, #tpu.memory_space<vmem>> -> memref<80xi32, #tpu.memory_space<vmem>>
      %dma_start3A_68 = arith.constant 0 : i32
      %dma_start3A_69 = arith.constant 0 : i32
      %dma_start3A_70 = tpu.memref_slice %arg2[%dma_start3A_68, %dma_start3A_69] : memref<10000x128xf32, #tpu.memory_space<hbm>> -> memref<10000x128xf32, #tpu.memory_space<hbm>>
      tpu.enqueue_indirect_dma source(%dma_start3A_70 : memref<10000x128xf32, #tpu.memory_space<hbm>>) target(%arg11 : memref<80x128xf32, #tpu.memory_space<vmem>>) offsets(%dma_start3A_67 : memref<80xi32, #tpu.memory_space<vmem>>) semaphore(%arg15 : memref<!tpu.dma_semaphore, #tpu.memory_space<semaphore_mem>>)
      %mul3A_71 = arith.constant 80 : i32
      %mul3A_72 = arith.muli %add3A_55, %mul3A_71 : i32
      "tpu.region"() ({
        %run_scoped3A = tpu.sem_alloc : memref<!tpu.dma_semaphore, #tpu.memory_space<semaphore_mem>>
        %dma_start3A_118 = tpu.memref_slice %arg8[%mul3A_72] : memref<10000xi32, #tpu.memory_space<vmem>> -> memref<80xi32, #tpu.memory_space<vmem>>
        %dma_start3A_119 = arith.constant 0 : i32
        %dma_start3A_120 = arith.constant 0 : i32
        %dma_start3A_121 = tpu.memref_slice %arg12[%dma_start3A_119, %dma_start3A_120] : memref<10000x128xf32, #tpu.memory_space<vmem_shared>> -> memref<10000x128xf32, #tpu.memory_space<vmem_shared>>
        tpu.enqueue_indirect_dma source(%arg9 : memref<80x128xf32, #tpu.memory_space<vmem>>) target(%dma_start3A_121 : memref<10000x128xf32, #tpu.memory_space<vmem_shared>>) offsets(%dma_start3A_118 : memref<80xi32, #tpu.memory_space<vmem>>) semaphore(%run_scoped3A : memref<!tpu.dma_semaphore, #tpu.memory_space<semaphore_mem>>) {add = true}
        %dma_wait3A_122 = tpu.memref_slice %arg8[%mul3A_72] : memref<10000xi32, #tpu.memory_space<vmem>> -> memref<80xi32, #tpu.memory_space<vmem>>
        %dma_wait3A_123 = arith.constant 0 : i32
        %dma_wait3A_124 = arith.constant 0 : i32
        %dma_wait3A_125 = tpu.memref_slice %arg12[%dma_wait3A_123, %dma_wait3A_124] : memref<10000x128xf32, #tpu.memory_space<vmem_shared>> -> memref<10000x128xf32, #tpu.memory_space<vmem_shared>>
        tpu.wait_indirect_dma semaphore(%run_scoped3A : memref<!tpu.dma_semaphore, #tpu.memory_space<semaphore_mem>>) src(%arg9 : memref<80x128xf32, #tpu.memory_space<vmem>>) dst(%dma_wait3A_125 : memref<10000x128xf32, #tpu.memory_space<vmem_shared>>)
        tpu.yield
      }) : () -> ()
      %mul3A_73 = arith.constant 3 : i32
      %mul3A_74 = arith.muli %mul3A_73, %scan3A_50 : i32
      %add3A_75 = arith.constant 1 : i32
      %add3A_76 = arith.addi %mul3A_74, %add3A_75 : i32
      %mul3A_77 = arith.constant 80 : i32
      %mul3A_78 = arith.muli %add3A_76, %mul3A_77 : i32
      %dma_wait3A_79 = tpu.memref_slice %arg7[%mul3A_78] : memref<10000xi32, #tpu.memory_space<vmem>> -> memref<80xi32, #tpu.memory_space<vmem>>
      %dma_wait3A_80 = arith.constant 0 : i32
      %dma_wait3A_81 = arith.constant 0 : i32
      %dma_wait3A_82 = tpu.memref_slice %arg2[%dma_wait3A_80, %dma_wait3A_81] : memref<10000x128xf32, #tpu.memory_space<hbm>> -> memref<10000x128xf32, #tpu.memory_space<hbm>>
      tpu.wait_indirect_dma semaphore(%arg14 : memref<!tpu.dma_semaphore, #tpu.memory_space<semaphore_mem>>) src(%dma_wait3A_82 : memref<10000x128xf32, #tpu.memory_space<hbm>>) dst(%arg10 : memref<80x128xf32, #tpu.memory_space<vmem>>)
      %add3A_83 = arith.constant 3 : i32
      %add3A_84 = arith.addi %add3A_76, %add3A_83 : i32
      %sub3A_85 = arith.constant 1 : i32
      %sub3A_86 = arith.subi %add3A_84, %sub3A_85 : i32
      %mul3A_87 = arith.constant 80 : i32
      %mul3A_88 = arith.muli %sub3A_86, %mul3A_87 : i32
      %dma_start3A_89 = tpu.memref_slice %arg7[%mul3A_88] : memref<10000xi32, #tpu.memory_space<vmem>> -> memref<80xi32, #tpu.memory_space<vmem>>
      %dma_start3A_90 = arith.constant 0 : i32
      %dma_start3A_91 = arith.constant 0 : i32
      %dma_start3A_92 = tpu.memref_slice %arg2[%dma_start3A_90, %dma_start3A_91] : memref<10000x128xf32, #tpu.memory_space<hbm>> -> memref<10000x128xf32, #tpu.memory_space<hbm>>
      tpu.enqueue_indirect_dma source(%dma_start3A_92 : memref<10000x128xf32, #tpu.memory_space<hbm>>) target(%arg9 : memref<80x128xf32, #tpu.memory_space<vmem>>) offsets(%dma_start3A_89 : memref<80xi32, #tpu.memory_space<vmem>>) semaphore(%arg13 : memref<!tpu.dma_semaphore, #tpu.memory_space<semaphore_mem>>)
      %mul3A_93 = arith.constant 80 : i32
      %mul3A_94 = arith.muli %add3A_76, %mul3A_93 : i32
      "tpu.region"() ({
        %run_scoped3A = tpu.sem_alloc : memref<!tpu.dma_semaphore, #tpu.memory_space<semaphore_mem>>
        %dma_start3A_118 = tpu.memref_slice %arg8[%mul3A_94] : memref<10000xi32, #tpu.memory_space<vmem>> -> memref<80xi32, #tpu.memory_space<vmem>>
        %dma_start3A_119 = arith.constant 0 : i32
        %dma_start3A_120 = arith.constant 0 : i32
        %dma_start3A_121 = tpu.memref_slice %arg12[%dma_start3A_119, %dma_start3A_120] : memref<10000x128xf32, #tpu.memory_space<vmem_shared>> -> memref<10000x128xf32, #tpu.memory_space<vmem_shared>>
        tpu.enqueue_indirect_dma source(%arg10 : memref<80x128xf32, #tpu.memory_space<vmem>>) target(%dma_start3A_121 : memref<10000x128xf32, #tpu.memory_space<vmem_shared>>) offsets(%dma_start3A_118 : memref<80xi32, #tpu.memory_space<vmem>>) semaphore(%run_scoped3A : memref<!tpu.dma_semaphore, #tpu.memory_space<semaphore_mem>>) {add = true}
        %dma_wait3A_122 = tpu.memref_slice %arg8[%mul3A_94] : memref<10000xi32, #tpu.memory_space<vmem>> -> memref<80xi32, #tpu.memory_space<vmem>>
        %dma_wait3A_123 = arith.constant 0 : i32
        %dma_wait3A_124 = arith.constant 0 : i32
        %dma_wait3A_125 = tpu.memref_slice %arg12[%dma_wait3A_123, %dma_wait3A_124] : memref<10000x128xf32, #tpu.memory_space<vmem_shared>> -> memref<10000x128xf32, #tpu.memory_space<vmem_shared>>
        tpu.wait_indirect_dma semaphore(%run_scoped3A : memref<!tpu.dma_semaphore, #tpu.memory_space<semaphore_mem>>) src(%arg10 : memref<80x128xf32, #tpu.memory_space<vmem>>) dst(%dma_wait3A_125 : memref<10000x128xf32, #tpu.memory_space<vmem_shared>>)
        tpu.yield
      }) : () -> ()
      %mul3A_95 = arith.constant 3 : i32
      %mul3A_96 = arith.muli %mul3A_95, %scan3A_50 : i32
      %add3A_97 = arith.constant 2 : i32
      %add3A_98 = arith.addi %mul3A_96, %add3A_97 : i32
      %mul3A_99 = arith.constant 80 : i32
      %mul3A_100 = arith.muli %add3A_98, %mul3A_99 : i32
      %dma_wait3A_101 = tpu.memref_slice %arg7[%mul3A_100] : memref<10000xi32, #tpu.memory_space<vmem>> -> memref<80xi32, #tpu.memory_space<vmem>>
      %dma_wait3A_102 = arith.constant 0 : i32
      %dma_wait3A_103 = arith.constant 0 : i32
      %dma_wait3A_104 = tpu.memref_slice %arg2[%dma_wait3A_102, %dma_wait3A_103] : memref<10000x128xf32, #tpu.memory_space<hbm>> -> memref<10000x128xf32, #tpu.memory_space<hbm>>
      tpu.wait_indirect_dma semaphore(%arg15 : memref<!tpu.dma_semaphore, #tpu.memory_space<semaphore_mem>>) src(%dma_wait3A_104 : memref<10000x128xf32, #tpu.memory_space<hbm>>) dst(%arg11 : memref<80x128xf32, #tpu.memory_space<vmem>>)
      %add3A_105 = arith.constant 3 : i32
      %add3A_106 = arith.addi %add3A_98, %add3A_105 : i32
      %sub3A_107 = arith.constant 1 : i32
      %sub3A_108 = arith.subi %add3A_106, %sub3A_107 : i32
      %mul3A_109 = arith.constant 80 : i32
      %mul3A_110 = arith.muli %sub3A_108, %mul3A_109 : i32
      %dma_start3A_111 = tpu.memref_slice %arg7[%mul3A_110] : memref<10000xi32, #tpu.memory_space<vmem>> -> memref<80xi32, #tpu.memory_space<vmem>>
      %dma_start3A_112 = arith.constant 0 : i32
      %dma_start3A_113 = arith.constant 0 : i32
      %dma_start3A_114 = tpu.memref_slice %arg2[%dma_start3A_112, %dma_start3A_113] : memref<10000x128xf32, #tpu.memory_space<hbm>> -> memref<10000x128xf32, #tpu.memory_space<hbm>>
      tpu.enqueue_indirect_dma source(%dma_start3A_114 : memref<10000x128xf32, #tpu.memory_space<hbm>>) target(%arg10 : memref<80x128xf32, #tpu.memory_space<vmem>>) offsets(%dma_start3A_111 : memref<80xi32, #tpu.memory_space<vmem>>) semaphore(%arg14 : memref<!tpu.dma_semaphore, #tpu.memory_space<semaphore_mem>>)
      %mul3A_115 = arith.constant 80 : i32
      %mul3A_116 = arith.muli %add3A_98, %mul3A_115 : i32
      "tpu.region"() ({
        %run_scoped3A = tpu.sem_alloc : memref<!tpu.dma_semaphore, #tpu.memory_space<semaphore_mem>>
        %dma_start3A_118 = tpu.memref_slice %arg8[%mul3A_116] : memref<10000xi32, #tpu.memory_space<vmem>> -> memref<80xi32, #tpu.memory_space<vmem>>
        %dma_start3A_119 = arith.constant 0 : i32
        %dma_start3A_120 = arith.constant 0 : i32
        %dma_start3A_121 = tpu.memref_slice %arg12[%dma_start3A_119, %dma_start3A_120] : memref<10000x128xf32, #tpu.memory_space<vmem_shared>> -> memref<10000x128xf32, #tpu.memory_space<vmem_shared>>
        tpu.enqueue_indirect_dma source(%arg11 : memref<80x128xf32, #tpu.memory_space<vmem>>) target(%dma_start3A_121 : memref<10000x128xf32, #tpu.memory_space<vmem_shared>>) offsets(%dma_start3A_118 : memref<80xi32, #tpu.memory_space<vmem>>) semaphore(%run_scoped3A : memref<!tpu.dma_semaphore, #tpu.memory_space<semaphore_mem>>) {add = true}
        %dma_wait3A_122 = tpu.memref_slice %arg8[%mul3A_116] : memref<10000xi32, #tpu.memory_space<vmem>> -> memref<80xi32, #tpu.memory_space<vmem>>
        %dma_wait3A_123 = arith.constant 0 : i32
        %dma_wait3A_124 = arith.constant 0 : i32
        %dma_wait3A_125 = tpu.memref_slice %arg12[%dma_wait3A_123, %dma_wait3A_124] : memref<10000x128xf32, #tpu.memory_space<vmem_shared>> -> memref<10000x128xf32, #tpu.memory_space<vmem_shared>>
        tpu.wait_indirect_dma semaphore(%run_scoped3A : memref<!tpu.dma_semaphore, #tpu.memory_space<semaphore_mem>>) src(%arg11 : memref<80x128xf32, #tpu.memory_space<vmem>>) dst(%dma_wait3A_125 : memref<10000x128xf32, #tpu.memory_space<vmem_shared>>)
        tpu.yield
      }) : () -> ()
      %scan3A_117 = arith.constant 0 : i32
      scf.yield %scan3A_117 : i32
    }
    %scan3A_38 = arith.constant 41 : i32
    %dma_wait3A_39 = arith.constant 9840 : i32
    %dma_wait3A_40 = tpu.memref_slice %arg7[%dma_wait3A_39] : memref<10000xi32, #tpu.memory_space<vmem>> -> memref<80xi32, #tpu.memory_space<vmem>>
    %dma_wait3A_41 = arith.constant 0 : i32
    %dma_wait3A_42 = arith.constant 0 : i32
    %dma_wait3A_43 = tpu.memref_slice %arg2[%dma_wait3A_41, %dma_wait3A_42] : memref<10000x128xf32, #tpu.memory_space<hbm>> -> memref<10000x128xf32, #tpu.memory_space<hbm>>
    tpu.wait_indirect_dma semaphore(%arg13 : memref<!tpu.dma_semaphore, #tpu.memory_space<semaphore_mem>>) src(%dma_wait3A_43 : memref<10000x128xf32, #tpu.memory_space<hbm>>) dst(%arg9 : memref<80x128xf32, #tpu.memory_space<vmem>>)
    "tpu.region"() ({
      %run_scoped3A = tpu.sem_alloc : memref<!tpu.dma_semaphore, #tpu.memory_space<semaphore_mem>>
      %dma_start3A_50 = arith.constant 9840 : i32
      %dma_start3A_51 = tpu.memref_slice %arg8[%dma_start3A_50] : memref<10000xi32, #tpu.memory_space<vmem>> -> memref<80xi32, #tpu.memory_space<vmem>>
      %dma_start3A_52 = arith.constant 0 : i32
      %dma_start3A_53 = arith.constant 0 : i32
      %dma_start3A_54 = tpu.memref_slice %arg12[%dma_start3A_52, %dma_start3A_53] : memref<10000x128xf32, #tpu.memory_space<vmem_shared>> -> memref<10000x128xf32, #tpu.memory_space<vmem_shared>>
      tpu.enqueue_indirect_dma source(%arg9 : memref<80x128xf32, #tpu.memory_space<vmem>>) target(%dma_start3A_54 : memref<10000x128xf32, #tpu.memory_space<vmem_shared>>) offsets(%dma_start3A_51 : memref<80xi32, #tpu.memory_space<vmem>>) semaphore(%run_scoped3A : memref<!tpu.dma_semaphore, #tpu.memory_space<semaphore_mem>>) {add = true}
      %dma_wait3A_55 = arith.constant 9840 : i32
      %dma_wait3A_56 = tpu.memref_slice %arg8[%dma_wait3A_55] : memref<10000xi32, #tpu.memory_space<vmem>> -> memref<80xi32, #tpu.memory_space<vmem>>
      %dma_wait3A_57 = arith.constant 0 : i32
      %dma_wait3A_58 = arith.constant 0 : i32
      %dma_wait3A_59 = tpu.memref_slice %arg12[%dma_wait3A_57, %dma_wait3A_58] : memref<10000x128xf32, #tpu.memory_space<vmem_shared>> -> memref<10000x128xf32, #tpu.memory_space<vmem_shared>>
      tpu.wait_indirect_dma semaphore(%run_scoped3A : memref<!tpu.dma_semaphore, #tpu.memory_space<semaphore_mem>>) src(%arg9 : memref<80x128xf32, #tpu.memory_space<vmem>>) dst(%dma_wait3A_59 : memref<10000x128xf32, #tpu.memory_space<vmem_shared>>)
      tpu.yield
    }) : () -> ()
    %dma_wait3A_44 = arith.constant 9920 : i32
    %dma_wait3A_45 = tpu.memref_slice %arg7[%dma_wait3A_44] : memref<10000xi32, #tpu.memory_space<vmem>> -> memref<80xi32, #tpu.memory_space<vmem>>
    %dma_wait3A_46 = arith.constant 0 : i32
    %dma_wait3A_47 = arith.constant 0 : i32
    %dma_wait3A_48 = tpu.memref_slice %arg2[%dma_wait3A_46, %dma_wait3A_47] : memref<10000x128xf32, #tpu.memory_space<hbm>> -> memref<10000x128xf32, #tpu.memory_space<hbm>>
    tpu.wait_indirect_dma semaphore(%arg14 : memref<!tpu.dma_semaphore, #tpu.memory_space<semaphore_mem>>) src(%dma_wait3A_48 : memref<10000x128xf32, #tpu.memory_space<hbm>>) dst(%arg10 : memref<80x128xf32, #tpu.memory_space<vmem>>)
    "tpu.region"() ({
      %run_scoped3A = tpu.sem_alloc : memref<!tpu.dma_semaphore, #tpu.memory_space<semaphore_mem>>
      %dma_start3A_50 = arith.constant 9920 : i32
      %dma_start3A_51 = tpu.memref_slice %arg8[%dma_start3A_50] : memref<10000xi32, #tpu.memory_space<vmem>> -> memref<80xi32, #tpu.memory_space<vmem>>
      %dma_start3A_52 = arith.constant 0 : i32
      %dma_start3A_53 = arith.constant 0 : i32
      %dma_start3A_54 = tpu.memref_slice %arg12[%dma_start3A_52, %dma_start3A_53] : memref<10000x128xf32, #tpu.memory_space<vmem_shared>> -> memref<10000x128xf32, #tpu.memory_space<vmem_shared>>
      tpu.enqueue_indirect_dma source(%arg10 : memref<80x128xf32, #tpu.memory_space<vmem>>) target(%dma_start3A_54 : memref<10000x128xf32, #tpu.memory_space<vmem_shared>>) offsets(%dma_start3A_51 : memref<80xi32, #tpu.memory_space<vmem>>) semaphore(%run_scoped3A : memref<!tpu.dma_semaphore, #tpu.memory_space<semaphore_mem>>) {add = true}
      %dma_wait3A_55 = arith.constant 9920 : i32
      %dma_wait3A_56 = tpu.memref_slice %arg8[%dma_wait3A_55] : memref<10000xi32, #tpu.memory_space<vmem>> -> memref<80xi32, #tpu.memory_space<vmem>>
      %dma_wait3A_57 = arith.constant 0 : i32
      %dma_wait3A_58 = arith.constant 0 : i32
      %dma_wait3A_59 = tpu.memref_slice %arg12[%dma_wait3A_57, %dma_wait3A_58] : memref<10000x128xf32, #tpu.memory_space<vmem_shared>> -> memref<10000x128xf32, #tpu.memory_space<vmem_shared>>
      tpu.wait_indirect_dma semaphore(%run_scoped3A : memref<!tpu.dma_semaphore, #tpu.memory_space<semaphore_mem>>) src(%arg10 : memref<80x128xf32, #tpu.memory_space<vmem>>) dst(%dma_wait3A_59 : memref<10000x128xf32, #tpu.memory_space<vmem_shared>>)
      tpu.yield
    }) : () -> ()
    %barrier3A_49 = arith.constant 0 : index
    tpu.barrier barrier_id(%barrier3A_49)
    "tpu.region"() ({
      %run_scoped3A = tpu.sem_alloc : memref<!tpu.dma_semaphore, #tpu.memory_space<semaphore_mem>>
      %dma_start3A_50 = arith.constant 0 : i32
      %dma_start3A_51 = arith.constant 0 : i32
      %dma_start3A_52 = tpu.memref_slice %arg6[%arg0, %arg1, %dma_start3A_50, %dma_start3A_51] : memref<2x16x625x128xf32, #tpu.memory_space<hbm>> -> memref<1x1x625x128xf32, #tpu.memory_space<hbm>>
      %dma_start3A_53 = tpu.memref_squeeze %dma_start3A_52 : memref<1x1x625x128xf32, #tpu.memory_space<hbm>> -> memref<625x128xf32, #tpu.memory_space<hbm>>
      %dma_start3A_54 = arith.constant 0 : i32
      %dma_start3A_55 = tpu.memref_slice %arg12[%mul3A_7, %dma_start3A_54] : memref<10000x128xf32, #tpu.memory_space<vmem_shared>> -> memref<625x128xf32, #tpu.memory_space<vmem_shared>>
      tpu.enqueue_dma source(%dma_start3A_55 : memref<625x128xf32, #tpu.memory_space<vmem_shared>>) target(%dma_start3A_53 : memref<625x128xf32, #tpu.memory_space<hbm>>) target_semaphore(%run_scoped3A : memref<!tpu.dma_semaphore, #tpu.memory_space<semaphore_mem>>)
      %dma_wait3A_56 = arith.constant 0 : i32
      %dma_wait3A_57 = arith.constant 0 : i32
      %dma_wait3A_58 = tpu.memref_slice %arg6[%arg0, %arg1, %dma_wait3A_56, %dma_wait3A_57] : memref<2x16x625x128xf32, #tpu.memory_space<hbm>> -> memref<1x1x625x128xf32, #tpu.memory_space<hbm>>
      %dma_wait3A_59 = tpu.memref_squeeze %dma_wait3A_58 : memref<1x1x625x128xf32, #tpu.memory_space<hbm>> -> memref<625x128xf32, #tpu.memory_space<hbm>>
      %dma_wait3A_60 = arith.constant 0 : i32
      %dma_wait3A_61 = tpu.memref_slice %arg12[%mul3A_7, %dma_wait3A_60] : memref<10000x128xf32, #tpu.memory_space<vmem_shared>> -> memref<625x128xf32, #tpu.memory_space<vmem_shared>>
      tpu.wait_dma2 semaphore(%run_scoped3A : memref<!tpu.dma_semaphore, #tpu.memory_space<semaphore_mem>>) src(%dma_wait3A_61 : memref<625x128xf32, #tpu.memory_space<vmem_shared>>) dst(%dma_wait3A_59 : memref<625x128xf32, #tpu.memory_space<hbm>>)
      tpu.yield
    }) : () -> ()
    return
  }
}

module attributes {stable_mosaic.version = 14 : i64} {
  func.func @body(%arg0: i32, %arg1: memref<2x1000x128xf32, #tpu.memory_space<vmem>>, %arg2: memref<2x1000x1xf32, #tpu.memory_space<vmem>>, %arg3: memref<1000x128xf32, #tpu.memory_space<vmem>>, %arg4: memref<128x256xf32, #tpu.memory_space<vmem>>, %arg5: memref<1x256xf32, #tpu.memory_space<vmem>>, %arg6: memref<128x256xf32, #tpu.memory_space<vmem>>, %arg7: memref<256x128xf32, #tpu.memory_space<vmem>>, %arg8: memref<1x128xf32, #tpu.memory_space<vmem>>, %arg9: memref<256x128xf32, #tpu.memory_space<vmem>>, %arg10: memref<1000x128xf32, #tpu.memory_space<vmem>>, %arg11: memref<1000x128xf32, #tpu.memory_space<vmem>>) attributes {dimension_semantics = [#tpu.dimension_semantics<arbitrary>], iteration_bounds = array<i64: 10>, scalar_prefetch = 0 : i64, scratch_operands = 0 : i64, tpu.core_type = #tpu.core_type<tc>, window_params = [{transform_indices = @transform_0, window_bounds = array<i64: 2, 1000, 128>}, {transform_indices = @transform_1, window_bounds = array<i64: 2, 1000, 1>}, {transform_indices = @transform_2, window_bounds = array<i64: 1000, 128>}, {pipeline_mode = #tpu.pipeline_mode<synchronous>, transform_indices = @transform_3, window_bounds = array<i64: 128, 256>}, {pipeline_mode = #tpu.pipeline_mode<synchronous>, transform_indices = @transform_4, window_bounds = array<i64: 1, 256>}, {pipeline_mode = #tpu.pipeline_mode<synchronous>, transform_indices = @transform_5, window_bounds = array<i64: 128, 256>}, {pipeline_mode = #tpu.pipeline_mode<synchronous>, transform_indices = @transform_6, window_bounds = array<i64: 256, 128>}, {pipeline_mode = #tpu.pipeline_mode<synchronous>, transform_indices = @transform_7, window_bounds = array<i64: 1, 128>}, {pipeline_mode = #tpu.pipeline_mode<synchronous>, transform_indices = @transform_8, window_bounds = array<i64: 256, 128>}, {transform_indices = @transform_9, window_bounds = array<i64: 1000, 128>}, {transform_indices = @transform_10, window_bounds = array<i64: 1000, 128>}]} {
    %get3A = arith.constant 0 : index
    %get3A_0 = arith.constant 0 : index
    %get3A_1 = arith.constant 0 : index
    %get3A_2 = vector.load %arg1[%get3A, %get3A_0, %get3A_1] : memref<2x1000x128xf32, #tpu.memory_space<vmem>>, vector<1x1000x128xf32>
    %get3A_3 = vector.shape_cast %get3A_2 : vector<1x1000x128xf32> to vector<1000x128xf32>
    %get3A_4 = arith.constant 1 : index
    %get3A_5 = arith.constant 0 : index
    %get3A_6 = arith.constant 0 : index
    %get3A_7 = vector.load %arg1[%get3A_4, %get3A_5, %get3A_6] : memref<2x1000x128xf32, #tpu.memory_space<vmem>>, vector<1x1000x128xf32>
    %get3A_8 = vector.shape_cast %get3A_7 : vector<1x1000x128xf32> to vector<1000x128xf32>
    %add3A = arith.addf %get3A_3, %get3A_8 : vector<1000x128xf32>
    %get3A_9 = arith.constant 0 : index
    %get3A_10 = arith.constant 0 : index
    %get3A_11 = arith.constant 0 : index
    %get3A_12 = vector.load %arg2[%get3A_9, %get3A_10, %get3A_11] : memref<2x1000x1xf32, #tpu.memory_space<vmem>>, vector<1x1000x1xf32>
    %get3A_13 = vector.shape_cast %get3A_12 : vector<1x1000x1xf32> to vector<1000x1xf32>
    %get3A_14 = arith.constant 1 : index
    %get3A_15 = arith.constant 0 : index
    %get3A_16 = arith.constant 0 : index
    %get3A_17 = vector.load %arg2[%get3A_14, %get3A_15, %get3A_16] : memref<2x1000x1xf32, #tpu.memory_space<vmem>>, vector<1x1000x1xf32>
    %get3A_18 = vector.shape_cast %get3A_17 : vector<1x1000x1xf32> to vector<1000x1xf32>
    %add3A_19 = arith.addf %get3A_13, %get3A_18 : vector<1000x1xf32>
    %max3A = arith.constant 1.000000e+00 : f32
    %max3A_20 = vector.broadcast %max3A : f32 to vector<1000x1xf32>
    %max3A_21 = arith.maximumf %add3A_19, %max3A_20 : vector<1000x1xf32>
    %div3A = vector.broadcast %max3A_21 : vector<1000x1xf32> to vector<1000x128xf32>
    %div3A_22 = arith.divf %add3A, %div3A : vector<1000x128xf32>
    %get3A_23 = arith.constant 0 : index
    %get3A_24 = arith.constant 0 : index
    %get3A_25 = vector.load %arg4[%get3A_23, %get3A_24] : memref<128x256xf32, #tpu.memory_space<vmem>>, vector<128x256xf32>
    %dot_general3A = arith.constant dense<0.000000e+00> : vector<1000x256xf32>
    %dot_general3A_26 = tpu.matmul %div3A_22, %get3A_25, %dot_general3A {dimension_numbers = #tpu.dot_dimension_numbers<[1], [0], [0], [1], [0, 0, 1, 1], [], []>, transpose_lhs_hint = false} : vector<1000x128xf32>, vector<128x256xf32>, vector<1000x256xf32> -> vector<1000x256xf32>
    %get3A_27 = arith.constant 0 : index
    %get3A_28 = arith.constant 0 : index
    %get3A_29 = vector.load %arg5[%get3A_27, %get3A_28] : memref<1x256xf32, #tpu.memory_space<vmem>>, vector<1x256xf32>
    %add3A_30 = vector.broadcast %get3A_29 : vector<1x256xf32> to vector<1000x256xf32>
    %add3A_31 = arith.addf %dot_general3A_26, %add3A_30 : vector<1000x256xf32>
    %get3A_32 = arith.constant 0 : index
    %get3A_33 = arith.constant 0 : index
    %get3A_34 = vector.load %arg3[%get3A_32, %get3A_33] : memref<1000x128xf32, #tpu.memory_space<vmem>>, vector<1000x128xf32>
    %get3A_35 = arith.constant 0 : index
    %get3A_36 = arith.constant 0 : index
    %get3A_37 = vector.load %arg6[%get3A_35, %get3A_36] : memref<128x256xf32, #tpu.memory_space<vmem>>, vector<128x256xf32>
    %dot_general3A_38 = arith.constant dense<0.000000e+00> : vector<1000x256xf32>
    %dot_general3A_39 = tpu.matmul %get3A_34, %get3A_37, %dot_general3A_38 {dimension_numbers = #tpu.dot_dimension_numbers<[1], [0], [0], [1], [0, 0, 1, 1], [], []>, transpose_lhs_hint = false} : vector<1000x128xf32>, vector<128x256xf32>, vector<1000x256xf32> -> vector<1000x256xf32>
    %add3A_40 = arith.addf %add3A_31, %dot_general3A_39 : vector<1000x256xf32>
    %max3A_41 = arith.constant 0.000000e+00 : f32
    %max3A_42 = vector.broadcast %max3A_41 : f32 to vector<1000x256xf32>
    %max3A_43 = arith.maximumf %add3A_40, %max3A_42 : vector<1000x256xf32>
    %get3A_44 = arith.constant 0 : index
    %get3A_45 = arith.constant 0 : index
    %get3A_46 = vector.load %arg7[%get3A_44, %get3A_45] : memref<256x128xf32, #tpu.memory_space<vmem>>, vector<256x128xf32>
    %dot_general3A_47 = arith.constant dense<0.000000e+00> : vector<1000x128xf32>
    %dot_general3A_48 = tpu.matmul %max3A_43, %get3A_46, %dot_general3A_47 {dimension_numbers = #tpu.dot_dimension_numbers<[1], [0], [0], [1], [0, 0, 1, 1], [], []>, transpose_lhs_hint = false} : vector<1000x256xf32>, vector<256x128xf32>, vector<1000x128xf32> -> vector<1000x128xf32>
    %swap3A = arith.constant 0 : index
    %swap3A_49 = arith.constant 0 : index
    %swap3A_50 = vector.load %arg10[%swap3A, %swap3A_49] : memref<1000x128xf32, #tpu.memory_space<vmem>>, vector<1000x128xf32>
    tpu.vector_store %arg10[%swap3A, %swap3A_49], %dot_general3A_48 {strides = array<i32>} : memref<1000x128xf32, #tpu.memory_space<vmem>>, vector<1000x128xf32>,
    %get3A_51 = arith.constant 0 : index
    %get3A_52 = arith.constant 0 : index
    %get3A_53 = vector.load %arg9[%get3A_51, %get3A_52] : memref<256x128xf32, #tpu.memory_space<vmem>>, vector<256x128xf32>
    %dot_general3A_54 = arith.constant dense<0.000000e+00> : vector<1000x128xf32>
    %dot_general3A_55 = tpu.matmul %max3A_43, %get3A_53, %dot_general3A_54 {dimension_numbers = #tpu.dot_dimension_numbers<[1], [0], [0], [1], [0, 0, 1, 1], [], []>, transpose_lhs_hint = false} : vector<1000x256xf32>, vector<256x128xf32>, vector<1000x128xf32> -> vector<1000x128xf32>
    %get3A_56 = arith.constant 0 : index
    %get3A_57 = arith.constant 0 : index
    %get3A_58 = vector.load %arg8[%get3A_56, %get3A_57] : memref<1x128xf32, #tpu.memory_space<vmem>>, vector<1x128xf32>
    %add3A_59 = vector.broadcast %get3A_58 : vector<1x128xf32> to vector<1000x128xf32>
    %add3A_60 = arith.addf %dot_general3A_55, %add3A_59 : vector<1000x128xf32>
    %swap3A_61 = arith.constant 0 : index
    %swap3A_62 = arith.constant 0 : index
    %swap3A_63 = vector.load %arg11[%swap3A_61, %swap3A_62] : memref<1000x128xf32, #tpu.memory_space<vmem>>, vector<1000x128xf32>
    tpu.vector_store %arg11[%swap3A_61, %swap3A_62], %add3A_60 {strides = array<i32>} : memref<1000x128xf32, #tpu.memory_space<vmem>>, vector<1000x128xf32>,
    return
  }
  func.func @transform_0(%arg0: i32) -> (i32, i32, i32) {
    %c0_i32 = arith.constant 0 : i32
    %c0_i32_0 = arith.constant 0 : i32
    %c0_i32_1 = arith.constant 0 : i32
    return %c0_i32, %arg0, %c0_i32_0 : i32, i32, i32
  }
  func.func @transform_1(%arg0: i32) -> (i32, i32, i32) {
    %c0_i32 = arith.constant 0 : i32
    %c0_i32_0 = arith.constant 0 : i32
    %c0_i32_1 = arith.constant 0 : i32
    return %c0_i32, %arg0, %c0_i32_0 : i32, i32, i32
  }
  func.func @transform_2(%arg0: i32) -> (i32, i32) {
    %c0_i32 = arith.constant 0 : i32
    %c0_i32_0 = arith.constant 0 : i32
    return %arg0, %c0_i32 : i32, i32
  }
  func.func @transform_3(%arg0: i32) -> (i32, i32) {
    %c0_i32 = arith.constant 0 : i32
    %c0_i32_0 = arith.constant 0 : i32
    %c0_i32_1 = arith.constant 0 : i32
    return %c0_i32, %c0_i32_0 : i32, i32
  }
  func.func @transform_4(%arg0: i32) -> (i32, i32) {
    %c0_i32 = arith.constant 0 : i32
    %c0_i32_0 = arith.constant 0 : i32
    %c0_i32_1 = arith.constant 0 : i32
    return %c0_i32, %c0_i32_0 : i32, i32
  }
  func.func @transform_5(%arg0: i32) -> (i32, i32) {
    %c0_i32 = arith.constant 0 : i32
    %c0_i32_0 = arith.constant 0 : i32
    %c0_i32_1 = arith.constant 0 : i32
    return %c0_i32, %c0_i32_0 : i32, i32
  }
  func.func @transform_6(%arg0: i32) -> (i32, i32) {
    %c0_i32 = arith.constant 0 : i32
    %c0_i32_0 = arith.constant 0 : i32
    %c0_i32_1 = arith.constant 0 : i32
    return %c0_i32, %c0_i32_0 : i32, i32
  }
  func.func @transform_7(%arg0: i32) -> (i32, i32) {
    %c0_i32 = arith.constant 0 : i32
    %c0_i32_0 = arith.constant 0 : i32
    %c0_i32_1 = arith.constant 0 : i32
    return %c0_i32, %c0_i32_0 : i32, i32
  }
  func.func @transform_8(%arg0: i32) -> (i32, i32) {
    %c0_i32 = arith.constant 0 : i32
    %c0_i32_0 = arith.constant 0 : i32
    %c0_i32_1 = arith.constant 0 : i32
    return %c0_i32, %c0_i32_0 : i32, i32
  }
  func.func @transform_9(%arg0: i32) -> (i32, i32) {
    %c0_i32 = arith.constant 0 : i32
    %c0_i32_0 = arith.constant 0 : i32
    return %arg0, %c0_i32 : i32, i32
  }
  func.func @transform_10(%arg0: i32) -> (i32, i32) {
    %c0_i32 = arith.constant 0 : i32
    %c0_i32_0 = arith.constant 0 : i32
    return %arg0, %c0_i32 : i32, i32
  }
}

module attributes {stable_mosaic.version = 14 : i64} {
  func.func @body(%arg0: i32, %arg1: memref<2x1000x128xf32, #tpu.memory_space<vmem>>, %arg2: memref<2x1000x1xf32, #tpu.memory_space<vmem>>, %arg3: memref<1000x128xf32, #tpu.memory_space<vmem>>, %arg4: memref<128x128xf32, #tpu.memory_space<vmem>>, %arg5: memref<1x128xf32, #tpu.memory_space<vmem>>, %arg6: memref<1000x128xf32, #tpu.memory_space<vmem>>) attributes {dimension_semantics = [#tpu.dimension_semantics<arbitrary>], iteration_bounds = array<i64: 10>, scalar_prefetch = 0 : i64, scratch_operands = 0 : i64, tpu.core_type = #tpu.core_type<tc>, window_params = [{transform_indices = @transform_0, window_bounds = array<i64: 2, 1000, 128>}, {transform_indices = @transform_1, window_bounds = array<i64: 2, 1000, 1>}, {transform_indices = @transform_2, window_bounds = array<i64: 1000, 128>}, {pipeline_mode = #tpu.pipeline_mode<synchronous>, transform_indices = @transform_3, window_bounds = array<i64: 128, 128>}, {pipeline_mode = #tpu.pipeline_mode<synchronous>, transform_indices = @transform_4, window_bounds = array<i64: 1, 128>}, {transform_indices = @transform_5, window_bounds = array<i64: 1000, 128>}]} {
    %get3A = arith.constant 0 : index
    %get3A_0 = arith.constant 0 : index
    %get3A_1 = arith.constant 0 : index
    %get3A_2 = vector.load %arg1[%get3A, %get3A_0, %get3A_1] : memref<2x1000x128xf32, #tpu.memory_space<vmem>>, vector<1x1000x128xf32>
    %get3A_3 = vector.shape_cast %get3A_2 : vector<1x1000x128xf32> to vector<1000x128xf32>
    %get3A_4 = arith.constant 1 : index
    %get3A_5 = arith.constant 0 : index
    %get3A_6 = arith.constant 0 : index
    %get3A_7 = vector.load %arg1[%get3A_4, %get3A_5, %get3A_6] : memref<2x1000x128xf32, #tpu.memory_space<vmem>>, vector<1x1000x128xf32>
    %get3A_8 = vector.shape_cast %get3A_7 : vector<1x1000x128xf32> to vector<1000x128xf32>
    %add3A = arith.addf %get3A_3, %get3A_8 : vector<1000x128xf32>
    %get3A_9 = arith.constant 0 : index
    %get3A_10 = arith.constant 0 : index
    %get3A_11 = arith.constant 0 : index
    %get3A_12 = vector.load %arg2[%get3A_9, %get3A_10, %get3A_11] : memref<2x1000x1xf32, #tpu.memory_space<vmem>>, vector<1x1000x1xf32>
    %get3A_13 = vector.shape_cast %get3A_12 : vector<1x1000x1xf32> to vector<1000x1xf32>
    %get3A_14 = arith.constant 1 : index
    %get3A_15 = arith.constant 0 : index
    %get3A_16 = arith.constant 0 : index
    %get3A_17 = vector.load %arg2[%get3A_14, %get3A_15, %get3A_16] : memref<2x1000x1xf32, #tpu.memory_space<vmem>>, vector<1x1000x1xf32>
    %get3A_18 = vector.shape_cast %get3A_17 : vector<1x1000x1xf32> to vector<1000x1xf32>
    %add3A_19 = arith.addf %get3A_13, %get3A_18 : vector<1000x1xf32>
    %max3A = arith.constant 1.000000e+00 : f32
    %max3A_20 = vector.broadcast %max3A : f32 to vector<1000x1xf32>
    %max3A_21 = arith.maximumf %add3A_19, %max3A_20 : vector<1000x1xf32>
    %div3A = vector.broadcast %max3A_21 : vector<1000x1xf32> to vector<1000x128xf32>
    %div3A_22 = arith.divf %add3A, %div3A : vector<1000x128xf32>
    %get3A_23 = arith.constant 0 : index
    %get3A_24 = arith.constant 0 : index
    %get3A_25 = vector.load %arg3[%get3A_23, %get3A_24] : memref<1000x128xf32, #tpu.memory_space<vmem>>, vector<1000x128xf32>
    %add3A_26 = arith.addf %div3A_22, %get3A_25 : vector<1000x128xf32>
    %max3A_27 = arith.constant 0.000000e+00 : f32
    %max3A_28 = vector.broadcast %max3A_27 : f32 to vector<1000x128xf32>
    %max3A_29 = arith.maximumf %add3A_26, %max3A_28 : vector<1000x128xf32>
    %get3A_30 = arith.constant 0 : index
    %get3A_31 = arith.constant 0 : index
    %get3A_32 = vector.load %arg4[%get3A_30, %get3A_31] : memref<128x128xf32, #tpu.memory_space<vmem>>, vector<128x128xf32>
    %dot_general3A = arith.constant dense<0.000000e+00> : vector<1000x128xf32>
    %dot_general3A_33 = tpu.matmul %max3A_29, %get3A_32, %dot_general3A {dimension_numbers = #tpu.dot_dimension_numbers<[1], [0], [0], [1], [0, 0, 1, 1], [], []>, transpose_lhs_hint = false} : vector<1000x128xf32>, vector<128x128xf32>, vector<1000x128xf32> -> vector<1000x128xf32>
    %get3A_34 = arith.constant 0 : index
    %get3A_35 = arith.constant 0 : index
    %get3A_36 = vector.load %arg5[%get3A_34, %get3A_35] : memref<1x128xf32, #tpu.memory_space<vmem>>, vector<1x128xf32>
    %add3A_37 = vector.broadcast %get3A_36 : vector<1x128xf32> to vector<1000x128xf32>
    %add3A_38 = arith.addf %dot_general3A_33, %add3A_37 : vector<1000x128xf32>
    %swap3A = arith.constant 0 : index
    %swap3A_39 = arith.constant 0 : index
    %swap3A_40 = vector.load %arg6[%swap3A, %swap3A_39] : memref<1000x128xf32, #tpu.memory_space<vmem>>, vector<1000x128xf32>
    tpu.vector_store %arg6[%swap3A, %swap3A_39], %add3A_38 {strides = array<i32>} : memref<1000x128xf32, #tpu.memory_space<vmem>>, vector<1000x128xf32>,
    return
  }
  func.func @transform_0(%arg0: i32) -> (i32, i32, i32) {
    %c0_i32 = arith.constant 0 : i32
    %c0_i32_0 = arith.constant 0 : i32
    %c0_i32_1 = arith.constant 0 : i32
    return %c0_i32, %arg0, %c0_i32_0 : i32, i32, i32
  }
  func.func @transform_1(%arg0: i32) -> (i32, i32, i32) {
    %c0_i32 = arith.constant 0 : i32
    %c0_i32_0 = arith.constant 0 : i32
    %c0_i32_1 = arith.constant 0 : i32
    return %c0_i32, %arg0, %c0_i32_0 : i32, i32, i32
  }
  func.func @transform_2(%arg0: i32) -> (i32, i32) {
    %c0_i32 = arith.constant 0 : i32
    %c0_i32_0 = arith.constant 0 : i32
    return %arg0, %c0_i32 : i32, i32
  }
  func.func @transform_3(%arg0: i32) -> (i32, i32) {
    %c0_i32 = arith.constant 0 : i32
    %c0_i32_0 = arith.constant 0 : i32
    %c0_i32_1 = arith.constant 0 : i32
    return %c0_i32, %c0_i32_0 : i32, i32
  }
  func.func @transform_4(%arg0: i32) -> (i32, i32) {
    %c0_i32 = arith.constant 0 : i32
    %c0_i32_0 = arith.constant 0 : i32
    %c0_i32_1 = arith.constant 0 : i32
    return %c0_i32, %c0_i32_0 : i32, i32
  }
  func.func @transform_5(%arg0: i32) -> (i32, i32) {
    %c0_i32 = arith.constant 0 : i32
    %c0_i32_0 = arith.constant 0 : i32
    return %arg0, %c0_i32 : i32, i32
  }
}

module attributes {stable_mosaic.version = 14 : i64} {
  func.func @body(%arg0: i32, %arg1: memref<2x1000x128xf32, #tpu.memory_space<vmem>>, %arg2: memref<2x1000x1xf32, #tpu.memory_space<vmem>>, %arg3: memref<1000x128xf32, #tpu.memory_space<vmem>>, %arg4: memref<1000x1xi32, #tpu.memory_space<vmem>>, %arg5: memref<64x10xf32, #tpu.memory_space<vmem>>, %arg6: memref<1x10xf32, #tpu.memory_space<vmem>>, %arg7: memref<32x10xf32, #tpu.memory_space<vmem>>, %arg8: memref<32x64xf32, #tpu.memory_space<vmem>>, %arg9: memref<32x128xf32, #tpu.memory_space<vmem>>) attributes {dimension_semantics = [#tpu.dimension_semantics<arbitrary>], iteration_bounds = array<i64: 10>, scalar_prefetch = 0 : i64, scratch_operands = 2 : i64, tpu.core_type = #tpu.core_type<tc>, window_params = [{transform_indices = @transform_0, window_bounds = array<i64: 2, 1000, 128>}, {transform_indices = @transform_1, window_bounds = array<i64: 2, 1000, 1>}, {transform_indices = @transform_2, window_bounds = array<i64: 1000, 128>}, {transform_indices = @transform_3, window_bounds = array<i64: 1000, 1>}, {pipeline_mode = #tpu.pipeline_mode<synchronous>, transform_indices = @transform_4, window_bounds = array<i64: 64, 10>}, {pipeline_mode = #tpu.pipeline_mode<synchronous>, transform_indices = @transform_5, window_bounds = array<i64: 1, 10>}, {pipeline_mode = #tpu.pipeline_mode<synchronous>, transform_indices = @transform_6, window_bounds = array<i64: 32, 10>}]} {
    %eq3A = arith.constant 0 : i32
    %eq3A_0 = arith.cmpi eq, %arg0, %eq3A : i32
    %convert_element_type3A = arith.extui %eq3A_0 : i1 to i32
    %cond3A = arith.constant 0 : i32
    %cond3A_1 = arith.cmpi ne, %convert_element_type3A, %cond3A : i32
    scf.if %cond3A_1 {
      %broadcast_in_dim3A_62 = arith.constant 0.000000e+00 : f32
      %broadcast_in_dim3A_63 = vector.broadcast %broadcast_in_dim3A_62 : f32 to vector<32x64xf32>
      %swap3A_64 = arith.constant 0 : index
      %swap3A_65 = arith.constant 0 : index
      %swap3A_66 = vector.load %arg8[%swap3A_64, %swap3A_65] : memref<32x64xf32, #tpu.memory_space<vmem>>, vector<32x64xf32>
      tpu.vector_store %arg8[%swap3A_64, %swap3A_65], %broadcast_in_dim3A_63 {strides = array<i32>} : memref<32x64xf32, #tpu.memory_space<vmem>>, vector<32x64xf32>,
      %broadcast_in_dim3A_67 = arith.constant 0.000000e+00 : f32
      %broadcast_in_dim3A_68 = vector.broadcast %broadcast_in_dim3A_67 : f32 to vector<32x128xf32>
      %swap3A_69 = arith.constant 0 : index
      %swap3A_70 = arith.constant 0 : index
      %swap3A_71 = vector.load %arg9[%swap3A_69, %swap3A_70] : memref<32x128xf32, #tpu.memory_space<vmem>>, vector<32x128xf32>
      tpu.vector_store %arg9[%swap3A_69, %swap3A_70], %broadcast_in_dim3A_68 {strides = array<i32>} : memref<32x128xf32, #tpu.memory_space<vmem>>, vector<32x128xf32>,
    } else {
    }
    %get3A = arith.constant 0 : index
    %get3A_2 = arith.constant 0 : index
    %get3A_3 = arith.constant 0 : index
    %get3A_4 = vector.load %arg1[%get3A, %get3A_2, %get3A_3] : memref<2x1000x128xf32, #tpu.memory_space<vmem>>, vector<1x1000x128xf32>
    %get3A_5 = vector.shape_cast %get3A_4 : vector<1x1000x128xf32> to vector<1000x128xf32>
    %get3A_6 = arith.constant 1 : index
    %get3A_7 = arith.constant 0 : index
    %get3A_8 = arith.constant 0 : index
    %get3A_9 = vector.load %arg1[%get3A_6, %get3A_7, %get3A_8] : memref<2x1000x128xf32, #tpu.memory_space<vmem>>, vector<1x1000x128xf32>
    %get3A_10 = vector.shape_cast %get3A_9 : vector<1x1000x128xf32> to vector<1000x128xf32>
    %add3A = arith.addf %get3A_5, %get3A_10 : vector<1000x128xf32>
    %get3A_11 = arith.constant 0 : index
    %get3A_12 = arith.constant 0 : index
    %get3A_13 = arith.constant 0 : index
    %get3A_14 = vector.load %arg2[%get3A_11, %get3A_12, %get3A_13] : memref<2x1000x1xf32, #tpu.memory_space<vmem>>, vector<1x1000x1xf32>
    %get3A_15 = vector.shape_cast %get3A_14 : vector<1x1000x1xf32> to vector<1000x1xf32>
    %get3A_16 = arith.constant 1 : index
    %get3A_17 = arith.constant 0 : index
    %get3A_18 = arith.constant 0 : index
    %get3A_19 = vector.load %arg2[%get3A_16, %get3A_17, %get3A_18] : memref<2x1000x1xf32, #tpu.memory_space<vmem>>, vector<1x1000x1xf32>
    %get3A_20 = vector.shape_cast %get3A_19 : vector<1x1000x1xf32> to vector<1000x1xf32>
    %add3A_21 = arith.addf %get3A_15, %get3A_20 : vector<1000x1xf32>
    %max3A = arith.constant 1.000000e+00 : f32
    %max3A_22 = vector.broadcast %max3A : f32 to vector<1000x1xf32>
    %max3A_23 = arith.maximumf %add3A_21, %max3A_22 : vector<1000x1xf32>
    %slice3A = vector.extract_strided_slice %add3A {offsets = [0, 0], sizes = [1000, 64], strides = [1, 1]} : vector<1000x128xf32> to vector<1000x64xf32>
    %div3A = vector.broadcast %max3A_23 : vector<1000x1xf32> to vector<1000x64xf32>
    %div3A_24 = arith.divf %slice3A, %div3A : vector<1000x64xf32>
    %get3A_25 = arith.constant 0 : index
    %get3A_26 = arith.constant 0 : index
    %get3A_27 = vector.load %arg3[%get3A_25, %get3A_26] : memref<1000x128xf32, #tpu.memory_space<vmem>>, vector<1000x128xf32>
    %slice3A_28 = vector.extract_strided_slice %get3A_27 {offsets = [0, 64], sizes = [1000, 64], strides = [1, 1]} : vector<1000x128xf32> to vector<1000x64xf32>
    %add3A_29 = arith.addf %div3A_24, %slice3A_28 : vector<1000x64xf32>
    %max3A_30 = arith.constant 0.000000e+00 : f32
    %max3A_31 = vector.broadcast %max3A_30 : f32 to vector<1000x64xf32>
    %max3A_32 = arith.maximumf %add3A_29, %max3A_31 : vector<1000x64xf32>
    %get3A_33 = arith.constant 0 : index
    %get3A_34 = arith.constant 0 : index
    %get3A_35 = vector.load %arg4[%get3A_33, %get3A_34] : memref<1000x1xi32, #tpu.memory_space<vmem>>, vector<1000x1xi32>
    %iota3A = tpu.iota {dimensions = array<i32: 1>} : vector<1000x32xi32>
    %eq3A_36 = vector.broadcast %get3A_35 : vector<1000x1xi32> to vector<1000x32xi32>
    %eq3A_37 = arith.cmpi eq, %eq3A_36, %iota3A : vector<1000x32xi32>
    %convert_element_type3A_38 = arith.extui %eq3A_37 : vector<1000x32xi1> to vector<1000x32xi32>
    %convert_element_type3A_39 = arith.sitofp %convert_element_type3A_38 : vector<1000x32xi32> to vector<1000x32xf32>
    %get3A_40 = arith.constant 0 : index
    %get3A_41 = arith.constant 0 : index
    %get3A_42 = vector.load %arg8[%get3A_40, %get3A_41] : memref<32x64xf32, #tpu.memory_space<vmem>>, vector<32x64xf32>
    %dot_general3A = arith.constant dense<0.000000e+00> : vector<32x64xf32>
    %dot_general3A_43 = tpu.matmul %convert_element_type3A_39, %max3A_32, %dot_general3A {dimension_numbers = #tpu.dot_dimension_numbers<[0], [0], [1], [1], [0, 1, 1, 1], [], []>, transpose_lhs_hint = false} : vector<1000x32xf32>, vector<1000x64xf32>, vector<32x64xf32> -> vector<32x64xf32>
    %add3A_44 = arith.addf %get3A_42, %dot_general3A_43 : vector<32x64xf32>
    %swap3A = arith.constant 0 : index
    %swap3A_45 = arith.constant 0 : index
    %swap3A_46 = vector.load %arg8[%swap3A, %swap3A_45] : memref<32x64xf32, #tpu.memory_space<vmem>>, vector<32x64xf32>
    tpu.vector_store %arg8[%swap3A, %swap3A_45], %add3A_44 {strides = array<i32>} : memref<32x64xf32, #tpu.memory_space<vmem>>, vector<32x64xf32>,
    %get3A_47 = arith.constant 0 : index
    %get3A_48 = arith.constant 0 : index
    %get3A_49 = vector.load %arg9[%get3A_47, %get3A_48] : memref<32x128xf32, #tpu.memory_space<vmem>>, vector<32x128xf32>
    %broadcast_in_dim3A = arith.constant 1.000000e+00 : f32
    %broadcast_in_dim3A_50 = vector.broadcast %broadcast_in_dim3A : f32 to vector<1000x128xf32>
    %dot_general3A_51 = arith.constant dense<0.000000e+00> : vector<32x128xf32>
    %dot_general3A_52 = tpu.matmul %convert_element_type3A_39, %broadcast_in_dim3A_50, %dot_general3A_51 {dimension_numbers = #tpu.dot_dimension_numbers<[0], [0], [1], [1], [0, 1, 1, 1], [], []>, transpose_lhs_hint = false} : vector<1000x32xf32>, vector<1000x128xf32>, vector<32x128xf32> -> vector<32x128xf32>
    %add3A_53 = arith.addf %get3A_49, %dot_general3A_52 : vector<32x128xf32>
    %swap3A_54 = arith.constant 0 : index
    %swap3A_55 = arith.constant 0 : index
    %swap3A_56 = vector.load %arg9[%swap3A_54, %swap3A_55] : memref<32x128xf32, #tpu.memory_space<vmem>>, vector<32x128xf32>
    tpu.vector_store %arg9[%swap3A_54, %swap3A_55], %add3A_53 {strides = array<i32>} : memref<32x128xf32, #tpu.memory_space<vmem>>, vector<32x128xf32>,
    %eq3A_57 = arith.constant 9 : i32
    %eq3A_58 = arith.cmpi eq, %arg0, %eq3A_57 : i32
    %convert_element_type3A_59 = arith.extui %eq3A_58 : i1 to i32
    %cond3A_60 = arith.constant 0 : i32
    %cond3A_61 = arith.cmpi ne, %convert_element_type3A_59, %cond3A_60 : i32
    scf.if %cond3A_61 {
      %get3A_62 = arith.constant 0 : index
      %get3A_63 = arith.constant 0 : index
      %get3A_64 = vector.load %arg8[%get3A_62, %get3A_63] : memref<32x64xf32, #tpu.memory_space<vmem>>, vector<32x64xf32>
      %get3A_65 = arith.constant 0 : index
      %get3A_66 = arith.constant 0 : index
      %get3A_67 = vector.load %arg9[%get3A_65, %get3A_66] : memref<32x128xf32, #tpu.memory_space<vmem>>, vector<32x128xf32>
      %slice3A_68 = vector.extract_strided_slice %get3A_67 {offsets = [0, 0], sizes = [32, 1], strides = [1, 1]} : vector<32x128xf32> to vector<32x1xf32>
      %max3A_69 = arith.constant 1.000000e+00 : f32
      %max3A_70 = vector.broadcast %max3A_69 : f32 to vector<32x1xf32>
      %max3A_71 = arith.maximumf %slice3A_68, %max3A_70 : vector<32x1xf32>
      %div3A_72 = vector.broadcast %max3A_71 : vector<32x1xf32> to vector<32x64xf32>
      %div3A_73 = arith.divf %get3A_64, %div3A_72 : vector<32x64xf32>
      %get3A_74 = arith.constant 0 : index
      %get3A_75 = arith.constant 0 : index
      %get3A_76 = vector.load %arg5[%get3A_74, %get3A_75] : memref<64x10xf32, #tpu.memory_space<vmem>>, vector<64x10xf32>
      %dot_general3A_77 = arith.constant dense<0.000000e+00> : vector<32x10xf32>
      %dot_general3A_78 = tpu.matmul %div3A_73, %get3A_76, %dot_general3A_77 {dimension_numbers = #tpu.dot_dimension_numbers<[1], [0], [0], [1], [0, 0, 1, 1], [], []>, transpose_lhs_hint = false} : vector<32x64xf32>, vector<64x10xf32>, vector<32x10xf32> -> vector<32x10xf32>
      %get3A_79 = arith.constant 0 : index
      %get3A_80 = arith.constant 0 : index
      %get3A_81 = vector.load %arg6[%get3A_79, %get3A_80] : memref<1x10xf32, #tpu.memory_space<vmem>>, vector<1x10xf32>
      %add3A_82 = vector.broadcast %get3A_81 : vector<1x10xf32> to vector<32x10xf32>
      %add3A_83 = arith.addf %dot_general3A_78, %add3A_82 : vector<32x10xf32>
      %reduce_max3A = arith.constant dense<0xFF800000> : vector<32xf32>
      %reduce_max3A_84 = vector.multi_reduction <maximumf>, %add3A_83, %reduce_max3A [1] : vector<32x10xf32> to vector<32xf32>
      %broadcast_in_dim3A_85 = vector.shape_cast %reduce_max3A_84 : vector<32xf32> to vector<32x1xf32>
      %sub3A = vector.broadcast %broadcast_in_dim3A_85 : vector<32x1xf32> to vector<32x10xf32>
      %sub3A_86 = arith.subf %add3A_83, %sub3A : vector<32x10xf32>
      %exp3A = math.exp %sub3A_86 : vector<32x10xf32>
      %reduce_sum3A = arith.constant dense<0.000000e+00> : vector<32xf32>
      %reduce_sum3A_87 = vector.multi_reduction <add>, %exp3A, %reduce_sum3A [1] : vector<32x10xf32> to vector<32xf32>
      %broadcast_in_dim3A_88 = vector.shape_cast %reduce_sum3A_87 : vector<32xf32> to vector<32x1xf32>
      %log3A = math.log %broadcast_in_dim3A_88 : vector<32x1xf32>
      %sub3A_89 = vector.broadcast %broadcast_in_dim3A_85 : vector<32x1xf32> to vector<32x10xf32>
      %sub3A_90 = arith.subf %add3A_83, %sub3A_89 : vector<32x10xf32>
      %sub3A_91 = vector.broadcast %log3A : vector<32x1xf32> to vector<32x10xf32>
      %sub3A_92 = arith.subf %sub3A_90, %sub3A_91 : vector<32x10xf32>
      %swap3A_93 = arith.constant 0 : index
      %swap3A_94 = arith.constant 0 : index
      %swap3A_95 = vector.load %arg7[%swap3A_93, %swap3A_94] : memref<32x10xf32, #tpu.memory_space<vmem>>, vector<32x10xf32>
      tpu.vector_store %arg7[%swap3A_93, %swap3A_94], %sub3A_92 {strides = array<i32>} : memref<32x10xf32, #tpu.memory_space<vmem>>, vector<32x10xf32>,
    } else {
    }
    return
  }
  func.func @transform_0(%arg0: i32) -> (i32, i32, i32) {
    %c0_i32 = arith.constant 0 : i32
    %c0_i32_0 = arith.constant 0 : i32
    %c0_i32_1 = arith.constant 0 : i32
    return %c0_i32, %arg0, %c0_i32_0 : i32, i32, i32
  }
  func.func @transform_1(%arg0: i32) -> (i32, i32, i32) {
    %c0_i32 = arith.constant 0 : i32
    %c0_i32_0 = arith.constant 0 : i32
    %c0_i32_1 = arith.constant 0 : i32
    return %c0_i32, %arg0, %c0_i32_0 : i32, i32, i32
  }
  func.func @transform_2(%arg0: i32) -> (i32, i32) {
    %c0_i32 = arith.constant 0 : i32
    %c0_i32_0 = arith.constant 0 : i32
    return %arg0, %c0_i32 : i32, i32
  }
  func.func @transform_3(%arg0: i32) -> (i32, i32) {
    %c0_i32 = arith.constant 0 : i32
    %c0_i32_0 = arith.constant 0 : i32
    return %arg0, %c0_i32 : i32, i32
  }
  func.func @transform_4(%arg0: i32) -> (i32, i32) {
    %c0_i32 = arith.constant 0 : i32
    %c0_i32_0 = arith.constant 0 : i32
    %c0_i32_1 = arith.constant 0 : i32
    return %c0_i32, %c0_i32_0 : i32, i32
  }
  func.func @transform_5(%arg0: i32) -> (i32, i32) {
    %c0_i32 = arith.constant 0 : i32
    %c0_i32_0 = arith.constant 0 : i32
    %c0_i32_1 = arith.constant 0 : i32
    return %c0_i32, %c0_i32_0 : i32, i32
  }
  func.func @transform_6(%arg0: i32) -> (i32, i32) {
    %c0_i32 = arith.constant 0 : i32
    %c0_i32_0 = arith.constant 0 : i32
    %c0_i32_1 = arith.constant 0 : i32
    return %c0_i32, %c0_i32_0 : i32, i32
  }
}

</mosaic_0001>

<sc_bundles>
// kernel: kernel.12.cloned.1.call-start
scs
__scs_entry_jumppad:
0x0: {  	(pc) =	sbr.rel $0x88, $3  }
0x1: {  	(tag) =	ssettag $0x0;
	lr =	simm.s32 $0x1  }
0x2: {  	[smem:$0x3F93] =	sst lr;
	_ =	strace $0xD0000000  }
0x3: {  	_ = 	snop  }
0x4: {  	_ = 	snop  }
0x5: {  	_ = 	snop  }
0x6: {  	_ = 	snop  }
0x7: {  	_ = 	snop  }
__scs_overlays_trampoline_lowered:
0x8: {  	[smem:$0x3FA2] =	sst s0  }
0x9: {  	[smem:$0x3FA3] =	sst s1  }
0xa: {  	[smem:$0x3FA4] =	sst s2  }
0xb: {  	[smem:$0x3FA5] =	sst s3  }
0xc: {  	[smem:$0x3FA6] =	sst s4  }
0xd: {  	[smem:$0x3FA7] =	sst s5  }
0xe: {  	[smem:$0x3FA8] =	sst s6  }
0xf: {  	[smem:$0x3FA9] =	sst s7  }
0x10: {  	[smem:$0x3FAA] =	sst s8  }
0x11: {  	[smem:$0x3FAB] =	sst s9;
	s0 =	simm.s32 @!p0 $0x0  }
0x12: {  	s1 =	sld [smem:$0x3F91];
	s0 =	simm.s32 @p0 $0x1  }
0x13: {  	[smem:$0x3FAC] =	sst s0;
	s0 =	simm.s32 @!p1 $0x0  }
0x14: {  	s2 =	sld [smem:$0x3F90];
	s0 =	simm.s32 @p1 $0x1  }
0x15: {  	[smem:$0x3FAD] =	sst s0;
	s0 =	simm.s32 @!p2 $0x0  }
0x16: {  	s3 =	sld [smem:$0x3FDB];
	s0 =	simm.s32 @p2 $0x1  }
0x17: {  	s4 =	simm.s32 $0x1BF5;
	[smem:$0x3FAF] =	sst s0  }
0x18: {  	s0 =	sld [smem:$0x3F92];
	_ =	swait.ge [sflag:s4], $0x0  }
0x19: {  	s7 =	sld [smem:$0x3F93]  }
0x1a: {  	s8 =	sadd.s32 $0xFFFFE003, lr  }
0x1b: {  	s9 =	sadd.s32 $0xFFFFFEF7, lr;
	s5 =	simm.s32 $0xFFFFFFFF;
	p2 =	slt.u32 s8, $0xFFFFF086  }
0x1c: {  	p1 =	slt.u32 s9, $0xF7A;
	s5 =	simm.s32 @!p2 $0x0  }
0x1d: {  	s5 =	simm.s32 @p1 $0x1;
	p0 =	seq.s32 s7, s2  }
0x1e: {  	s7 =	smul.u32 @!p0 $0xF7A, s2;
	p2 =	seq.s32 @!p0 s5, $0x0  }
0x1f: {  	s9 =	smul.u32 $0xF7A, s1;
	s8 =	simm.s32 @!p0 $0x1BF5;
	p2 =	por !p2, p0  }
0x20: {  	[sflag:s8] =	ssyncset.s32 @!p0 $0xFFFFF086;
	s6 =	sadd.s32 @!p0 s3, s7;
	s7 =	simm.s32 @!p0 $0x108  }
0x21: {  	s3 =	sadd.s32 s3, s9;
	s6 =	sadd.s32 @!p0 $0x88, s6;
	s7 =	simm.s32 @p2 $0x1082  }
0x22: {  	[simem:s7], [sflag:s8] =	dma.local @!p0 [hbm:s6], $0xF7A  }
0x23: {  	s9 =	sor.u32 $0xD0000000, s2;
	s6 =	simm.s32 $0x108;
	_ =	swait.ge @!p0 [sflag:s8], $0x0  }
0x24: {  	s3 =	sadd.s32 $0x88, s3;
	s6 =	simm.s32 @!p1 $0x1082;
	[sflag:s4] =	ssyncset.s32 $0xFFFFF086  }
0x25: {  	[simem:s6], [sflag:s4] =	dma.local [hbm:s3], $0xF7A  }
0x26: {  	[smem:$0x3F93] =	sst s1;
	(tag) =	ssettag s2;
	_ =	strace s9  }
0x27: {  	s1 =	sld [smem:$0x3FA3]  }
0x28: {  	s2 =	sld [smem:$0x3FA4]  }
0x29: {  	s4 =	sld [smem:$0x3FA6]  }
0x2a: {  	p0 =	seq.s32 s5, $0x0;
	s5 =	sld [smem:$0x3FA7]  }
0x2b: {  	s6 =	sld [smem:$0x3FA8]  }
0x2c: {  	s7 =	sld [smem:$0x3FA9]  }
0x2d: {  	s3 =	simm.s32 $0x108;
	s8 =	sld [smem:$0x3FAA]  }
0x2e: {  	s3 =	simm.s32 @!p0 $0x1082;
	s9 =	sld [smem:$0x3FAB]  }
0x2f: {  	lr =	sadd.s32 s0, s3;
	s0 =	sld [smem:$0x3FA2]  }
0x30: {  	s3 =	sld [smem:$0x3FA5]  }
0x31: {  	[smem:$0x3FAE] =	sst s10  }
0x32: {  	s10 =	sld [smem:$0x3FAC];
	_ =	sdelay $0x3  }
0x33: {  	p0 =	seq.s32 s10, $0x1;
	s10 =	sld [smem:$0x3FAE];
	_ =	sdelay $0x3  }
0x34: {  	[smem:$0x3FAE] =	sst s10  }
0x35: {  	s10 =	sld [smem:$0x3FAD];
	_ =	sdelay $0x3  }
0x36: {  	p1 =	seq.s32 s10, $0x1;
	s10 =	sld [smem:$0x3FAE];
	_ =	sdelay $0x3  }
0x37: {  	[smem:$0x3FAE] =	sst s10  }
0x38: {  	s10 =	sld [smem:$0x3FAF]  }
0x39: {  	_ = 	snop;
	(pc) =	sbr.ind lr, $3  }
0x3a: {  	_ = 	snop  }
0x3b: {  	_ = 	snop  }
0x3c: {  	p2 =	seq.s32 s10, $0x1;
	s10 =	sld [smem:$0x3FAE]  }
0x3d: {  	_ =	shalt  }
0x3e: {  	_ =	shalt  }
0x3f: {  	_ =	shalt  }
0x40: {  	_ =	shalt  }
0x41: {  	_ =	shalt  }
0x42: {  	_ =	shalt  }
0x43: {  	_ =	shalt  }
0x44: {  	_ =	shalt  }
0x45: {  	_ =	shalt  }
0x46: {  	_ =	shalt  }
0x47: {  	_ =	shalt  }
0x48: {  	_ =	shalt  }
0x49: {  	_ =	shalt  }
0x4a: {  	_ =	shalt  }
0x4b: {  	_ =	shalt  }
0x4c: {  	_ =	shalt  }
0x4d: {  	_ =	shalt  }
0x4e: {  	_ =	shalt  }
0x4f: {  	_ =	shalt  }
0x50: {  	_ =	shalt  }
0x51: {  	_ =	shalt  }
0x52: {  	_ =	shalt  }
0x53: {  	_ =	shalt  }
0x54: {  	_ =	shalt  }
0x55: {  	_ =	shalt  }
0x56: {  	_ =	shalt  }
0x57: {  	_ =	shalt  }
0x58: {  	_ =	shalt  }
0x59: {  	_ =	shalt  }
0x5a: {  	_ =	shalt  }
0x5b: {  	_ =	shalt  }
0x5c: {  	_ =	shalt  }
0x5d: {  	_ =	shalt  }
0x5e: {  	_ =	shalt  }
0x5f: {  	_ =	shalt  }
0x60: {  	_ =	shalt  }
0x61: {  	_ =	shalt  }
0x62: {  	_ =	shalt  }
0x63: {  	_ =	shalt  }
0x64: {  	_ =	shalt  }
0x65: {  	_ =	shalt  }
0x66: {  	_ =	shalt  }
0x67: {  	_ =	shalt  }
0x68: {  	_ =	shalt  }
0x69: {  	_ =	shalt  }
0x6a: {  	_ =	shalt  }
0x6b: {  	_ =	shalt  }
0x6c: {  	_ =	shalt  }
0x6d: {  	_ =	shalt  }
0x6e: {  	_ =	shalt  }
0x6f: {  	_ =	shalt  }
0x70: {  	_ =	shalt  }
0x71: {  	_ =	shalt  }
0x72: {  	_ =	shalt  }
0x73: {  	_ =	shalt  }
0x74: {  	_ =	shalt  }
0x75: {  	_ =	shalt  }
0x76: {  	_ =	shalt  }
0x77: {  	_ =	shalt  }
0x78: {  	_ =	shalt  }
0x79: {  	_ =	shalt  }
0x7a: {  	_ =	shalt  }
0x7b: {  	_ =	shalt  }
0x7c: {  	_ =	shalt  }
0x7d: {  	_ =	shalt  }
0x7e: {  	_ =	shalt  }
0x7f: {  	_ =	shalt  }
0x80: {  	_ =	shalt  }
0x81: {  	_ =	shalt  }
0x82: {  	_ =	shalt  }
0x83: {  	_ =	shalt  }
0x84: {  	_ =	shalt  }
0x85: {  	_ =	shalt  }
0x86: {  	_ =	shalt  }
0x87: {  	_ =	shalt  }
.Lfunc_end0:
.L_simem_size_0:
called_computation.1_lowered:
.L_overlay_start_0:
0x88: {  	s2 =	sld [smem:$0x3FD9]  }
0x89: {  	s3 =	sld [smem:$0x3FFE];
	_ =	sdelay $0x1  }
0x8a: {  	s1 =	srdreg.scid  }
0x8b: {  	s0 =	sand.u32 $0x1, s1  }
0x8c: {  	s17 =	sshll.u32 s0, $0xA;
	s2 =	sadd.s32 s3, s2  }
0x8d: {  	s2 =	sadd.s32 s2, s17  }
0x8e: {  	[smem:$0x3FBA] =	sst s2  }
0x8f: {  	_ = 	snop  }
0x90: {  	s2 =	sld [smem:$0x3FC9];
	(tm) =	ssettm $0x1  }
0x91: {  	s18 =	sld [smem:$0x3FFB];
	_ =	sdelay $0x3  }
0x92: {  	_ =	strace s18  }
0x93: {  	s3 =	sld [smem:$0x3FFC];
	_ =	sdelay $0x3  }
0x94: {  	_ =	strace s3  }
0x95: {  	s3 =	sld [smem:$0x3FFD];
	_ =	sdelay $0x3  }
0x96: {  	_ =	strace s3  }
0x97: {  	_ =	strace $0x8FFFFFFF  }
0x98: {  	s19 =	sld [smem:$0x3FDB];
	_ =	sdelay $0x1  }
0x99: {  	s4 =	simm.s32 $_scs_section_size  }
0x9a: {  	s5 =	simm.s32 $_size__tile_overlayer_lowered;
	s6 =	simm.s32 $_tile_overlayer_lowered  }
0x9b: {  	s22 =	simm.s32 $0x1BFF;
	s21 =	sshll.u32 s6, $0x1;
	s3 =	sadd.s32 s4, s19  }
0x9c: {  	s7 =	simm.s32 $0x0;
	s20 =	sshll.u32 s5, $0x1;
	s5 =	sadd.s32 s21, s3  }
0x9d: {  	[timem:s7], [sflag:s22] =	dma.local [hbm:s5], s20  }
0x9e: {  	_ =	swait.ge [sflag:s22], s20  }
0x9f: {  	s4 =	ssub.s32 $0x0, s20;
	[sflag:s22] =	ssyncset.done $0x0  }
0xa0: {  	[sflag:s22] =	ssyncadd.s32 s4;
	_ =	sdelay $0x1  }
0xa1: {  	s23 =	simm.s32 $0x1B8B  }
0xa2: {  	_ =	swait.ge [sflag:s23], $0x1  }
0xa3: {  	[sflag:s23] =	ssyncset.done $0x0  }
0xa4: {  	s25 =	simm.s32 $0x1B8E;
	s24 =	sld [smem:$0x3FFE];
	[sflag:s23] =	ssyncadd.s32 $0xFFFFFFFF  }
0xa5: {  	s26 =	simm.s32 $execute0_lowered;
	[smem:$0x3FD2] =	sst s25  }
0xa6: {  	s5 =	sshll.u32 s26, $0x1;
	_ =	strace $0x80000046;
	[dreg:$0x1] =	wrdreg $0xFFFFFFFF  }
0xa7: {  	s28 =	simm.s32 $_size_execute0_lowered;
	s3 =	sadd.s32 s3, s5;
	[dreg:$0x0] =	wrdreg $0x0  }
0xa8: {  	s5 =	sshll.u32 s28, $0x1;
	[dreg:$0x2] =	wrdreg s3  }
0xa9: {  	[dreg:$0x3] =	wrdreg s5  }
0xaa: {  	[dreg:$0x4] =	wrdreg $0xC0  }
0xab: {  	_ =	task [dreg:s7], $0x5FFFF  }
0xac: {  	[dreg:$0x1] =	wrdreg $0xFFFFFFFF  }
0xad: {  	[dreg:$0x0] =	wrdreg $0x60  }
0xae: {  	[dreg:$0x2] =	wrdreg s2  }
0xaf: {  	[dreg:$0x3] =	wrdreg s24  }
0xb0: {  	[dreg:$0x4] =	wrdreg $0xC7000  }
0xb1: {  	[dreg:$0x5] =	wrdreg $0xA  }
0xb2: {  	_ =	task.clear_ibuf [dreg:s7], $0x6FFFF;
	_ =	strace $0x90000046  }
0xb3: {  	s29 =	simm.s32 $0xA;
	_ =	strace $0x80000048  }
0xb4: {  	_ =	swait.ge [sflag:s29], $0x1  }
0xb5: {  	[sflag:s29] =	ssyncadd.s32 $0xFFFFFFFF  }
0xb6: {  	_ =	strace $0x90000048  }
0xb7: {  	_ =	sfence  }
0xb8: {  	s30 =	sld [smem:$0x0];
	_ =	sdelay $0x2  }
0xb9: {  	s31 =	sshll.u32 s1, $0xD;
	s1 =	sshrl.u32 s1, $0x2  }
0xba: {  	s3 =	sand.u32 $0x4000, s31;
	s1 =	sadd.s32 s1, s30  }
0xbb: {  	s0 =	sor.u32 s3, s0;
	s1 =	sshll.u32 s1, $0x11  }
0xbc: {  	s0 =	sor.u32 s1, s0  }
0xbd: {  	s0 =	sadd.s32 $0x8F2B, s0  }
0xbe: {  	[sflag:s0] =	ssyncadd.remote.s32 $0x1  }
0xbf: {  	_ =	sfence.sel $0xFFFF  }
0xc0: {  	[dreg:$0x0] =	wrdreg $0xFFFFFFFF;
	(pc) =	sbr.abs _section_cstart, $3  }
0xc1: {  	[dreg:$0x1] =	wrdreg $0xFFFFFFFF  }
0xc2: {  	_ =	task.clear_ibuf [dreg:s7], $0x2FFFF;
	_ =	strace $0x9FFFFFFF  }
0xc3: {  	(tm) =	ssettm $0x7FFFFFFF  }
tec
execute0_lowered:
.L_overlay_start_1:
0x0: {  	(tag) =	ssettag $0x1  }
0x1: {  	s2 =	srdreg.scid;
	s1 =	rddreg [dreg:$0x0]  }
0x2: {  	s0 =	stileid.u32;
	s6 =	rddreg [dreg:$0x1]  }
0x3: {  	s3 =	rddreg [dreg:$0x2];
	s4 =	simm.s32 $0x0;
	s15 =	simm.s32 $0x4  }
0x4: {  	s16 =	simm.s32 $0x50;
	s17 =	simm.s32 $0x4F00;
	s18 =	simm.s32 $0x7700  }
0x5: {  	s19 =	simm.s32 $0x1;
	s20 =	simm.s32 $0x9F00;
	s21 =	simm.s32 $0x6  }
0x6: {  	s22 =	simm.s32 $0x2;
	s23 =	simm.s32 $0x3;
	s24 =	simm.s32 $0x4DF0  }
0x7: {  	s25 =	simm.s32 $0x4E40;
	s26 =	simm.s32 $0x0;
	s8 =	smul.u32 $0x13C00, s0  }
0x8: {  	s5 =	sand.u32 $0x1, s2;
	s29 =	sshll.u32 s0, $0x1;
	s11 =	smul.u32 $0x4E200, s0  }
0x9: {  	[smem:$0x7FF] =	sst s4;
	s2 =	sor.u32 s5, s29;
	s9 =	smul.u32 $0x13C000, s5  }
0xa: {  	s5 =	ssub.s32 $0x2, s5;
	s7 =	smul.u32 $0x4E2, s2;
	s2 =	rddreg [dreg:$0x3]  }
0xb: {  	_ =	strace $0x80000047;
	s10 =	sshrl.u32 s8, $0x3;
	s30 =	sshrl.u32 s5, $0x1  }
0xc: {  	s31 =	sshrl.u32 s11, $0x2;
	s8 =	sadd.s32 s8, s9;
	s10 =	sadd.s32 s10, s6  }
0xd: {  	s13 =	ssub.s32 s5, s30;
	s14 =	sadd.s32 s31, s3;
	s7 =	sadd.s32 s7, s6  }
0xe: {  	s8 =	sshrl.u32 s8, $0x3;
	s11 =	smax.u32 s13, $0x1;
	s13 =	sshrl.u32 s14, $0x3  }
0xf: {  	s14 =	simm.s32 $0x5;
	s12 =	sadd.s32 s8, s6;
	s5 =	sadd.s32 $0xD400, s7  }
0x10: {  	s6 =	sadd.s32 $0x3600, s7;
	s7 =	sadd.s32 $0x17200, s10;
	s8 =	sshll.u32 s0, $0x6  }
0x11: {  	s9 =	sor.u32 $0x1C05, s8;
	s10 =	sadd.s32 $0x3EA00, s12;
	s12 =	simm.s32 $0x2780  }
.LBB2_1:
0x12: {  	[tilespmem:s4], [sflag:$0x4] =	stream.linear.gather [hbm4b:s5+s4], $0x2710, $0x38;
	[tilespmem:$0x1FF80] =	vst v63  }
0x13: {  	_ = 	snop  }
0x14: {  	[tilespmem:s12], [sflag:$0x4] =	stream.linear.gather [hbm4b:s6+s4], $0x2710, $0x38;
	[tilespmem:$0x1FF80] =	vst v63  }
0x15: {  	[spmem:s13], [sflag:s9] =	dma.local [hbm:s7], $0x2710  }
0x16: {  	_ =	swait.ge [sflag:s14], $0x2710  }
0x17: {  	[sflag:s14] =	ssyncset.done $0x0  }
0x18: {  	[sflag:s14] =	ssyncadd.s32 $0xFFFFD8F0  }
0x19: {  	[bflag:$0x0] =	sbarrier.arrive $0xFFFF  }
0x1a: {  	_ =	swait.ge [sflag:s15], $0x2710  }
0x1b: {  	[sflag:s15] =	ssyncset.done $0x0  }
0x1c: {  	[sflag:s15] =	ssyncadd.s32 $0xFFFFD8F0  }
0x1d: {  	_ =	swait.ge [sflag:s15], $0x2710  }
0x1e: {  	[sflag:s15] =	ssyncset.done $0x0  }
0x1f: {  	[sflag:s15] =	ssyncadd.s32 $0xFFFFD8F0  }
0x20: {  	[tilespmem:s17], [sflag:$0x1] =	stream.indirect.gather [hbm4b:s1+s16], $0x80, s4, s16, $0xb8;
	[tilespmem:$0x1FF80] =	vst v63  }
0x21: {  	_ = 	snop  }
0x22: {  	[tilespmem:s18], [sflag:$0x2] =	stream.indirect.gather [hbm4b:s1+s16], $0x80, s16, s16, $0xb8;
	[tilespmem:$0x1FF80] =	vst v63  }
0x23: {  	_ =	swait.ge [sflag:s19], $0x2800  }
0x24: {  	[sflag:s19] =	ssyncset.done $0x0  }
0x25: {  	s28 =	simm.s32 $0xA0;
	[sflag:s19] =	ssyncadd.s32 $0xFFFFD800  }
0x26: {  	[tilespmem:s20], [sflag:$0x3] =	stream.indirect.gather [hbm4b:s1+s16], $0x80, s28, s16, $0xb8;
	[tilespmem:$0x1FF80] =	vst v63  }
0x27: {  	s28 =	simm.s32 $0x2780  }
0x28: {  	[spmem:s3] =	stream.indirect.scatter.add.f32 [tilespmem:s17], [sflag:$0x6], $0x80, s28, s16, $0xb8;
	[tilespmem:$0x1FF80] =	vst v63  }
0x29: {  	_ =	swait.ge [sflag:s21], $0x2800  }
0x2a: {  	[sflag:s21] =	ssyncset.done $0x0  }
0x2b: {  	[sflag:s21] =	ssyncadd.s32 $0xFFFFD800  }
0x2c: {  	_ =	swait.ge [sflag:s22], $0x2800  }
0x2d: {  	[sflag:s22] =	ssyncset.done $0x0  }
0x2e: {  	s28 =	simm.s32 $0xF0;
	[sflag:s22] =	ssyncadd.s32 $0xFFFFD800  }
0x2f: {  	[tilespmem:s17], [sflag:$0x1] =	stream.indirect.gather [hbm4b:s1+s16], $0x80, s28, s16, $0xb8;
	[tilespmem:$0x1FF80] =	vst v63  }
0x30: {  	s28 =	simm.s32 $0x27D0  }
0x31: {  	[spmem:s3] =	stream.indirect.scatter.add.f32 [tilespmem:s18], [sflag:$0x6], $0x80, s28, s16, $0xb8;
	[tilespmem:$0x1FF80] =	vst v63  }
0x32: {  	_ =	swait.ge [sflag:s21], $0x2800  }
0x33: {  	[sflag:s21] =	ssyncset.done $0x0  }
0x34: {  	[sflag:s21] =	ssyncadd.s32 $0xFFFFD800  }
0x35: {  	_ =	swait.ge [sflag:s23], $0x2800  }
0x36: {  	[sflag:s23] =	ssyncset.done $0x0  }
0x37: {  	s28 =	simm.s32 $0x140;
	[sflag:s23] =	ssyncadd.s32 $0xFFFFD800  }
0x38: {  	[tilespmem:s18], [sflag:$0x2] =	stream.indirect.gather [hbm4b:s1+s16], $0x80, s28, s16, $0xb8;
	[tilespmem:$0x1FF80] =	vst v63  }
0x39: {  	s28 =	simm.s32 $0x2820  }
0x3a: {  	[spmem:s3] =	stream.indirect.scatter.add.f32 [tilespmem:s20], [sflag:$0x6], $0x80, s28, s16, $0xb8;
	[tilespmem:$0x1FF80] =	vst v63  }
0x3b: {  	_ =	swait.ge [sflag:s21], $0x2800  }
0x3c: {  	s28 =	simm.s32 $0x3C0;
	[sflag:s21] =	ssyncset.done $0x0  }
.LBB2_2:
0x3d: {  	p0 =	sne.s32 s28, $0x9600  }
0x3e: {  	[sflag:s21] =	ssyncadd.s32 $0xFFFFD800;
	s29 =	smov.u32 s28;
	s28 =	sadd.s32 $0x3C0, s28  }
0x3f: {  	_ = 	snop  }
0x40: {  	_ =	swait.ge [sflag:s19], $0x2800  }
0x41: {  	s29 =	sshra.s32 s29, $0x2;
	[sflag:s19] =	ssyncset.done $0x0  }
0x42: {  	s30 =	sadd.s32 $0xA0, s29;
	[sflag:s19] =	ssyncadd.s32 $0xFFFFD800  }
0x43: {  	[tilespmem:s20], [sflag:$0x3] =	stream.indirect.gather [hbm4b:s1+s16], $0x80, s30, s16, $0xb8;
	[tilespmem:$0x1FF80] =	vst v63  }
0x44: {  	s30 =	sadd.s32 $0x2780, s29  }
0x45: {  	[spmem:s3] =	stream.indirect.scatter.add.f32 [tilespmem:s17], [sflag:$0x6], $0x80, s30, s16, $0xb8;
	[tilespmem:$0x1FF80] =	vst v63  }
0x46: {  	_ =	swait.ge [sflag:s21], $0x2800  }
0x47: {  	[sflag:s21] =	ssyncset.done $0x0  }
0x48: {  	[sflag:s21] =	ssyncadd.s32 $0xFFFFD800  }
0x49: {  	_ =	swait.ge [sflag:s22], $0x2800  }
0x4a: {  	[sflag:s22] =	ssyncset.done $0x0  }
0x4b: {  	s30 =	sadd.s32 $0xF0, s29;
	[sflag:s22] =	ssyncadd.s32 $0xFFFFD800  }
0x4c: {  	[tilespmem:s17], [sflag:$0x1] =	stream.indirect.gather [hbm4b:s1+s16], $0x80, s30, s16, $0xb8;
	[tilespmem:$0x1FF80] =	vst v63  }
0x4d: {  	s30 =	sadd.s32 $0x27D0, s29  }
0x4e: {  	[spmem:s3] =	stream.indirect.scatter.add.f32 [tilespmem:s18], [sflag:$0x6], $0x80, s30, s16, $0xb8;
	[tilespmem:$0x1FF80] =	vst v63  }
0x4f: {  	_ =	swait.ge [sflag:s21], $0x2800  }
0x50: {  	[sflag:s21] =	ssyncset.done $0x0  }
0x51: {  	[sflag:s21] =	ssyncadd.s32 $0xFFFFD800  }
0x52: {  	_ =	swait.ge [sflag:s23], $0x2800  }
0x53: {  	[sflag:s23] =	ssyncset.done $0x0  }
0x54: {  	s30 =	sadd.s32 $0x140, s29;
	[sflag:s23] =	ssyncadd.s32 $0xFFFFD800  }
0x55: {  	[tilespmem:s18], [sflag:$0x2] =	stream.indirect.gather [hbm4b:s1+s16], $0x80, s30, s16, $0xb8;
	[tilespmem:$0x1FF80] =	vst v63  }
.Ltmp0:
0x56: {  	_ = 	snop;
	(pc) =	sbr.rel @p0 .LBB2_2-.Ltmp0, $4  }
0x57: {  	s29 =	sadd.s32 $0x2820, s29  }
0x58: {  	[spmem:s3] =	stream.indirect.scatter.add.f32 [tilespmem:s20], [sflag:$0x6], $0x80, s29, s16, $0xb8;
	[tilespmem:$0x1FF80] =	vst v63  }
0x59: {  	_ =	swait.ge [sflag:s21], $0x2800  }
0x5a: {  	[sflag:s21] =	ssyncset.done $0x0  }
0x5b: {  	[sflag:s21] =	ssyncadd.s32 $0xFFFFD800  }
0x5c: {  	_ =	swait.ge [sflag:s19], $0x2800  }
0x5d: {  	[sflag:s19] =	ssyncset.done $0x0  }
0x5e: {  	[sflag:s19] =	ssyncadd.s32 $0xFFFFD800  }
0x5f: {  	[spmem:s3] =	stream.indirect.scatter.add.f32 [tilespmem:s17], [sflag:$0x6], $0x80, s24, s16, $0xb8;
	[tilespmem:$0x1FF80] =	vst v63  }
0x60: {  	_ =	swait.ge [sflag:s21], $0x2800  }
0x61: {  	[sflag:s21] =	ssyncset.done $0x0  }
0x62: {  	[sflag:s21] =	ssyncadd.s32 $0xFFFFD800  }
0x63: {  	_ =	swait.ge [sflag:s22], $0x2800  }
0x64: {  	[sflag:s22] =	ssyncset.done $0x0  }
0x65: {  	[sflag:s22] =	ssyncadd.s32 $0xFFFFD800  }
0x66: {  	[spmem:s3] =	stream.indirect.scatter.add.f32 [tilespmem:s18], [sflag:$0x6], $0x80, s25, s16, $0xb8;
	[tilespmem:$0x1FF80] =	vst v63  }
0x67: {  	_ =	swait.ge [sflag:s21], $0x2800  }
0x68: {  	s26 =	sadd.s32 $0x1, s26;
	[sflag:s21] =	ssyncset.done $0x0  }
0x69: {  	p0 =	sne.s32 s26, s11;
	[sflag:s21] =	ssyncadd.s32 $0xFFFFD800  }
.Ltmp1:
0x6a: {  	s28 =	sor.u32 $0x1C06, s8;
	[bflag:$0x0] =	sbarrier.arrive $0xFFFF;
	(pc) =	sbr.rel @p0 .LBB2_1-.Ltmp1, $4  }
0x6b: {  	[hbm:s10], [sflag:s28] =	dma.local [spmem:s13], $0x2710  }
0x6c: {  	_ =	swait.ge [sflag:s21], $0x2710  }
0x6d: {  	[sflag:s21] =	ssyncset.done $0x0  }
0x6e: {  	[sflag:s21] =	ssyncadd.s32 $0xFFFFD8F0  }
0x6f: {  	_ =	sfence.sel $0x180000  }
0x70: {  	[bflag:$0x0] =	sbarrier.arrive $0xFFFF  }
0x71: {  	p0 =	sne.s32 s0, $0x0;
	_ =	strace $0x90000047  }
0x72: {  	s0 =	sadd.s32 @!p0 $0x100000, s2;
	[bflag:$0x2] =	sbarrier.arrive $0xFFFF  }
0x73: {  	[sflag:s0] =	ssyncadd.tile.s32 @!p0 $0x1;
	_ =	shalt  }
.Lfunc_end2:
_tile_overlayer_lowered:
.L_overlay_start_2:
0x74: {  	(tag) =	ssettag $0x2  }
0x75: {  	s0 =	rddreg [dreg:$0x0];
	s2 =	stileid.u32  }
0x76: {  	s1 =	rddreg [dreg:$0x1];
	p0 =	sne.s32 s2, $0x0  }
0x77: {  	s3 =	rddreg [dreg:$0x2];
	[bflag:$0x3] =	sbarrier.arrive $0xFFFF;
	s2 =	simm.s32 @!p0 $0x1C06  }
0x78: {  	[timem:s3], [sflag:s2] =	dma.local @!p0 [hbm:s0], s1  }
0x79: {  	s0 =	simm.s32 @!p0 $0x6  }
0x7a: {  	_ =	swait.ge @!p0 [sflag:s0], s1  }
0x7b: {  	s1 =	ssub.s32 @!p0 $0x0, s1;
	[sflag:s0] =	ssyncset.done @!p0 $0x0  }
0x7c: {  	[sflag:s0] =	ssyncadd.s32 @!p0 s1  }
0x7d: {  	[bflag:$0x3] =	sbarrier.arrive $0xFFFF  }
0x7e: {  	_ =	shalt  }

// kernel: kernel.15.cloned.1.call-start
scs
__scs_entry_jumppad:
0x0: {  	(pc) =	sbr.rel $0x88, $3  }
0x1: {  	(tag) =	ssettag $0x0;
	lr =	simm.s32 $0x1  }
0x2: {  	[smem:$0x3F93] =	sst lr;
	_ =	strace $0xD0000000  }
0x3: {  	_ = 	snop  }
0x4: {  	_ = 	snop  }
0x5: {  	_ = 	snop  }
0x6: {  	_ = 	snop  }
0x7: {  	_ = 	snop  }
__scs_overlays_trampoline_lowered:
0x8: {  	[smem:$0x3FA2] =	sst s0  }
0x9: {  	[smem:$0x3FA3] =	sst s1  }
0xa: {  	[smem:$0x3FA4] =	sst s2  }
0xb: {  	[smem:$0x3FA5] =	sst s3  }
0xc: {  	[smem:$0x3FA6] =	sst s4  }
0xd: {  	[smem:$0x3FA7] =	sst s5  }
0xe: {  	[smem:$0x3FA8] =	sst s6  }
0xf: {  	[smem:$0x3FA9] =	sst s7  }
0x10: {  	[smem:$0x3FAA] =	sst s8  }
0x11: {  	[smem:$0x3FAB] =	sst s9;
	s0 =	simm.s32 @!p0 $0x0  }
0x12: {  	s1 =	sld [smem:$0x3F91];
	s0 =	simm.s32 @p0 $0x1  }
0x13: {  	[smem:$0x3FAC] =	sst s0;
	s0 =	simm.s32 @!p1 $0x0  }
0x14: {  	s2 =	sld [smem:$0x3F90];
	s0 =	simm.s32 @p1 $0x1  }
0x15: {  	[smem:$0x3FAD] =	sst s0;
	s0 =	simm.s32 @!p2 $0x0  }
0x16: {  	s3 =	sld [smem:$0x3FDB];
	s0 =	simm.s32 @p2 $0x1  }
0x17: {  	s4 =	simm.s32 $0x1BF5;
	[smem:$0x3FAF] =	sst s0  }
0x18: {  	s0 =	sld [smem:$0x3F92];
	_ =	swait.ge [sflag:s4], $0x0  }
0x19: {  	s7 =	sld [smem:$0x3F93]  }
0x1a: {  	s8 =	sadd.s32 $0xFFFFE003, lr  }
0x1b: {  	s9 =	sadd.s32 $0xFFFFFEF7, lr;
	s5 =	simm.s32 $0xFFFFFFFF;
	p2 =	slt.u32 s8, $0xFFFFF086  }
0x1c: {  	p1 =	slt.u32 s9, $0xF7A;
	s5 =	simm.s32 @!p2 $0x0  }
0x1d: {  	s5 =	simm.s32 @p1 $0x1;
	p0 =	seq.s32 s7, s2  }
0x1e: {  	s7 =	smul.u32 @!p0 $0xF7A, s2;
	p2 =	seq.s32 @!p0 s5, $0x0  }
0x1f: {  	s9 =	smul.u32 $0xF7A, s1;
	s8 =	simm.s32 @!p0 $0x1BF5;
	p2 =	por !p2, p0  }
0x20: {  	[sflag:s8] =	ssyncset.s32 @!p0 $0xFFFFF086;
	s6 =	sadd.s32 @!p0 s3, s7;
	s7 =	simm.s32 @!p0 $0x108  }
0x21: {  	s3 =	sadd.s32 s3, s9;
	s6 =	sadd.s32 @!p0 $0x88, s6;
	s7 =	simm.s32 @p2 $0x1082  }
0x22: {  	[simem:s7], [sflag:s8] =	dma.local @!p0 [hbm:s6], $0xF7A  }
0x23: {  	s9 =	sor.u32 $0xD0000000, s2;
	s6 =	simm.s32 $0x108;
	_ =	swait.ge @!p0 [sflag:s8], $0x0  }
0x24: {  	s3 =	sadd.s32 $0x88, s3;
	s6 =	simm.s32 @!p1 $0x1082;
	[sflag:s4] =	ssyncset.s32 $0xFFFFF086  }
0x25: {  	[simem:s6], [sflag:s4] =	dma.local [hbm:s3], $0xF7A  }
0x26: {  	[smem:$0x3F93] =	sst s1;
	(tag) =	ssettag s2;
	_ =	strace s9  }
0x27: {  	s1 =	sld [smem:$0x3FA3]  }
0x28: {  	s2 =	sld [smem:$0x3FA4]  }
0x29: {  	s4 =	sld [smem:$0x3FA6]  }
0x2a: {  	p0 =	seq.s32 s5, $0x0;
	s5 =	sld [smem:$0x3FA7]  }
0x2b: {  	s6 =	sld [smem:$0x3FA8]  }
0x2c: {  	s7 =	sld [smem:$0x3FA9]  }
0x2d: {  	s3 =	simm.s32 $0x108;
	s8 =	sld [smem:$0x3FAA]  }
0x2e: {  	s3 =	simm.s32 @!p0 $0x1082;
	s9 =	sld [smem:$0x3FAB]  }
0x2f: {  	lr =	sadd.s32 s0, s3;
	s0 =	sld [smem:$0x3FA2]  }
0x30: {  	s3 =	sld [smem:$0x3FA5]  }
0x31: {  	[smem:$0x3FAE] =	sst s10  }
0x32: {  	s10 =	sld [smem:$0x3FAC];
	_ =	sdelay $0x3  }
0x33: {  	p0 =	seq.s32 s10, $0x1;
	s10 =	sld [smem:$0x3FAE];
	_ =	sdelay $0x3  }
0x34: {  	[smem:$0x3FAE] =	sst s10  }
0x35: {  	s10 =	sld [smem:$0x3FAD];
	_ =	sdelay $0x3  }
0x36: {  	p1 =	seq.s32 s10, $0x1;
	s10 =	sld [smem:$0x3FAE];
	_ =	sdelay $0x3  }
0x37: {  	[smem:$0x3FAE] =	sst s10  }
0x38: {  	s10 =	sld [smem:$0x3FAF]  }
0x39: {  	_ = 	snop;
	(pc) =	sbr.ind lr, $3  }
0x3a: {  	_ = 	snop  }
0x3b: {  	_ = 	snop  }
0x3c: {  	p2 =	seq.s32 s10, $0x1;
	s10 =	sld [smem:$0x3FAE]  }
0x3d: {  	_ =	shalt  }
0x3e: {  	_ =	shalt  }
0x3f: {  	_ =	shalt  }
0x40: {  	_ =	shalt  }
0x41: {  	_ =	shalt  }
0x42: {  	_ =	shalt  }
0x43: {  	_ =	shalt  }
0x44: {  	_ =	shalt  }
0x45: {  	_ =	shalt  }
0x46: {  	_ =	shalt  }
0x47: {  	_ =	shalt  }
0x48: {  	_ =	shalt  }
0x49: {  	_ =	shalt  }
0x4a: {  	_ =	shalt  }
0x4b: {  	_ =	shalt  }
0x4c: {  	_ =	shalt  }
0x4d: {  	_ =	shalt  }
0x4e: {  	_ =	shalt  }
0x4f: {  	_ =	shalt  }
0x50: {  	_ =	shalt  }
0x51: {  	_ =	shalt  }
0x52: {  	_ =	shalt  }
0x53: {  	_ =	shalt  }
0x54: {  	_ =	shalt  }
0x55: {  	_ =	shalt  }
0x56: {  	_ =	shalt  }
0x57: {  	_ =	shalt  }
0x58: {  	_ =	shalt  }
0x59: {  	_ =	shalt  }
0x5a: {  	_ =	shalt  }
0x5b: {  	_ =	shalt  }
0x5c: {  	_ =	shalt  }
0x5d: {  	_ =	shalt  }
0x5e: {  	_ =	shalt  }
0x5f: {  	_ =	shalt  }
0x60: {  	_ =	shalt  }
0x61: {  	_ =	shalt  }
0x62: {  	_ =	shalt  }
0x63: {  	_ =	shalt  }
0x64: {  	_ =	shalt  }
0x65: {  	_ =	shalt  }
0x66: {  	_ =	shalt  }
0x67: {  	_ =	shalt  }
0x68: {  	_ =	shalt  }
0x69: {  	_ =	shalt  }
0x6a: {  	_ =	shalt  }
0x6b: {  	_ =	shalt  }
0x6c: {  	_ =	shalt  }
0x6d: {  	_ =	shalt  }
0x6e: {  	_ =	shalt  }
0x6f: {  	_ =	shalt  }
0x70: {  	_ =	shalt  }
0x71: {  	_ =	shalt  }
0x72: {  	_ =	shalt  }
0x73: {  	_ =	shalt  }
0x74: {  	_ =	shalt  }
0x75: {  	_ =	shalt  }
0x76: {  	_ =	shalt  }
0x77: {  	_ =	shalt  }
0x78: {  	_ =	shalt  }
0x79: {  	_ =	shalt  }
0x7a: {  	_ =	shalt  }
0x7b: {  	_ =	shalt  }
0x7c: {  	_ =	shalt  }
0x7d: {  	_ =	shalt  }
0x7e: {  	_ =	shalt  }
0x7f: {  	_ =	shalt  }
0x80: {  	_ =	shalt  }
0x81: {  	_ =	shalt  }
0x82: {  	_ =	shalt  }
0x83: {  	_ =	shalt  }
0x84: {  	_ =	shalt  }
0x85: {  	_ =	shalt  }
0x86: {  	_ =	shalt  }
0x87: {  	_ =	shalt  }
.Lfunc_end0:
.L_simem_size_0:
called_computation.2_lowered:
.L_overlay_start_0:
0x88: {  	s2 =	sld [smem:$0x3FD9]  }
0x89: {  	s3 =	sld [smem:$0x3FFE];
	_ =	sdelay $0x1  }
0x8a: {  	s1 =	srdreg.scid  }
0x8b: {  	s0 =	sand.u32 $0x1, s1  }
0x8c: {  	s16 =	sshll.u32 s0, $0xA;
	s2 =	sadd.s32 s3, s2  }
0x8d: {  	s2 =	sadd.s32 s2, s16  }
0x8e: {  	[smem:$0x3FBA] =	sst s2  }
0x8f: {  	_ = 	snop  }
0x90: {  	(tm) =	ssettm $0x1  }
0x91: {  	s17 =	sld [smem:$0x3FFB];
	_ =	sdelay $0x3  }
0x92: {  	_ =	strace s17  }
0x93: {  	s2 =	sld [smem:$0x3FFC];
	_ =	sdelay $0x3  }
0x94: {  	_ =	strace s2  }
0x95: {  	s2 =	sld [smem:$0x3FFD];
	_ =	sdelay $0x3  }
0x96: {  	_ =	strace s2  }
0x97: {  	_ =	strace $0x8FFFFFFF  }
0x98: {  	s18 =	sld [smem:$0x3FDB];
	_ =	sdelay $0x1  }
0x99: {  	s19 =	simm.s32 $_scs_section_size  }
0x9a: {  	s4 =	simm.s32 $_size__tile_overlayer_lowered;
	s5 =	simm.s32 $_tile_overlayer_lowered  }
0x9b: {  	s22 =	simm.s32 $0x1BFF;
	s21 =	sshll.u32 s5, $0x1;
	s2 =	sadd.s32 s19, s18  }
0x9c: {  	s6 =	simm.s32 $0x0;
	s20 =	sshll.u32 s4, $0x1;
	s4 =	sadd.s32 s21, s2  }
0x9d: {  	[timem:s6], [sflag:s22] =	dma.local [hbm:s4], s20  }
0x9e: {  	_ =	swait.ge [sflag:s22], s20  }
0x9f: {  	s3 =	ssub.s32 $0x0, s20;
	[sflag:s22] =	ssyncset.done $0x0  }
0xa0: {  	[sflag:s22] =	ssyncadd.s32 s3;
	_ =	sdelay $0x1  }
0xa1: {  	s23 =	simm.s32 $0x1B8B  }
0xa2: {  	_ =	swait.ge [sflag:s23], $0x1  }
0xa3: {  	[sflag:s23] =	ssyncset.done $0x0  }
0xa4: {  	s25 =	simm.s32 $0x1B8E;
	s24 =	sld [smem:$0x3FFE];
	[sflag:s23] =	ssyncadd.s32 $0xFFFFFFFF  }
0xa5: {  	s26 =	simm.s32 $execute0_lowered;
	[smem:$0x3FD2] =	sst s25  }
0xa6: {  	s4 =	sshll.u32 s26, $0x1;
	_ =	strace $0x8000004C;
	[dreg:$0x1] =	wrdreg $0xFFFFFFFF  }
0xa7: {  	s28 =	simm.s32 $_size_execute0_lowered;
	s2 =	sadd.s32 s2, s4;
	[dreg:$0x0] =	wrdreg $0x0  }
0xa8: {  	s4 =	sshll.u32 s28, $0x1;
	[dreg:$0x2] =	wrdreg s2  }
0xa9: {  	[dreg:$0x3] =	wrdreg s4  }
0xaa: {  	[dreg:$0x4] =	wrdreg $0xC0  }
0xab: {  	_ =	task [dreg:s6], $0x5FFFF  }
0xac: {  	[dreg:$0x1] =	wrdreg $0xFFFFFFFF  }
0xad: {  	[dreg:$0x0] =	wrdreg $0x60  }
0xae: {  	[dreg:$0x2] =	wrdreg s24  }
0xaf: {  	[dreg:$0x3] =	wrdreg $0xC7000  }
0xb0: {  	[dreg:$0x4] =	wrdreg $0x9  }
0xb1: {  	_ =	task.clear_ibuf [dreg:s6], $0x5FFFF;
	_ =	strace $0x9000004C  }
0xb2: {  	s29 =	simm.s32 $0x9;
	_ =	strace $0x8000004E  }
0xb3: {  	_ =	swait.ge [sflag:s29], $0x1  }
0xb4: {  	[sflag:s29] =	ssyncadd.s32 $0xFFFFFFFF  }
0xb5: {  	_ =	strace $0x9000004E  }
0xb6: {  	_ =	sfence  }
0xb7: {  	s30 =	sld [smem:$0x0];
	_ =	sdelay $0x2  }
0xb8: {  	s31 =	sshll.u32 s1, $0xD;
	s1 =	sshrl.u32 s1, $0x2  }
0xb9: {  	s3 =	sand.u32 $0x4000, s31;
	s1 =	sadd.s32 s1, s30  }
0xba: {  	s0 =	sor.u32 s3, s0;
	s1 =	sshll.u32 s1, $0x11  }
0xbb: {  	s0 =	sor.u32 s1, s0  }
0xbc: {  	s0 =	sadd.s32 $0x8F2B, s0  }
0xbd: {  	[sflag:s0] =	ssyncadd.remote.s32 $0x1  }
0xbe: {  	_ =	sfence.sel $0xFFFF  }
0xbf: {  	[dreg:$0x0] =	wrdreg $0xFFFFFFFF;
	(pc) =	sbr.abs _section_cstart, $3  }
0xc0: {  	[dreg:$0x1] =	wrdreg $0xFFFFFFFF  }
0xc1: {  	_ =	task.clear_ibuf [dreg:s6], $0x2FFFF;
	_ =	strace $0x9FFFFFFF  }
0xc2: {  	(tm) =	ssettm $0x7FFFFFFF  }
0xc3: {  	_ =	shalt  }
tec
execute0_lowered:
.L_overlay_start_1:
0x0: {  	(tag) =	ssettag $0x1  }
0x1: {  	s1 =	srdreg.scid;
	s6 =	rddreg [dreg:$0x0]  }
0x2: {  	s0 =	stileid.u32;
	s2 =	rddreg [dreg:$0x1]  }
0x3: {  	s3 =	simm.s32 $0x0;
	s15 =	simm.s32 $0x4;
	s16 =	simm.s32 $0x50  }
0x4: {  	s17 =	simm.s32 $0x4F00;
	s18 =	simm.s32 $0x7700;
	s19 =	simm.s32 $0x1  }
0x5: {  	s20 =	simm.s32 $0x9F00;
	s21 =	simm.s32 $0x6;
	s22 =	simm.s32 $0x2  }
0x6: {  	s23 =	simm.s32 $0x3;
	s24 =	simm.s32 $0x4DF0;
	s25 =	simm.s32 $0x4E40  }
0x7: {  	s26 =	simm.s32 $0x0;
	s5 =	sand.u32 $0x1, s1;
	s8 =	smul.u32 $0x13C00, s0  }
0x8: {  	s29 =	sshll.u32 s0, $0x1;
	[smem:$0x7FF] =	sst s3;
	s11 =	smul.u32 $0x4E200, s0  }
0x9: {  	s4 =	sadd.s32 $0x8DA00, s6;
	s1 =	sor.u32 s5, s29;
	s9 =	smul.u32 $0x13C000, s5  }
0xa: {  	s5 =	ssub.s32 $0x2, s5;
	s7 =	smul.u32 $0x4E2, s1;
	s1 =	rddreg [dreg:$0x2]  }
0xb: {  	_ =	strace $0x8000004D;
	s10 =	sshrl.u32 s8, $0x3;
	s30 =	sshrl.u32 s5, $0x1  }
0xc: {  	s31 =	sshrl.u32 s11, $0x2;
	s8 =	sadd.s32 s8, s9;
	s10 =	sadd.s32 s10, s6  }
0xd: {  	s13 =	ssub.s32 s5, s30;
	s14 =	sadd.s32 s31, s2;
	s7 =	sadd.s32 s7, s6  }
0xe: {  	s8 =	sshrl.u32 s8, $0x3;
	s11 =	smax.u32 s13, $0x1;
	s13 =	sshrl.u32 s14, $0x3  }
0xf: {  	s14 =	simm.s32 $0x5;
	s12 =	sadd.s32 s8, s6;
	s5 =	sadd.s32 $0xD400, s7  }
0x10: {  	s6 =	sadd.s32 $0x3600, s7;
	s7 =	sadd.s32 $0x17200, s10;
	s8 =	sshll.u32 s0, $0x6  }
0x11: {  	s9 =	sor.u32 $0x1C05, s8;
	s10 =	sadd.s32 $0xB4C00, s12;
	s12 =	simm.s32 $0x2780  }
.LBB2_1:
0x12: {  	[tilespmem:s3], [sflag:$0x4] =	stream.linear.gather [hbm4b:s5+s3], $0x2710, $0x38;
	[tilespmem:$0x1FF80] =	vst v63  }
0x13: {  	_ = 	snop  }
0x14: {  	[tilespmem:s12], [sflag:$0x4] =	stream.linear.gather [hbm4b:s6+s3], $0x2710, $0x38;
	[tilespmem:$0x1FF80] =	vst v63  }
0x15: {  	[spmem:s13], [sflag:s9] =	dma.local [hbm:s7], $0x2710  }
0x16: {  	_ =	swait.ge [sflag:s14], $0x2710  }
0x17: {  	[sflag:s14] =	ssyncset.done $0x0  }
0x18: {  	[sflag:s14] =	ssyncadd.s32 $0xFFFFD8F0  }
0x19: {  	[bflag:$0x0] =	sbarrier.arrive $0xFFFF  }
0x1a: {  	_ =	swait.ge [sflag:s15], $0x2710  }
0x1b: {  	[sflag:s15] =	ssyncset.done $0x0  }
0x1c: {  	[sflag:s15] =	ssyncadd.s32 $0xFFFFD8F0  }
0x1d: {  	_ =	swait.ge [sflag:s15], $0x2710  }
0x1e: {  	[sflag:s15] =	ssyncset.done $0x0  }
0x1f: {  	[sflag:s15] =	ssyncadd.s32 $0xFFFFD8F0  }
0x20: {  	[tilespmem:s17], [sflag:$0x1] =	stream.indirect.gather [hbm4b:s4+s16], $0x80, s3, s16, $0xb8;
	[tilespmem:$0x1FF80] =	vst v63  }
0x21: {  	_ = 	snop  }
0x22: {  	[tilespmem:s18], [sflag:$0x2] =	stream.indirect.gather [hbm4b:s4+s16], $0x80, s16, s16, $0xb8;
	[tilespmem:$0x1FF80] =	vst v63  }
0x23: {  	_ =	swait.ge [sflag:s19], $0x2800  }
0x24: {  	[sflag:s19] =	ssyncset.done $0x0  }
0x25: {  	s28 =	simm.s32 $0xA0;
	[sflag:s19] =	ssyncadd.s32 $0xFFFFD800  }
0x26: {  	[tilespmem:s20], [sflag:$0x3] =	stream.indirect.gather [hbm4b:s4+s16], $0x80, s28, s16, $0xb8;
	[tilespmem:$0x1FF80] =	vst v63  }
0x27: {  	s28 =	simm.s32 $0x2780  }
0x28: {  	[spmem:s2] =	stream.indirect.scatter.add.f32 [tilespmem:s17], [sflag:$0x6], $0x80, s28, s16, $0xb8;
	[tilespmem:$0x1FF80] =	vst v63  }
0x29: {  	_ =	swait.ge [sflag:s21], $0x2800  }
0x2a: {  	[sflag:s21] =	ssyncset.done $0x0  }
0x2b: {  	[sflag:s21] =	ssyncadd.s32 $0xFFFFD800  }
0x2c: {  	_ =	swait.ge [sflag:s22], $0x2800  }
0x2d: {  	[sflag:s22] =	ssyncset.done $0x0  }
0x2e: {  	s28 =	simm.s32 $0xF0;
	[sflag:s22] =	ssyncadd.s32 $0xFFFFD800  }
0x2f: {  	[tilespmem:s17], [sflag:$0x1] =	stream.indirect.gather [hbm4b:s4+s16], $0x80, s28, s16, $0xb8;
	[tilespmem:$0x1FF80] =	vst v63  }
0x30: {  	s28 =	simm.s32 $0x27D0  }
0x31: {  	[spmem:s2] =	stream.indirect.scatter.add.f32 [tilespmem:s18], [sflag:$0x6], $0x80, s28, s16, $0xb8;
	[tilespmem:$0x1FF80] =	vst v63  }
0x32: {  	_ =	swait.ge [sflag:s21], $0x2800  }
0x33: {  	[sflag:s21] =	ssyncset.done $0x0  }
0x34: {  	[sflag:s21] =	ssyncadd.s32 $0xFFFFD800  }
0x35: {  	_ =	swait.ge [sflag:s23], $0x2800  }
0x36: {  	[sflag:s23] =	ssyncset.done $0x0  }
0x37: {  	s28 =	simm.s32 $0x140;
	[sflag:s23] =	ssyncadd.s32 $0xFFFFD800  }
0x38: {  	[tilespmem:s18], [sflag:$0x2] =	stream.indirect.gather [hbm4b:s4+s16], $0x80, s28, s16, $0xb8;
	[tilespmem:$0x1FF80] =	vst v63  }
0x39: {  	s28 =	simm.s32 $0x2820  }
0x3a: {  	[spmem:s2] =	stream.indirect.scatter.add.f32 [tilespmem:s20], [sflag:$0x6], $0x80, s28, s16, $0xb8;
	[tilespmem:$0x1FF80] =	vst v63  }
0x3b: {  	_ =	swait.ge [sflag:s21], $0x2800  }
0x3c: {  	s28 =	simm.s32 $0x3C0;
	[sflag:s21] =	ssyncset.done $0x0  }
.LBB2_2:
0x3d: {  	p0 =	sne.s32 s28, $0x9600  }
0x3e: {  	[sflag:s21] =	ssyncadd.s32 $0xFFFFD800;
	s29 =	smov.u32 s28;
	s28 =	sadd.s32 $0x3C0, s28  }
0x3f: {  	_ = 	snop  }
0x40: {  	_ =	swait.ge [sflag:s19], $0x2800  }
0x41: {  	s29 =	sshra.s32 s29, $0x2;
	[sflag:s19] =	ssyncset.done $0x0  }
0x42: {  	s30 =	sadd.s32 $0xA0, s29;
	[sflag:s19] =	ssyncadd.s32 $0xFFFFD800  }
0x43: {  	[tilespmem:s20], [sflag:$0x3] =	stream.indirect.gather [hbm4b:s4+s16], $0x80, s30, s16, $0xb8;
	[tilespmem:$0x1FF80] =	vst v63  }
0x44: {  	s30 =	sadd.s32 $0x2780, s29  }
0x45: {  	[spmem:s2] =	stream.indirect.scatter.add.f32 [tilespmem:s17], [sflag:$0x6], $0x80, s30, s16, $0xb8;
	[tilespmem:$0x1FF80] =	vst v63  }
0x46: {  	_ =	swait.ge [sflag:s21], $0x2800  }
0x47: {  	[sflag:s21] =	ssyncset.done $0x0  }
0x48: {  	[sflag:s21] =	ssyncadd.s32 $0xFFFFD800  }
0x49: {  	_ =	swait.ge [sflag:s22], $0x2800  }
0x4a: {  	[sflag:s22] =	ssyncset.done $0x0  }
0x4b: {  	s30 =	sadd.s32 $0xF0, s29;
	[sflag:s22] =	ssyncadd.s32 $0xFFFFD800  }
0x4c: {  	[tilespmem:s17], [sflag:$0x1] =	stream.indirect.gather [hbm4b:s4+s16], $0x80, s30, s16, $0xb8;
	[tilespmem:$0x1FF80] =	vst v63  }
0x4d: {  	s30 =	sadd.s32 $0x27D0, s29  }
0x4e: {  	[spmem:s2] =	stream.indirect.scatter.add.f32 [tilespmem:s18], [sflag:$0x6], $0x80, s30, s16, $0xb8;
	[tilespmem:$0x1FF80] =	vst v63  }
0x4f: {  	_ =	swait.ge [sflag:s21], $0x2800  }
0x50: {  	[sflag:s21] =	ssyncset.done $0x0  }
0x51: {  	[sflag:s21] =	ssyncadd.s32 $0xFFFFD800  }
0x52: {  	_ =	swait.ge [sflag:s23], $0x2800  }
0x53: {  	[sflag:s23] =	ssyncset.done $0x0  }
0x54: {  	s30 =	sadd.s32 $0x140, s29;
	[sflag:s23] =	ssyncadd.s32 $0xFFFFD800  }
0x55: {  	[tilespmem:s18], [sflag:$0x2] =	stream.indirect.gather [hbm4b:s4+s16], $0x80, s30, s16, $0xb8;
	[tilespmem:$0x1FF80] =	vst v63  }
.Ltmp0:
0x56: {  	_ = 	snop;
	(pc) =	sbr.rel @p0 .LBB2_2-.Ltmp0, $4  }
0x57: {  	s29 =	sadd.s32 $0x2820, s29  }
0x58: {  	[spmem:s2] =	stream.indirect.scatter.add.f32 [tilespmem:s20], [sflag:$0x6], $0x80, s29, s16, $0xb8;
	[tilespmem:$0x1FF80] =	vst v63  }
0x59: {  	_ =	swait.ge [sflag:s21], $0x2800  }
0x5a: {  	[sflag:s21] =	ssyncset.done $0x0  }
0x5b: {  	[sflag:s21] =	ssyncadd.s32 $0xFFFFD800  }
0x5c: {  	_ =	swait.ge [sflag:s19], $0x2800  }
0x5d: {  	[sflag:s19] =	ssyncset.done $0x0  }
0x5e: {  	[sflag:s19] =	ssyncadd.s32 $0xFFFFD800  }
0x5f: {  	[spmem:s2] =	stream.indirect.scatter.add.f32 [tilespmem:s17], [sflag:$0x6], $0x80, s24, s16, $0xb8;
	[tilespmem:$0x1FF80] =	vst v63  }
0x60: {  	_ =	swait.ge [sflag:s21], $0x2800  }
0x61: {  	[sflag:s21] =	ssyncset.done $0x0  }
0x62: {  	[sflag:s21] =	ssyncadd.s32 $0xFFFFD800  }
0x63: {  	_ =	swait.ge [sflag:s22], $0x2800  }
0x64: {  	[sflag:s22] =	ssyncset.done $0x0  }
0x65: {  	[sflag:s22] =	ssyncadd.s32 $0xFFFFD800  }
0x66: {  	[spmem:s2] =	stream.indirect.scatter.add.f32 [tilespmem:s18], [sflag:$0x6], $0x80, s25, s16, $0xb8;
	[tilespmem:$0x1FF80] =	vst v63  }
0x67: {  	_ =	swait.ge [sflag:s21], $0x2800  }
0x68: {  	s26 =	sadd.s32 $0x1, s26;
	[sflag:s21] =	ssyncset.done $0x0  }
0x69: {  	p0 =	sne.s32 s26, s11;
	[sflag:s21] =	ssyncadd.s32 $0xFFFFD800  }
.Ltmp1:
0x6a: {  	s28 =	sor.u32 $0x1C06, s8;
	[bflag:$0x0] =	sbarrier.arrive $0xFFFF;
	(pc) =	sbr.rel @p0 .LBB2_1-.Ltmp1, $4  }
0x6b: {  	[hbm:s10], [sflag:s28] =	dma.local [spmem:s13], $0x2710  }
0x6c: {  	_ =	swait.ge [sflag:s21], $0x2710  }
0x6d: {  	[sflag:s21] =	ssyncset.done $0x0  }
0x6e: {  	[sflag:s21] =	ssyncadd.s32 $0xFFFFD8F0  }
0x6f: {  	_ =	sfence.sel $0x180000  }
0x70: {  	[bflag:$0x0] =	sbarrier.arrive $0xFFFF  }
0x71: {  	p0 =	sne.s32 s0, $0x0;
	_ =	strace $0x9000004D  }
0x72: {  	s0 =	sadd.s32 @!p0 $0x100000, s1;
	[bflag:$0x2] =	sbarrier.arrive $0xFFFF  }
0x73: {  	[sflag:s0] =	ssyncadd.tile.s32 @!p0 $0x1;
	_ =	shalt  }
.Lfunc_end2:
_tile_overlayer_lowered:
.L_overlay_start_2:
0x74: {  	(tag) =	ssettag $0x2  }
0x75: {  	s0 =	rddreg [dreg:$0x0];
	s2 =	stileid.u32  }
0x76: {  	s1 =	rddreg [dreg:$0x1];
	p0 =	sne.s32 s2, $0x0  }
0x77: {  	s3 =	rddreg [dreg:$0x2];
	[bflag:$0x3] =	sbarrier.arrive $0xFFFF;
	s2 =	simm.s32 @!p0 $0x1C06  }
0x78: {  	[timem:s3], [sflag:s2] =	dma.local @!p0 [hbm:s0], s1  }
0x79: {  	s0 =	simm.s32 @!p0 $0x6  }
0x7a: {  	_ =	swait.ge @!p0 [sflag:s0], s1  }
0x7b: {  	s1 =	ssub.s32 @!p0 $0x0, s1;
	[sflag:s0] =	ssyncset.done @!p0 $0x0  }
0x7c: {  	[sflag:s0] =	ssyncadd.s32 @!p0 s1  }
0x7d: {  	[bflag:$0x3] =	sbarrier.arrive $0xFFFF  }
0x7e: {  	_ =	shalt  }

// kernel: kernel.18.cloned.1.call-start
scs
__scs_entry_jumppad:
0x0: {  	(pc) =	sbr.rel $0x88, $3  }
0x1: {  	(tag) =	ssettag $0x0;
	lr =	simm.s32 $0x1  }
0x2: {  	[smem:$0x3F93] =	sst lr;
	_ =	strace $0xD0000000  }
0x3: {  	_ = 	snop  }
0x4: {  	_ = 	snop  }
0x5: {  	_ = 	snop  }
0x6: {  	_ = 	snop  }
0x7: {  	_ = 	snop  }
__scs_overlays_trampoline_lowered:
0x8: {  	[smem:$0x3FA2] =	sst s0  }
0x9: {  	[smem:$0x3FA3] =	sst s1  }
0xa: {  	[smem:$0x3FA4] =	sst s2  }
0xb: {  	[smem:$0x3FA5] =	sst s3  }
0xc: {  	[smem:$0x3FA6] =	sst s4  }
0xd: {  	[smem:$0x3FA7] =	sst s5  }
0xe: {  	[smem:$0x3FA8] =	sst s6  }
0xf: {  	[smem:$0x3FA9] =	sst s7  }
0x10: {  	[smem:$0x3FAA] =	sst s8  }
0x11: {  	[smem:$0x3FAB] =	sst s9;
	s0 =	simm.s32 @!p0 $0x0  }
0x12: {  	s1 =	sld [smem:$0x3F91];
	s0 =	simm.s32 @p0 $0x1  }
0x13: {  	[smem:$0x3FAC] =	sst s0;
	s0 =	simm.s32 @!p1 $0x0  }
0x14: {  	s2 =	sld [smem:$0x3F90];
	s0 =	simm.s32 @p1 $0x1  }
0x15: {  	[smem:$0x3FAD] =	sst s0;
	s0 =	simm.s32 @!p2 $0x0  }
0x16: {  	s3 =	sld [smem:$0x3FDB];
	s0 =	simm.s32 @p2 $0x1  }
0x17: {  	s4 =	simm.s32 $0x1BF5;
	[smem:$0x3FAF] =	sst s0  }
0x18: {  	s0 =	sld [smem:$0x3F92];
	_ =	swait.ge [sflag:s4], $0x0  }
0x19: {  	s7 =	sld [smem:$0x3F93]  }
0x1a: {  	s8 =	sadd.s32 $0xFFFFE003, lr  }
0x1b: {  	s9 =	sadd.s32 $0xFFFFFEF7, lr;
	s5 =	simm.s32 $0xFFFFFFFF;
	p2 =	slt.u32 s8, $0xFFFFF086  }
0x1c: {  	p1 =	slt.u32 s9, $0xF7A;
	s5 =	simm.s32 @!p2 $0x0  }
0x1d: {  	s5 =	simm.s32 @p1 $0x1;
	p0 =	seq.s32 s7, s2  }
0x1e: {  	s7 =	smul.u32 @!p0 $0xF7A, s2;
	p2 =	seq.s32 @!p0 s5, $0x0  }
0x1f: {  	s9 =	smul.u32 $0xF7A, s1;
	s8 =	simm.s32 @!p0 $0x1BF5;
	p2 =	por !p2, p0  }
0x20: {  	[sflag:s8] =	ssyncset.s32 @!p0 $0xFFFFF086;
	s6 =	sadd.s32 @!p0 s3, s7;
	s7 =	simm.s32 @!p0 $0x108  }
0x21: {  	s3 =	sadd.s32 s3, s9;
	s6 =	sadd.s32 @!p0 $0x88, s6;
	s7 =	simm.s32 @p2 $0x1082  }
0x22: {  	[simem:s7], [sflag:s8] =	dma.local @!p0 [hbm:s6], $0xF7A  }
0x23: {  	s9 =	sor.u32 $0xD0000000, s2;
	s6 =	simm.s32 $0x108;
	_ =	swait.ge @!p0 [sflag:s8], $0x0  }
0x24: {  	s3 =	sadd.s32 $0x88, s3;
	s6 =	simm.s32 @!p1 $0x1082;
	[sflag:s4] =	ssyncset.s32 $0xFFFFF086  }
0x25: {  	[simem:s6], [sflag:s4] =	dma.local [hbm:s3], $0xF7A  }
0x26: {  	[smem:$0x3F93] =	sst s1;
	(tag) =	ssettag s2;
	_ =	strace s9  }
0x27: {  	s1 =	sld [smem:$0x3FA3]  }
0x28: {  	s2 =	sld [smem:$0x3FA4]  }
0x29: {  	s4 =	sld [smem:$0x3FA6]  }
0x2a: {  	p0 =	seq.s32 s5, $0x0;
	s5 =	sld [smem:$0x3FA7]  }
0x2b: {  	s6 =	sld [smem:$0x3FA8]  }
0x2c: {  	s7 =	sld [smem:$0x3FA9]  }
0x2d: {  	s3 =	simm.s32 $0x108;
	s8 =	sld [smem:$0x3FAA]  }
0x2e: {  	s3 =	simm.s32 @!p0 $0x1082;
	s9 =	sld [smem:$0x3FAB]  }
0x2f: {  	lr =	sadd.s32 s0, s3;
	s0 =	sld [smem:$0x3FA2]  }
0x30: {  	s3 =	sld [smem:$0x3FA5]  }
0x31: {  	[smem:$0x3FAE] =	sst s10  }
0x32: {  	s10 =	sld [smem:$0x3FAC];
	_ =	sdelay $0x3  }
0x33: {  	p0 =	seq.s32 s10, $0x1;
	s10 =	sld [smem:$0x3FAE];
	_ =	sdelay $0x3  }
0x34: {  	[smem:$0x3FAE] =	sst s10  }
0x35: {  	s10 =	sld [smem:$0x3FAD];
	_ =	sdelay $0x3  }
0x36: {  	p1 =	seq.s32 s10, $0x1;
	s10 =	sld [smem:$0x3FAE];
	_ =	sdelay $0x3  }
0x37: {  	[smem:$0x3FAE] =	sst s10  }
0x38: {  	s10 =	sld [smem:$0x3FAF]  }
0x39: {  	_ = 	snop;
	(pc) =	sbr.ind lr, $3  }
0x3a: {  	_ = 	snop  }
0x3b: {  	_ = 	snop  }
0x3c: {  	p2 =	seq.s32 s10, $0x1;
	s10 =	sld [smem:$0x3FAE]  }
0x3d: {  	_ =	shalt  }
0x3e: {  	_ =	shalt  }
0x3f: {  	_ =	shalt  }
0x40: {  	_ =	shalt  }
0x41: {  	_ =	shalt  }
0x42: {  	_ =	shalt  }
0x43: {  	_ =	shalt  }
0x44: {  	_ =	shalt  }
0x45: {  	_ =	shalt  }
0x46: {  	_ =	shalt  }
0x47: {  	_ =	shalt  }
0x48: {  	_ =	shalt  }
0x49: {  	_ =	shalt  }
0x4a: {  	_ =	shalt  }
0x4b: {  	_ =	shalt  }
0x4c: {  	_ =	shalt  }
0x4d: {  	_ =	shalt  }
0x4e: {  	_ =	shalt  }
0x4f: {  	_ =	shalt  }
0x50: {  	_ =	shalt  }
0x51: {  	_ =	shalt  }
0x52: {  	_ =	shalt  }
0x53: {  	_ =	shalt  }
0x54: {  	_ =	shalt  }
0x55: {  	_ =	shalt  }
0x56: {  	_ =	shalt  }
0x57: {  	_ =	shalt  }
0x58: {  	_ =	shalt  }
0x59: {  	_ =	shalt  }
0x5a: {  	_ =	shalt  }
0x5b: {  	_ =	shalt  }
0x5c: {  	_ =	shalt  }
0x5d: {  	_ =	shalt  }
0x5e: {  	_ =	shalt  }
0x5f: {  	_ =	shalt  }
0x60: {  	_ =	shalt  }
0x61: {  	_ =	shalt  }
0x62: {  	_ =	shalt  }
0x63: {  	_ =	shalt  }
0x64: {  	_ =	shalt  }
0x65: {  	_ =	shalt  }
0x66: {  	_ =	shalt  }
0x67: {  	_ =	shalt  }
0x68: {  	_ =	shalt  }
0x69: {  	_ =	shalt  }
0x6a: {  	_ =	shalt  }
0x6b: {  	_ =	shalt  }
0x6c: {  	_ =	shalt  }
0x6d: {  	_ =	shalt  }
0x6e: {  	_ =	shalt  }
0x6f: {  	_ =	shalt  }
0x70: {  	_ =	shalt  }
0x71: {  	_ =	shalt  }
0x72: {  	_ =	shalt  }
0x73: {  	_ =	shalt  }
0x74: {  	_ =	shalt  }
0x75: {  	_ =	shalt  }
0x76: {  	_ =	shalt  }
0x77: {  	_ =	shalt  }
0x78: {  	_ =	shalt  }
0x79: {  	_ =	shalt  }
0x7a: {  	_ =	shalt  }
0x7b: {  	_ =	shalt  }
0x7c: {  	_ =	shalt  }
0x7d: {  	_ =	shalt  }
0x7e: {  	_ =	shalt  }
0x7f: {  	_ =	shalt  }
0x80: {  	_ =	shalt  }
0x81: {  	_ =	shalt  }
0x82: {  	_ =	shalt  }
0x83: {  	_ =	shalt  }
0x84: {  	_ =	shalt  }
0x85: {  	_ =	shalt  }
0x86: {  	_ =	shalt  }
0x87: {  	_ =	shalt  }
.Lfunc_end0:
.L_simem_size_0:
called_computation.3_lowered:
.L_overlay_start_0:
0x88: {  	s2 =	sld [smem:$0x3FD9]  }
0x89: {  	s3 =	sld [smem:$0x3FFE];
	_ =	sdelay $0x1  }
0x8a: {  	s1 =	srdreg.scid  }
0x8b: {  	s0 =	sand.u32 $0x1, s1  }
0x8c: {  	s16 =	sshll.u32 s0, $0xA;
	s2 =	sadd.s32 s3, s2  }
0x8d: {  	s2 =	sadd.s32 s2, s16  }
0x8e: {  	[smem:$0x3FBA] =	sst s2  }
0x8f: {  	_ = 	snop  }
0x90: {  	(tm) =	ssettm $0x1  }
0x91: {  	s17 =	sld [smem:$0x3FFB];
	_ =	sdelay $0x3  }
0x92: {  	_ =	strace s17  }
0x93: {  	s2 =	sld [smem:$0x3FFC];
	_ =	sdelay $0x3  }
0x94: {  	_ =	strace s2  }
0x95: {  	s2 =	sld [smem:$0x3FFD];
	_ =	sdelay $0x3  }
0x96: {  	_ =	strace s2  }
0x97: {  	_ =	strace $0x8FFFFFFF  }
0x98: {  	s18 =	sld [smem:$0x3FDB];
	_ =	sdelay $0x1  }
0x99: {  	s19 =	simm.s32 $_scs_section_size  }
0x9a: {  	s4 =	simm.s32 $_size__tile_overlayer_lowered;
	s5 =	simm.s32 $_tile_overlayer_lowered  }
0x9b: {  	s22 =	simm.s32 $0x1BFF;
	s21 =	sshll.u32 s5, $0x1;
	s2 =	sadd.s32 s19, s18  }
0x9c: {  	s6 =	simm.s32 $0x0;
	s20 =	sshll.u32 s4, $0x1;
	s4 =	sadd.s32 s21, s2  }
0x9d: {  	[timem:s6], [sflag:s22] =	dma.local [hbm:s4], s20  }
0x9e: {  	_ =	swait.ge [sflag:s22], s20  }
0x9f: {  	s3 =	ssub.s32 $0x0, s20;
	[sflag:s22] =	ssyncset.done $0x0  }
0xa0: {  	[sflag:s22] =	ssyncadd.s32 s3;
	_ =	sdelay $0x1  }
0xa1: {  	s23 =	simm.s32 $0x1B8B  }
0xa2: {  	_ =	swait.ge [sflag:s23], $0x1  }
0xa3: {  	[sflag:s23] =	ssyncset.done $0x0  }
0xa4: {  	s25 =	simm.s32 $0x1B8E;
	s24 =	sld [smem:$0x3FFE];
	[sflag:s23] =	ssyncadd.s32 $0xFFFFFFFF  }
0xa5: {  	s26 =	simm.s32 $execute0_lowered;
	[smem:$0x3FD2] =	sst s25  }
0xa6: {  	s4 =	sshll.u32 s26, $0x1;
	_ =	strace $0x8000004F;
	[dreg:$0x1] =	wrdreg $0xFFFFFFFF  }
0xa7: {  	s28 =	simm.s32 $_size_execute0_lowered;
	s2 =	sadd.s32 s2, s4;
	[dreg:$0x0] =	wrdreg $0x0  }
0xa8: {  	s4 =	sshll.u32 s28, $0x1;
	[dreg:$0x2] =	wrdreg s2  }
0xa9: {  	[dreg:$0x3] =	wrdreg s4  }
0xaa: {  	[dreg:$0x4] =	wrdreg $0xC0  }
0xab: {  	_ =	task [dreg:s6], $0x5FFFF  }
0xac: {  	[dreg:$0x1] =	wrdreg $0xFFFFFFFF  }
0xad: {  	[dreg:$0x0] =	wrdreg $0x60  }
0xae: {  	[dreg:$0x2] =	wrdreg s24  }
0xaf: {  	[dreg:$0x3] =	wrdreg $0xC7000  }
0xb0: {  	[dreg:$0x4] =	wrdreg $0x9  }
0xb1: {  	_ =	task.clear_ibuf [dreg:s6], $0x5FFFF;
	_ =	strace $0x9000004F  }
0xb2: {  	s29 =	simm.s32 $0x9;
	_ =	strace $0x80000051  }
0xb3: {  	_ =	swait.ge [sflag:s29], $0x1  }
0xb4: {  	[sflag:s29] =	ssyncadd.s32 $0xFFFFFFFF  }
0xb5: {  	_ =	strace $0x90000051  }
0xb6: {  	_ =	sfence  }
0xb7: {  	s30 =	sld [smem:$0x0];
	_ =	sdelay $0x2  }
0xb8: {  	s31 =	sshll.u32 s1, $0xD;
	s1 =	sshrl.u32 s1, $0x2  }
0xb9: {  	s3 =	sand.u32 $0x4000, s31;
	s1 =	sadd.s32 s1, s30  }
0xba: {  	s0 =	sor.u32 s3, s0;
	s1 =	sshll.u32 s1, $0x11  }
0xbb: {  	s0 =	sor.u32 s1, s0  }
0xbc: {  	s0 =	sadd.s32 $0x8F2B, s0  }
0xbd: {  	[sflag:s0] =	ssyncadd.remote.s32 $0x1  }
0xbe: {  	_ =	sfence.sel $0xFFFF  }
0xbf: {  	[dreg:$0x0] =	wrdreg $0xFFFFFFFF;
	(pc) =	sbr.abs _section_cstart, $3  }
0xc0: {  	[dreg:$0x1] =	wrdreg $0xFFFFFFFF  }
0xc1: {  	_ =	task.clear_ibuf [dreg:s6], $0x2FFFF;
	_ =	strace $0x9FFFFFFF  }
0xc2: {  	(tm) =	ssettm $0x7FFFFFFF  }
0xc3: {  	_ =	shalt  }
tec
execute0_lowered:
.L_overlay_start_1:
0x0: {  	(tag) =	ssettag $0x1  }
0x1: {  	s1 =	srdreg.scid;
	s6 =	rddreg [dreg:$0x0]  }
0x2: {  	s0 =	stileid.u32;
	s2 =	rddreg [dreg:$0x1]  }
0x3: {  	s3 =	simm.s32 $0x0;
	s15 =	simm.s32 $0x4;
	s16 =	simm.s32 $0x50  }
0x4: {  	s17 =	simm.s32 $0x4F00;
	s18 =	simm.s32 $0x7700;
	s19 =	simm.s32 $0x1  }
0x5: {  	s20 =	simm.s32 $0x9F00;
	s21 =	simm.s32 $0x6;
	s22 =	simm.s32 $0x2  }
0x6: {  	s23 =	simm.s32 $0x3;
	s24 =	simm.s32 $0x4DF0;
	s25 =	simm.s32 $0x4E40  }
0x7: {  	s26 =	simm.s32 $0x0;
	s5 =	sand.u32 $0x1, s1;
	s8 =	smul.u32 $0x13C00, s0  }
0x8: {  	s29 =	sshll.u32 s0, $0x1;
	[smem:$0x7FF] =	sst s3;
	s11 =	smul.u32 $0x4E200, s0  }
0x9: {  	s4 =	sadd.s32 $0x8DA00, s6;
	s1 =	sor.u32 s5, s29;
	s9 =	smul.u32 $0x13C000, s5  }
0xa: {  	s5 =	ssub.s32 $0x2, s5;
	s7 =	smul.u32 $0x4E2, s1;
	s1 =	rddreg [dreg:$0x2]  }
0xb: {  	_ =	strace $0x80000050;
	s10 =	sshrl.u32 s8, $0x3;
	s30 =	sshrl.u32 s5, $0x1  }
0xc: {  	s31 =	sshrl.u32 s11, $0x2;
	s8 =	sadd.s32 s8, s9;
	s10 =	sadd.s32 s10, s6  }
0xd: {  	s13 =	ssub.s32 s5, s30;
	s14 =	sadd.s32 s31, s2;
	s7 =	sadd.s32 s7, s6  }
0xe: {  	s8 =	sshrl.u32 s8, $0x3;
	s11 =	smax.u32 s13, $0x1;
	s13 =	sshrl.u32 s14, $0x3  }
0xf: {  	s14 =	simm.s32 $0x5;
	s12 =	sadd.s32 s8, s6;
	s5 =	sadd.s32 $0xD400, s7  }
0x10: {  	s6 =	sadd.s32 $0x3600, s7;
	s7 =	sadd.s32 $0x17200, s10;
	s8 =	sshll.u32 s0, $0x6  }
0x11: {  	s9 =	sor.u32 $0x1C05, s8;
	s10 =	sadd.s32 $0xB4C00, s12;
	s12 =	simm.s32 $0x2780  }
.LBB2_1:
0x12: {  	[tilespmem:s3], [sflag:$0x4] =	stream.linear.gather [hbm4b:s5+s3], $0x2710, $0x38;
	[tilespmem:$0x1FF80] =	vst v63  }
0x13: {  	_ = 	snop  }
0x14: {  	[tilespmem:s12], [sflag:$0x4] =	stream.linear.gather [hbm4b:s6+s3], $0x2710, $0x38;
	[tilespmem:$0x1FF80] =	vst v63  }
0x15: {  	[spmem:s13], [sflag:s9] =	dma.local [hbm:s7], $0x2710  }
0x16: {  	_ =	swait.ge [sflag:s14], $0x2710  }
0x17: {  	[sflag:s14] =	ssyncset.done $0x0  }
0x18: {  	[sflag:s14] =	ssyncadd.s32 $0xFFFFD8F0  }
0x19: {  	[bflag:$0x0] =	sbarrier.arrive $0xFFFF  }
0x1a: {  	_ =	swait.ge [sflag:s15], $0x2710  }
0x1b: {  	[sflag:s15] =	ssyncset.done $0x0  }
0x1c: {  	[sflag:s15] =	ssyncadd.s32 $0xFFFFD8F0  }
0x1d: {  	_ =	swait.ge [sflag:s15], $0x2710  }
0x1e: {  	[sflag:s15] =	ssyncset.done $0x0  }
0x1f: {  	[sflag:s15] =	ssyncadd.s32 $0xFFFFD8F0  }
0x20: {  	[tilespmem:s17], [sflag:$0x1] =	stream.indirect.gather [hbm4b:s4+s16], $0x80, s3, s16, $0xb8;
	[tilespmem:$0x1FF80] =	vst v63  }
0x21: {  	_ = 	snop  }
0x22: {  	[tilespmem:s18], [sflag:$0x2] =	stream.indirect.gather [hbm4b:s4+s16], $0x80, s16, s16, $0xb8;
	[tilespmem:$0x1FF80] =	vst v63  }
0x23: {  	_ =	swait.ge [sflag:s19], $0x2800  }
0x24: {  	[sflag:s19] =	ssyncset.done $0x0  }
0x25: {  	s28 =	simm.s32 $0xA0;
	[sflag:s19] =	ssyncadd.s32 $0xFFFFD800  }
0x26: {  	[tilespmem:s20], [sflag:$0x3] =	stream.indirect.gather [hbm4b:s4+s16], $0x80, s28, s16, $0xb8;
	[tilespmem:$0x1FF80] =	vst v63  }
0x27: {  	s28 =	simm.s32 $0x2780  }
0x28: {  	[spmem:s2] =	stream.indirect.scatter.add.f32 [tilespmem:s17], [sflag:$0x6], $0x80, s28, s16, $0xb8;
	[tilespmem:$0x1FF80] =	vst v63  }
0x29: {  	_ =	swait.ge [sflag:s21], $0x2800  }
0x2a: {  	[sflag:s21] =	ssyncset.done $0x0  }
0x2b: {  	[sflag:s21] =	ssyncadd.s32 $0xFFFFD800  }
0x2c: {  	_ =	swait.ge [sflag:s22], $0x2800  }
0x2d: {  	[sflag:s22] =	ssyncset.done $0x0  }
0x2e: {  	s28 =	simm.s32 $0xF0;
	[sflag:s22] =	ssyncadd.s32 $0xFFFFD800  }
0x2f: {  	[tilespmem:s17], [sflag:$0x1] =	stream.indirect.gather [hbm4b:s4+s16], $0x80, s28, s16, $0xb8;
	[tilespmem:$0x1FF80] =	vst v63  }
0x30: {  	s28 =	simm.s32 $0x27D0  }
0x31: {  	[spmem:s2] =	stream.indirect.scatter.add.f32 [tilespmem:s18], [sflag:$0x6], $0x80, s28, s16, $0xb8;
	[tilespmem:$0x1FF80] =	vst v63  }
0x32: {  	_ =	swait.ge [sflag:s21], $0x2800  }
0x33: {  	[sflag:s21] =	ssyncset.done $0x0  }
0x34: {  	[sflag:s21] =	ssyncadd.s32 $0xFFFFD800  }
0x35: {  	_ =	swait.ge [sflag:s23], $0x2800  }
0x36: {  	[sflag:s23] =	ssyncset.done $0x0  }
0x37: {  	s28 =	simm.s32 $0x140;
	[sflag:s23] =	ssyncadd.s32 $0xFFFFD800  }
0x38: {  	[tilespmem:s18], [sflag:$0x2] =	stream.indirect.gather [hbm4b:s4+s16], $0x80, s28, s16, $0xb8;
	[tilespmem:$0x1FF80] =	vst v63  }
0x39: {  	s28 =	simm.s32 $0x2820  }
0x3a: {  	[spmem:s2] =	stream.indirect.scatter.add.f32 [tilespmem:s20], [sflag:$0x6], $0x80, s28, s16, $0xb8;
	[tilespmem:$0x1FF80] =	vst v63  }
0x3b: {  	_ =	swait.ge [sflag:s21], $0x2800  }
0x3c: {  	s28 =	simm.s32 $0x3C0;
	[sflag:s21] =	ssyncset.done $0x0  }
.LBB2_2:
0x3d: {  	p0 =	sne.s32 s28, $0x9600  }
0x3e: {  	[sflag:s21] =	ssyncadd.s32 $0xFFFFD800;
	s29 =	smov.u32 s28;
	s28 =	sadd.s32 $0x3C0, s28  }
0x3f: {  	_ = 	snop  }
0x40: {  	_ =	swait.ge [sflag:s19], $0x2800  }
0x41: {  	s29 =	sshra.s32 s29, $0x2;
	[sflag:s19] =	ssyncset.done $0x0  }
0x42: {  	s30 =	sadd.s32 $0xA0, s29;
	[sflag:s19] =	ssyncadd.s32 $0xFFFFD800  }
0x43: {  	[tilespmem:s20], [sflag:$0x3] =	stream.indirect.gather [hbm4b:s4+s16], $0x80, s30, s16, $0xb8;
	[tilespmem:$0x1FF80] =	vst v63  }
0x44: {  	s30 =	sadd.s32 $0x2780, s29  }
0x45: {  	[spmem:s2] =	stream.indirect.scatter.add.f32 [tilespmem:s17], [sflag:$0x6], $0x80, s30, s16, $0xb8;
	[tilespmem:$0x1FF80] =	vst v63  }
0x46: {  	_ =	swait.ge [sflag:s21], $0x2800  }
0x47: {  	[sflag:s21] =	ssyncset.done $0x0  }
0x48: {  	[sflag:s21] =	ssyncadd.s32 $0xFFFFD800  }
0x49: {  	_ =	swait.ge [sflag:s22], $0x2800  }
0x4a: {  	[sflag:s22] =	ssyncset.done $0x0  }
0x4b: {  	s30 =	sadd.s32 $0xF0, s29;
	[sflag:s22] =	ssyncadd.s32 $0xFFFFD800  }
0x4c: {  	[tilespmem:s17], [sflag:$0x1] =	stream.indirect.gather [hbm4b:s4+s16], $0x80, s30, s16, $0xb8;
	[tilespmem:$0x1FF80] =	vst v63  }
0x4d: {  	s30 =	sadd.s32 $0x27D0, s29  }
0x4e: {  	[spmem:s2] =	stream.indirect.scatter.add.f32 [tilespmem:s18], [sflag:$0x6], $0x80, s30, s16, $0xb8;
	[tilespmem:$0x1FF80] =	vst v63  }
0x4f: {  	_ =	swait.ge [sflag:s21], $0x2800  }
0x50: {  	[sflag:s21] =	ssyncset.done $0x0  }
0x51: {  	[sflag:s21] =	ssyncadd.s32 $0xFFFFD800  }
0x52: {  	_ =	swait.ge [sflag:s23], $0x2800  }
0x53: {  	[sflag:s23] =	ssyncset.done $0x0  }
0x54: {  	s30 =	sadd.s32 $0x140, s29;
	[sflag:s23] =	ssyncadd.s32 $0xFFFFD800  }
0x55: {  	[tilespmem:s18], [sflag:$0x2] =	stream.indirect.gather [hbm4b:s4+s16], $0x80, s30, s16, $0xb8;
	[tilespmem:$0x1FF80] =	vst v63  }
.Ltmp0:
0x56: {  	_ = 	snop;
	(pc) =	sbr.rel @p0 .LBB2_2-.Ltmp0, $4  }
0x57: {  	s29 =	sadd.s32 $0x2820, s29  }
0x58: {  	[spmem:s2] =	stream.indirect.scatter.add.f32 [tilespmem:s20], [sflag:$0x6], $0x80, s29, s16, $0xb8;
	[tilespmem:$0x1FF80] =	vst v63  }
0x59: {  	_ =	swait.ge [sflag:s21], $0x2800  }
0x5a: {  	[sflag:s21] =	ssyncset.done $0x0  }
0x5b: {  	[sflag:s21] =	ssyncadd.s32 $0xFFFFD800  }
0x5c: {  	_ =	swait.ge [sflag:s19], $0x2800  }
0x5d: {  	[sflag:s19] =	ssyncset.done $0x0  }
0x5e: {  	[sflag:s19] =	ssyncadd.s32 $0xFFFFD800  }
0x5f: {  	[spmem:s2] =	stream.indirect.scatter.add.f32 [tilespmem:s17], [sflag:$0x6], $0x80, s24, s16, $0xb8;
	[tilespmem:$0x1FF80] =	vst v63  }
0x60: {  	_ =	swait.ge [sflag:s21], $0x2800  }
0x61: {  	[sflag:s21] =	ssyncset.done $0x0  }
0x62: {  	[sflag:s21] =	ssyncadd.s32 $0xFFFFD800  }
0x63: {  	_ =	swait.ge [sflag:s22], $0x2800  }
0x64: {  	[sflag:s22] =	ssyncset.done $0x0  }
0x65: {  	[sflag:s22] =	ssyncadd.s32 $0xFFFFD800  }
0x66: {  	[spmem:s2] =	stream.indirect.scatter.add.f32 [tilespmem:s18], [sflag:$0x6], $0x80, s25, s16, $0xb8;
	[tilespmem:$0x1FF80] =	vst v63  }
0x67: {  	_ =	swait.ge [sflag:s21], $0x2800  }
0x68: {  	s26 =	sadd.s32 $0x1, s26;
	[sflag:s21] =	ssyncset.done $0x0  }
0x69: {  	p0 =	sne.s32 s26, s11;
	[sflag:s21] =	ssyncadd.s32 $0xFFFFD800  }
.Ltmp1:
0x6a: {  	s28 =	sor.u32 $0x1C06, s8;
	[bflag:$0x0] =	sbarrier.arrive $0xFFFF;
	(pc) =	sbr.rel @p0 .LBB2_1-.Ltmp1, $4  }
0x6b: {  	[hbm:s10], [sflag:s28] =	dma.local [spmem:s13], $0x2710  }
0x6c: {  	_ =	swait.ge [sflag:s21], $0x2710  }
0x6d: {  	[sflag:s21] =	ssyncset.done $0x0  }
0x6e: {  	[sflag:s21] =	ssyncadd.s32 $0xFFFFD8F0  }
0x6f: {  	_ =	sfence.sel $0x180000  }
0x70: {  	[bflag:$0x0] =	sbarrier.arrive $0xFFFF  }
0x71: {  	p0 =	sne.s32 s0, $0x0;
	_ =	strace $0x90000050  }
0x72: {  	s0 =	sadd.s32 @!p0 $0x100000, s1;
	[bflag:$0x2] =	sbarrier.arrive $0xFFFF  }
0x73: {  	[sflag:s0] =	ssyncadd.tile.s32 @!p0 $0x1;
	_ =	shalt  }
.Lfunc_end2:
_tile_overlayer_lowered:
.L_overlay_start_2:
0x74: {  	(tag) =	ssettag $0x2  }
0x75: {  	s0 =	rddreg [dreg:$0x0];
	s2 =	stileid.u32  }
0x76: {  	s1 =	rddreg [dreg:$0x1];
	p0 =	sne.s32 s2, $0x0  }
0x77: {  	s3 =	rddreg [dreg:$0x2];
	[bflag:$0x3] =	sbarrier.arrive $0xFFFF;
	s2 =	simm.s32 @!p0 $0x1C06  }
0x78: {  	[timem:s3], [sflag:s2] =	dma.local @!p0 [hbm:s0], s1  }
0x79: {  	s0 =	simm.s32 @!p0 $0x6  }
0x7a: {  	_ =	swait.ge @!p0 [sflag:s0], s1  }
0x7b: {  	s1 =	ssub.s32 @!p0 $0x0, s1;
	[sflag:s0] =	ssyncset.done @!p0 $0x0  }
0x7c: {  	[sflag:s0] =	ssyncadd.s32 @!p0 s1  }
0x7d: {  	[bflag:$0x3] =	sbarrier.arrive $0xFFFF  }
0x7e: {  	_ =	shalt  }

// kernel: kernel.9.cloned.1.call-start
scs
__scs_entry_jumppad:
0x0: {  	(pc) =	sbr.rel $0x88, $3  }
0x1: {  	(tag) =	ssettag $0x0;
	lr =	simm.s32 $0x1  }
0x2: {  	[smem:$0x3F93] =	sst lr;
	_ =	strace $0xD0000000  }
0x3: {  	_ = 	snop  }
0x4: {  	_ = 	snop  }
0x5: {  	_ = 	snop  }
0x6: {  	_ = 	snop  }
0x7: {  	_ = 	snop  }
__scs_overlays_trampoline_lowered:
0x8: {  	[smem:$0x3FA2] =	sst s0  }
0x9: {  	[smem:$0x3FA3] =	sst s1  }
0xa: {  	[smem:$0x3FA4] =	sst s2  }
0xb: {  	[smem:$0x3FA5] =	sst s3  }
0xc: {  	[smem:$0x3FA6] =	sst s4  }
0xd: {  	[smem:$0x3FA7] =	sst s5  }
0xe: {  	[smem:$0x3FA8] =	sst s6  }
0xf: {  	[smem:$0x3FA9] =	sst s7  }
0x10: {  	[smem:$0x3FAA] =	sst s8  }
0x11: {  	[smem:$0x3FAB] =	sst s9;
	s0 =	simm.s32 @!p0 $0x0  }
0x12: {  	s1 =	sld [smem:$0x3F91];
	s0 =	simm.s32 @p0 $0x1  }
0x13: {  	[smem:$0x3FAC] =	sst s0;
	s0 =	simm.s32 @!p1 $0x0  }
0x14: {  	s2 =	sld [smem:$0x3F90];
	s0 =	simm.s32 @p1 $0x1  }
0x15: {  	[smem:$0x3FAD] =	sst s0;
	s0 =	simm.s32 @!p2 $0x0  }
0x16: {  	s3 =	sld [smem:$0x3FDB];
	s0 =	simm.s32 @p2 $0x1  }
0x17: {  	s4 =	simm.s32 $0x1BF5;
	[smem:$0x3FAF] =	sst s0  }
0x18: {  	s0 =	sld [smem:$0x3F92];
	_ =	swait.ge [sflag:s4], $0x0  }
0x19: {  	s7 =	sld [smem:$0x3F93]  }
0x1a: {  	s8 =	sadd.s32 $0xFFFFE003, lr  }
0x1b: {  	s9 =	sadd.s32 $0xFFFFFEF7, lr;
	s5 =	simm.s32 $0xFFFFFFFF;
	p2 =	slt.u32 s8, $0xFFFFF086  }
0x1c: {  	p1 =	slt.u32 s9, $0xF7A;
	s5 =	simm.s32 @!p2 $0x0  }
0x1d: {  	s5 =	simm.s32 @p1 $0x1;
	p0 =	seq.s32 s7, s2  }
0x1e: {  	s7 =	smul.u32 @!p0 $0xF7A, s2;
	p2 =	seq.s32 @!p0 s5, $0x0  }
0x1f: {  	s9 =	smul.u32 $0xF7A, s1;
	s8 =	simm.s32 @!p0 $0x1BF5;
	p2 =	por !p2, p0  }
0x20: {  	[sflag:s8] =	ssyncset.s32 @!p0 $0xFFFFF086;
	s6 =	sadd.s32 @!p0 s3, s7;
	s7 =	simm.s32 @!p0 $0x108  }
0x21: {  	s3 =	sadd.s32 s3, s9;
	s6 =	sadd.s32 @!p0 $0x88, s6;
	s7 =	simm.s32 @p2 $0x1082  }
0x22: {  	[simem:s7], [sflag:s8] =	dma.local @!p0 [hbm:s6], $0xF7A  }
0x23: {  	s9 =	sor.u32 $0xD0000000, s2;
	s6 =	simm.s32 $0x108;
	_ =	swait.ge @!p0 [sflag:s8], $0x0  }
0x24: {  	s3 =	sadd.s32 $0x88, s3;
	s6 =	simm.s32 @!p1 $0x1082;
	[sflag:s4] =	ssyncset.s32 $0xFFFFF086  }
0x25: {  	[simem:s6], [sflag:s4] =	dma.local [hbm:s3], $0xF7A  }
0x26: {  	[smem:$0x3F93] =	sst s1;
	(tag) =	ssettag s2;
	_ =	strace s9  }
0x27: {  	s1 =	sld [smem:$0x3FA3]  }
0x28: {  	s2 =	sld [smem:$0x3FA4]  }
0x29: {  	s4 =	sld [smem:$0x3FA6]  }
0x2a: {  	p0 =	seq.s32 s5, $0x0;
	s5 =	sld [smem:$0x3FA7]  }
0x2b: {  	s6 =	sld [smem:$0x3FA8]  }
0x2c: {  	s7 =	sld [smem:$0x3FA9]  }
0x2d: {  	s3 =	simm.s32 $0x108;
	s8 =	sld [smem:$0x3FAA]  }
0x2e: {  	s3 =	simm.s32 @!p0 $0x1082;
	s9 =	sld [smem:$0x3FAB]  }
0x2f: {  	lr =	sadd.s32 s0, s3;
	s0 =	sld [smem:$0x3FA2]  }
0x30: {  	s3 =	sld [smem:$0x3FA5]  }
0x31: {  	[smem:$0x3FAE] =	sst s10  }
0x32: {  	s10 =	sld [smem:$0x3FAC];
	_ =	sdelay $0x3  }
0x33: {  	p0 =	seq.s32 s10, $0x1;
	s10 =	sld [smem:$0x3FAE];
	_ =	sdelay $0x3  }
0x34: {  	[smem:$0x3FAE] =	sst s10  }
0x35: {  	s10 =	sld [smem:$0x3FAD];
	_ =	sdelay $0x3  }
0x36: {  	p1 =	seq.s32 s10, $0x1;
	s10 =	sld [smem:$0x3FAE];
	_ =	sdelay $0x3  }
0x37: {  	[smem:$0x3FAE] =	sst s10  }
0x38: {  	s10 =	sld [smem:$0x3FAF]  }
0x39: {  	_ = 	snop;
	(pc) =	sbr.ind lr, $3  }
0x3a: {  	_ = 	snop  }
0x3b: {  	_ = 	snop  }
0x3c: {  	p2 =	seq.s32 s10, $0x1;
	s10 =	sld [smem:$0x3FAE]  }
0x3d: {  	_ =	shalt  }
0x3e: {  	_ =	shalt  }
0x3f: {  	_ =	shalt  }
0x40: {  	_ =	shalt  }
0x41: {  	_ =	shalt  }
0x42: {  	_ =	shalt  }
0x43: {  	_ =	shalt  }
0x44: {  	_ =	shalt  }
0x45: {  	_ =	shalt  }
0x46: {  	_ =	shalt  }
0x47: {  	_ =	shalt  }
0x48: {  	_ =	shalt  }
0x49: {  	_ =	shalt  }
0x4a: {  	_ =	shalt  }
0x4b: {  	_ =	shalt  }
0x4c: {  	_ =	shalt  }
0x4d: {  	_ =	shalt  }
0x4e: {  	_ =	shalt  }
0x4f: {  	_ =	shalt  }
0x50: {  	_ =	shalt  }
0x51: {  	_ =	shalt  }
0x52: {  	_ =	shalt  }
0x53: {  	_ =	shalt  }
0x54: {  	_ =	shalt  }
0x55: {  	_ =	shalt  }
0x56: {  	_ =	shalt  }
0x57: {  	_ =	shalt  }
0x58: {  	_ =	shalt  }
0x59: {  	_ =	shalt  }
0x5a: {  	_ =	shalt  }
0x5b: {  	_ =	shalt  }
0x5c: {  	_ =	shalt  }
0x5d: {  	_ =	shalt  }
0x5e: {  	_ =	shalt  }
0x5f: {  	_ =	shalt  }
0x60: {  	_ =	shalt  }
0x61: {  	_ =	shalt  }
0x62: {  	_ =	shalt  }
0x63: {  	_ =	shalt  }
0x64: {  	_ =	shalt  }
0x65: {  	_ =	shalt  }
0x66: {  	_ =	shalt  }
0x67: {  	_ =	shalt  }
0x68: {  	_ =	shalt  }
0x69: {  	_ =	shalt  }
0x6a: {  	_ =	shalt  }
0x6b: {  	_ =	shalt  }
0x6c: {  	_ =	shalt  }
0x6d: {  	_ =	shalt  }
0x6e: {  	_ =	shalt  }
0x6f: {  	_ =	shalt  }
0x70: {  	_ =	shalt  }
0x71: {  	_ =	shalt  }
0x72: {  	_ =	shalt  }
0x73: {  	_ =	shalt  }
0x74: {  	_ =	shalt  }
0x75: {  	_ =	shalt  }
0x76: {  	_ =	shalt  }
0x77: {  	_ =	shalt  }
0x78: {  	_ =	shalt  }
0x79: {  	_ =	shalt  }
0x7a: {  	_ =	shalt  }
0x7b: {  	_ =	shalt  }
0x7c: {  	_ =	shalt  }
0x7d: {  	_ =	shalt  }
0x7e: {  	_ =	shalt  }
0x7f: {  	_ =	shalt  }
0x80: {  	_ =	shalt  }
0x81: {  	_ =	shalt  }
0x82: {  	_ =	shalt  }
0x83: {  	_ =	shalt  }
0x84: {  	_ =	shalt  }
0x85: {  	_ =	shalt  }
0x86: {  	_ =	shalt  }
0x87: {  	_ =	shalt  }
.Lfunc_end0:
.L_simem_size_0:
called_computation_lowered:
.L_overlay_start_0:
0x88: {  	s2 =	sld [smem:$0x3FD9]  }
0x89: {  	s3 =	sld [smem:$0x3FFE];
	_ =	sdelay $0x1  }
0x8a: {  	s1 =	srdreg.scid  }
0x8b: {  	s0 =	sand.u32 $0x1, s1  }
0x8c: {  	s17 =	sshll.u32 s0, $0xA;
	s2 =	sadd.s32 s3, s2  }
0x8d: {  	s2 =	sadd.s32 s2, s17  }
0x8e: {  	[smem:$0x3FBA] =	sst s2  }
0x8f: {  	_ = 	snop  }
0x90: {  	(tm) =	ssettm $0x1  }
0x91: {  	s18 =	sld [smem:$0x3FFB];
	_ =	sdelay $0x3  }
0x92: {  	_ =	strace s18  }
0x93: {  	s2 =	sld [smem:$0x3FFC];
	_ =	sdelay $0x3  }
0x94: {  	_ =	strace s2  }
0x95: {  	s2 =	sld [smem:$0x3FFD];
	_ =	sdelay $0x3  }
0x96: {  	_ =	strace s2  }
0x97: {  	_ =	strace $0x8FFFFFFF  }
0x98: {  	s19 =	sld [smem:$0x3FDB];
	_ =	sdelay $0x1  }
0x99: {  	s20 =	simm.s32 $_scs_section_size  }
0x9a: {  	s4 =	simm.s32 $_size__tile_overlayer_lowered;
	s5 =	simm.s32 $_tile_overlayer_lowered  }
0x9b: {  	s6 =	simm.s32 $0x1BFF;
	s21 =	sshll.u32 s5, $0x1;
	s3 =	sadd.s32 s20, s19  }
0x9c: {  	s22 =	simm.s32 $0x0;
	s4 =	sshll.u32 s4, $0x1;
	s5 =	sadd.s32 s21, s3  }
0x9d: {  	[timem:s22], [sflag:s6] =	dma.local [hbm:s5], s4  }
0x9e: {  	_ =	swait.ge [sflag:s6], s4  }
0x9f: {  	s4 =	ssub.s32 $0x0, s4;
	[sflag:s6] =	ssyncset.done $0x0  }
0xa0: {  	[sflag:s6] =	ssyncadd.s32 s4;
	_ =	sdelay $0x1  }
0xa1: {  	s23 =	simm.s32 $0x1B8B  }
0xa2: {  	_ =	swait.ge [sflag:s23], $0x1  }
0xa3: {  	[sflag:s23] =	ssyncset.done $0x0  }
0xa4: {  	[sflag:s23] =	ssyncadd.s32 $0xFFFFFFFF  }
0xa5: {  	s4 =	sld [smem:$0x0]  }
0xa6: {  	s5 =	sand.u32 $0xFFFFFFFE, s1  }
0xa7: {  	p0 =	sne.s32 s1, s5  }
0xa8: {  	s5 =	sshll.u32 @p0 s5, $0xE  }
0xa9: {  	s5 =	sadd.s32 @p0 $0x11B8D, s5;
	s6 =	sshll.u32 @p0 s4, $0x11  }
0xaa: {  	s5 =	sor.u32 @p0 s6, s5  }
0xab: {  	[sflag:s5] =	ssyncadd.remote.s32 @p0 $0x1;
	_ =	sdelay $0x1  }
0xac: {  	s5 =	simm.s32 @p0 $0x1B8D  }
0xad: {  	_ =	swait.eq @p0 [sflag:s5], $0x1  }
0xae: {  	[sflag:s5] =	ssyncadd.s32 @p0 $0xFFFFFFFF  }
0xaf: {  	s6 =	sshll.u32 @!p0 s1, $0xE  }
0xb0: {  	s6 =	sor.u32 @!p0 $0x4000, s6;
	s5 =	simm.s32 @!p0 $0x1B8D  }
0xb1: {  	s4 =	sshll.u32 @!p0 s4, $0x11;
	s6 =	sadd.s32 @!p0 $0x11B8D, s6;
	_ =	swait.eq @!p0 [sflag:s5], $0x1  }
0xb2: {  	s4 =	sor.u32 @!p0 s4, s6;
	[sflag:s5] =	ssyncadd.s32 @!p0 $0xFFFFFFFF  }
0xb3: {  	s25 =	simm.s32 $0x1B8E;
	s24 =	sld [smem:$0x3FFE];
	[sflag:s4] =	ssyncadd.remote.s32 @!p0 $0x1  }
0xb4: {  	s26 =	simm.s32 $execute0_lowered;
	[smem:$0x3FD2] =	sst s25  }
0xb5: {  	s5 =	sshll.u32 s26, $0x1;
	_ =	strace $0x80000049;
	[dreg:$0x1] =	wrdreg $0xFFFFFFFF  }
0xb6: {  	s28 =	simm.s32 $_size_execute0_lowered;
	s3 =	sadd.s32 s3, s5;
	[dreg:$0x0] =	wrdreg $0x0  }
0xb7: {  	s5 =	sshll.u32 s28, $0x1;
	[dreg:$0x2] =	wrdreg s3  }
0xb8: {  	[dreg:$0x3] =	wrdreg s5  }
0xb9: {  	[dreg:$0x4] =	wrdreg $0xC0  }
0xba: {  	_ =	task [dreg:s22], $0x5FFFF  }
0xbb: {  	[dreg:$0x1] =	wrdreg $0xFFFFFFFF  }
0xbc: {  	[dreg:$0x0] =	wrdreg $0x60  }
0xbd: {  	[dreg:$0x2] =	wrdreg s24  }
0xbe: {  	[dreg:$0x3] =	wrdreg $0x2A800  }
0xbf: {  	[dreg:$0x4] =	wrdreg $0x9  }
0xc0: {  	_ =	task.clear_ibuf [dreg:s22], $0x5FFFF;
	_ =	strace $0x90000049  }
0xc1: {  	s29 =	simm.s32 $0x9;
	_ =	strace $0x8000004B  }
0xc2: {  	_ =	swait.ge [sflag:s29], $0x1  }
0xc3: {  	[sflag:s29] =	ssyncadd.s32 $0xFFFFFFFF  }
0xc4: {  	_ =	strace $0x9000004B  }
0xc5: {  	_ =	sfence  }
0xc6: {  	s30 =	sld [smem:$0x0];
	_ =	sdelay $0x2  }
0xc7: {  	s31 =	sshll.u32 s1, $0xD;
	s1 =	sshrl.u32 s1, $0x2  }
0xc8: {  	s4 =	sand.u32 $0x4000, s31;
	s1 =	sadd.s32 s1, s30  }
0xc9: {  	s0 =	sor.u32 s4, s0;
	s1 =	sshll.u32 s1, $0x11  }
0xca: {  	s0 =	sor.u32 s1, s0  }
0xcb: {  	s0 =	sadd.s32 $0x8F2B, s0  }
0xcc: {  	[sflag:s0] =	ssyncadd.remote.s32 $0x1  }
0xcd: {  	_ =	sfence.sel $0xFFFF  }
0xce: {  	[dreg:$0x0] =	wrdreg $0xFFFFFFFF;
	(pc) =	sbr.abs _section_cstart, $3  }
0xcf: {  	[dreg:$0x1] =	wrdreg $0xFFFFFFFF  }
0xd0: {  	_ =	task.clear_ibuf [dreg:s22], $0x2FFFF;
	_ =	strace $0x9FFFFFFF  }
0xd1: {  	(tm) =	ssettm $0x7FFFFFFF  }
tec
execute0_lowered:
.L_overlay_start_1:
0x0: {  	(tag) =	ssettag $0x1  }
0x1: {  	s4 =	rddreg [dreg:$0x0]  }
0x2: {  	s2 =	rddreg [dreg:$0x1]  }
0x3: {  	s0 =	rddreg [dreg:$0x2];
	s3 =	srdreg.scid  }
0x4: {  	s1 =	stileid.u32;
	s10 =	simm.s32 $0x1;
	s11 =	simm.s32 $0x50  }
0x5: {  	s12 =	simm.s32 $0x2780;
	s13 =	simm.s32 $0x0;
	s5 =	sand.u32 $0x1, s3  }
0x6: {  	s6 =	sshll.u32 s1, $0x1;
	s7 =	smul.u32 $0x278, s1;
	s3 =	simm.s32 $0x0  }
0x7: {  	s6 =	sor.u32 s5, s6;
	s8 =	smul.u32 $0x2780, s5;
	s5 =	ssub.s32 $0x2, s5  }
0x8: {  	[smem:$0x7FF] =	sst s3;
	s6 =	smul.u32 $0x4E2, s6;
	s9 =	sshrl.u32 s5, $0x1  }
0x9: {  	_ =	strace $0x8000004A;
	s8 =	sadd.s32 s7, s8;
	s9 =	ssub.s32 s5, s9  }
0xa: {  	s5 =	sadd.s32 s7, s2;
	s6 =	sadd.s32 s6, s4;
	s8 =	sshrl.u32 s8, $0x3  }
0xb: {  	s7 =	smax.u32 s9, $0x1;
	s9 =	simm.s32 $0x2;
	s8 =	sadd.s32 s8, s4  }
0xc: {  	v0 =	vimm.f32 $1.000000000e+00;
	v1 =	vimm.f32 $0.0e+00;
	s4 =	sadd.s32 $0x3600, s6;
	s6 =	sadd.s32 $0x8DA00, s8;
	s8 =	simm.s32 $0x2800  }
.LBB2_1:
0xd: {  	[tilespmem:s3], [sflag:$0x1] =	stream.linear.gather [hbm4b:s4+s3], $0x2710, $0x38;
	[tilespmem:$0x2CF8] =	vst v63  }
0xe: {  	[tilespmem:$0x2780] =	vst v0  }
0xf: {  	[tilespmem:$0x2790] =	vst v0  }
0x10: {  	[tilespmem:$0x27A0] =	vst v0  }
0x11: {  	[tilespmem:$0x27B0] =	vst v0  }
0x12: {  	[tilespmem:$0x27C0] =	vst v0  }
0x13: {  	[tilespmem:$0x2800] =	vst v1  }
0x14: {  	[tilespmem:$0x2810] =	vst v1  }
0x15: {  	[tilespmem:$0x2820] =	vst v1  }
0x16: {  	[tilespmem:$0x2830] =	vst v1  }
0x17: {  	[tilespmem:$0x2840] =	vst v1  }
0x18: {  	[tilespmem:$0x2850] =	vst v1  }
0x19: {  	[tilespmem:$0x2860] =	vst v1  }
0x1a: {  	[tilespmem:$0x2870] =	vst v1  }
0x1b: {  	[tilespmem:$0x2880] =	vst v1  }
0x1c: {  	[tilespmem:$0x2890] =	vst v1  }
0x1d: {  	[tilespmem:$0x28A0] =	vst v1  }
0x1e: {  	[tilespmem:$0x28B0] =	vst v1  }
0x1f: {  	[tilespmem:$0x28C0] =	vst v1  }
0x20: {  	[tilespmem:$0x28D0] =	vst v1  }
0x21: {  	[tilespmem:$0x28E0] =	vst v1  }
0x22: {  	[tilespmem:$0x28F0] =	vst v1  }
0x23: {  	[tilespmem:$0x2900] =	vst v1  }
0x24: {  	[tilespmem:$0x2910] =	vst v1  }
0x25: {  	[tilespmem:$0x2920] =	vst v1  }
0x26: {  	[tilespmem:$0x2930] =	vst v1  }
0x27: {  	[tilespmem:$0x2940] =	vst v1  }
0x28: {  	[tilespmem:$0x2950] =	vst v1  }
0x29: {  	[tilespmem:$0x2960] =	vst v1  }
0x2a: {  	[tilespmem:$0x2970] =	vst v1  }
0x2b: {  	[tilespmem:$0x2980] =	vst v1  }
0x2c: {  	[tilespmem:$0x2990] =	vst v1  }
0x2d: {  	[tilespmem:$0x29A0] =	vst v1  }
0x2e: {  	[tilespmem:$0x29B0] =	vst v1  }
0x2f: {  	[tilespmem:$0x29C0] =	vst v1  }
0x30: {  	[tilespmem:$0x29D0] =	vst v1  }
0x31: {  	[tilespmem:$0x29E0] =	vst v1  }
0x32: {  	[tilespmem:$0x29F0] =	vst v1  }
0x33: {  	[tilespmem:$0x2A00] =	vst v1  }
0x34: {  	[tilespmem:$0x2A10] =	vst v1  }
0x35: {  	[tilespmem:$0x2A20] =	vst v1  }
0x36: {  	[tilespmem:$0x2A30] =	vst v1  }
0x37: {  	[tilespmem:$0x2A40] =	vst v1  }
0x38: {  	[tilespmem:$0x2A50] =	vst v1  }
0x39: {  	[tilespmem:$0x2A60] =	vst v1  }
0x3a: {  	[tilespmem:$0x2A70] =	vst v1  }
0x3b: {  	[spmem:s5] =	stream.linear.scatter [tilespmem:s8], [sflag:$0x2], $0x278, $0x38;
	[tilespmem:$0x2CF8] =	vst v63  }
0x3c: {  	_ =	swait.ge [sflag:s9], $0x278  }
0x3d: {  	[sflag:s9] =	ssyncset.done $0x0  }
0x3e: {  	[sflag:s9] =	ssyncadd.s32 $0xFFFFFD88  }
0x3f: {  	_ =	swait.ge [sflag:s10], $0x2710  }
0x40: {  	[sflag:s10] =	ssyncset.done $0x0  }
0x41: {  	[sflag:s10] =	ssyncadd.s32 $0xFFFFD8F0  }
0x42: {  	s14 =	simm.s32 $0x0;
	[bflag:$0x0] =	sbarrier.arrive $0xFFFF  }
0x43: {  	[spmem:s2] =	stream.indirect.scatter.add.f32 [tilespmem:s12], [sflag:$0x2], $0x1, s14, s11, $0xb8;
	[tilespmem:$0x2CF8] =	vst v63  }
0x44: {  	_ =	swait.ge [sflag:s9], $0x50  }
0x45: {  	s14 =	simm.s32 $0x140;
	[sflag:s9] =	ssyncset.done $0x0  }
.LBB2_2:
0x46: {  	s15 =	sshra.s32 s14, $0x2;
	[sflag:s9] =	ssyncadd.s32 $0xFFFFFFB0;
	p0 =	sne.s32 s14, $0x9B00  }
0x47: {  	[spmem:s2] =	stream.indirect.scatter.add.f32 [tilespmem:s12], [sflag:$0x2], $0x1, s15, s11, $0xb8;
	[tilespmem:$0x2CF8] =	vst v63  }
.Ltmp0:
0x48: {  	_ = 	snop;
	(pc) =	sbr.rel @p0 .LBB2_2-.Ltmp0, $4  }
0x49: {  	_ = 	snop  }
0x4a: {  	s14 =	sadd.s32 $0x140, s14  }
0x4b: {  	_ =	swait.ge [sflag:s9], $0x50  }
0x4c: {  	[sflag:s9] =	ssyncset.done $0x0  }
0x4d: {  	[sflag:s9] =	ssyncadd.s32 $0xFFFFFFB0  }
0x4e: {  	[bflag:$0x0] =	sbarrier.arrive $0xFFFF  }
0x4f: {  	[tilespmem:s8], [sflag:$0x2] =	stream.linear.gather [spmem:s5], $0x278, $0x38;
	[tilespmem:$0x2CF8] =	vst v63  }
0x50: {  	s13 =	sadd.s32 $0x1, s13;
	_ =	swait.ge [sflag:s9], $0x278  }
0x51: {  	p0 =	sne.s32 s13, s7;
	[sflag:s9] =	ssyncset.done $0x0  }
.Ltmp1:
0x52: {  	[sflag:s9] =	ssyncadd.s32 $0xFFFFFD88;
	(pc) =	sbr.rel @p0 .LBB2_1-.Ltmp1, $4  }
0x53: {  	[hbm4b:s6+s3] =	stream.linear.scatter [tilespmem:s8], [sflag:$0x2], $0x278, $0x38;
	[tilespmem:$0x2CF8] =	vst v63  }
0x54: {  	_ =	swait.ge [sflag:s9], $0x278  }
0x55: {  	[sflag:s9] =	ssyncset.done $0x0  }
0x56: {  	[sflag:s9] =	ssyncadd.s32 $0xFFFFFD88  }
0x57: {  	_ =	sfence.sel $0x180000  }
0x58: {  	[bflag:$0x0] =	sbarrier.arrive $0xFFFF  }
0x59: {  	p0 =	sne.s32 s1, $0x0;
	_ =	strace $0x9000004A  }
0x5a: {  	s0 =	sadd.s32 @!p0 $0x100000, s0;
	[bflag:$0x2] =	sbarrier.arrive $0xFFFF  }
0x5b: {  	[sflag:s0] =	ssyncadd.tile.s32 @!p0 $0x1;
	_ =	shalt  }
.Lfunc_end2:
_tile_overlayer_lowered:
.L_overlay_start_2:
0x5c: {  	(tag) =	ssettag $0x2  }
0x5d: {  	s0 =	rddreg [dreg:$0x0];
	s2 =	stileid.u32  }
0x5e: {  	s1 =	rddreg [dreg:$0x1];
	p0 =	sne.s32 s2, $0x0  }
0x5f: {  	s3 =	rddreg [dreg:$0x2];
	[bflag:$0x3] =	sbarrier.arrive $0xFFFF;
	s2 =	simm.s32 @!p0 $0x1C02  }
0x60: {  	[timem:s3], [sflag:s2] =	dma.local @!p0 [hbm:s0], s1  }
0x61: {  	s0 =	simm.s32 @!p0 $0x2  }
0x62: {  	_ =	swait.ge @!p0 [sflag:s0], s1  }
0x63: {  	s1 =	ssub.s32 @!p0 $0x0, s1;
	[sflag:s0] =	ssyncset.done @!p0 $0x0  }
0x64: {  	[sflag:s0] =	ssyncadd.s32 @!p0 s1  }
0x65: {  	[bflag:$0x3] =	sbarrier.arrive $0xFFFF  }
0x66: {  	_ =	shalt  }

</sc_bundles>
